<compile_context>
chip_gen: v7x
topology: tpu7x:2x2x1
jax: 0.10.2.dev20260603
libtpu: 0.0.44.dev20260713+nightly
codegen_flags: <defaults>
</compile_context>

<pallas_src>
import dataclasses

import jax
import jax.numpy as jnp
from jax import lax
from jax.experimental import pallas as pl
from jax.experimental.pallas import tpu as pltpu
from jax.experimental.pallas import tpu_sc as plsc

N = 10000
E = 320000
F_IN = 128
HEADS = 8
HID = 16
NUM_CLASSES = 64

N1 = 10240
CHUNK = 112
NBUF = 2
NTILES = 32
E_TOT = E
_REAL_CH = -(-E_TOT // (NTILES * CHUNK))
NALL = -(-_REAL_CH // NBUF) * NBUF
PER_TILE = NALL * CHUNK
E_PAD = NTILES * PER_TILE

_f32 = jnp.float32
_i32 = jnp.int32

_MESH = plsc.VectorSubcoreMesh(core_axis_name="c", subcore_axis_name="s")

_GDN = lax.GatherDimensionNumbers(
    offset_dims=(), collapsed_slice_dims=(0,), start_index_map=(0,))

_SC_CP = pltpu.CompilerParams()
for _fld, _val in (("needs_layout_passes", False), ("use_tc_tiling_on_sc", False)):
    if _fld in pltpu.CompilerParams.__dataclass_fields__:
        _SC_CP = dataclasses.replace(_SC_CP, **{_fld: _val})


def _make_sc_body(width, fdim):
    heads8 = fdim == 128
    HA = 64
    HB = CHUNK - HA

    def body(hx_hbm, ad_hbm, si_hbm, di_hbm, z_hbm, out_hbm,
             si0, di0, sa0, sb0, hx0, bv0, si1, di1, sa1, sb1, hx1, bv1, acc,
             is0, gs0, ss0, is1, gs1, ss1):
        c = lax.axis_index("c")
        s = lax.axis_index("s")
        w = c * 16 + s
        rows = N1 // 16
        pltpu.sync_copy(z_hbm.at[pl.ds(s * rows, rows)],
                        acc.at[pl.ds(s * rows, rows)])
        plsc.subcore_barrier()
        base = w * PER_TILE

        bufs = ((si0, di0, (sa0, sb0), hx0, bv0, is0, gs0, ss0),
                (si1, di1, (sa1, sb1), hx1, bv1, is1, gs1, ss1))


        def idx_start(g, B):
            off = base + g * CHUNK
            pltpu.make_async_copy(si_hbm.at[pl.ds(off, CHUNK)], B[0], B[5]).start()
            pltpu.make_async_copy(di_hbm.at[pl.ds(off, CHUNK)], B[1], B[5]).start()

        def idx_wait(B):
            pltpu.make_async_copy(si_hbm.at[pl.ds(base, CHUNK)], B[0], B[5]).wait()
            pltpu.make_async_copy(di_hbm.at[pl.ds(base, CHUNK)], B[1], B[5]).wait()

        def gat_start(B):
            pltpu.make_async_copy(hx_hbm.at[B[0]], B[3], B[6]).start()
            pltpu.make_async_copy(ad_hbm.at[B[1]], B[4], B[6]).start()

        def gat_wait(B):
            pltpu.make_async_copy(hx_hbm.at[B[0]], B[3], B[6]).wait()
            pltpu.make_async_copy(ad_hbm.at[B[1]], B[4], B[6]).wait()

        def sct_wait(B):
            sda, sdb2 = B[2]
            pltpu.make_async_copy(B[3].at[pl.ds(0, HA)], acc.at[sda],
                                  B[7]).wait()
            pltpu.make_async_copy(B[3].at[pl.ds(HA, HB)], acc.at[sdb2],
                                  B[7]).wait()

        def half_compute(B, lo, hi):
            dib, (sda, sdb2), hxb, bvb = B[1], B[2], B[3], B[4]
            sdx = sda if lo == 0 else sdb2

            @pl.loop(0, (hi - lo) // 16)
            def _(t):
                sdx[pl.ds(t * 16, 16)] = dib[pl.ds(lo + t * 16, 16)]

            @plsc.parallel_loop(lo, hi, unroll=2)
            def _(j):
                al = hxb[j, pl.ds(fdim, 16)] + bvb[j]
                al = jnp.maximum(al, al * 0.2)
                ex = jnp.exp(al)
                hxb[j, pl.ds(fdim, 16)] = ex
                if heads8:
                    for hh in range(8):
                        lane = jnp.full((16, 1), hh, _i32)
                        wv = lax.gather(
                            ex, lane, _GDN, slice_sizes=(1,),
                            mode=lax.GatherScatterMode.PROMISE_IN_BOUNDS)
                        hxb[j, pl.ds(16 * hh, 16)] = \
                            wv * hxb[j, pl.ds(16 * hh, 16)]
                else:
                    for q in range(4):
                        hxb[j, pl.ds(16 * q, 16)] = \
                            ex * hxb[j, pl.ds(16 * q, 16)]

        idx_start(0, bufs[0])
        idx_start(1, bufs[1])
        idx_wait(bufs[0])
        gat_start(bufs[0])

        @pl.loop(0, NALL, step=NBUF)
        def _(g):
            for half in range(NBUF):
                gg = g + half
                B = bufs[half]
                NB = bufs[(half + 1) % NBUF]

                @pl.when(jnp.logical_and(gg >= NBUF - 1, gg + 1 < NALL))
                def _():
                    sct_wait(NB)

                @pl.when(gg + 1 < NALL)
                def _():
                    idx_wait(NB)
                    gat_start(NB)

                gat_wait(B)
                half_compute(B, 0, HA)
                pltpu.make_async_copy(B[3].at[pl.ds(0, HA)], acc.at[B[2][0]],
                                      B[7]).start(add=True)
                half_compute(B, HA, CHUNK)
                pltpu.make_async_copy(B[3].at[pl.ds(HA, HB)], acc.at[B[2][1]],
                                      B[7]).start(add=True)

                @pl.when(gg + 2 < NALL)
                def _():
                    idx_start(gg + 2, bufs[(half + 2) % NBUF])

        for bb in range(NBUF):
            sct_wait(bufs[bb])
        plsc.subcore_barrier()
        pltpu.sync_copy(acc.at[pl.ds(s * rows, rows)],
                        out_hbm.at[c, pl.ds(s * rows, rows)])

    return body


def _sc_layer(hx, ad, si, di, zeros, width, fdim):
    k = pl.kernel(
        _make_sc_body(width, fdim),
        out_type=jax.ShapeDtypeStruct((2, N1, width), _f32),
        mesh=_MESH,
        compiler_params=_SC_CP,
        scratch_types=(
            [pltpu.VMEM((CHUNK,), _i32),
             pltpu.VMEM((CHUNK,), _i32),
             pltpu.VMEM((64,), _i32),
             pltpu.VMEM((CHUNK - 64,), _i32),
             pltpu.VMEM((CHUNK, width), _f32),
             pltpu.VMEM((CHUNK, 16), _f32)] * NBUF
            + [pltpu.VMEM_SHARED((N1, width), _f32)]
            + [pltpu.SemaphoreType.DMA] * (3 * NBUF)
        ),
    )
    return k(hx, ad, si, di, zeros)


_BM = 1024


def _stA_body(x_ref, w_ref, as_ref, ad_ref, e8_ref, hx_ref, b_ref, init_ref):
    h = jnp.dot(x_ref[...], w_ref[...], preferred_element_type=_f32)
    sa = jnp.dot(h, as_ref[...], preferred_element_type=_f32)
    sb = jnp.dot(h, ad_ref[...], preferred_element_type=_f32)
    neg = jnp.full((_BM, 8), -1e30, _f32)
    hx_ref[...] = jnp.concatenate([h, sa, neg], axis=1)
    b_ref[...] = jnp.concatenate([sb, neg], axis=1)
    als = sa + sb
    exs = 0.5 * jnp.exp(jnp.maximum(als, 0.2 * als))
    ex128 = jnp.dot(exs, e8_ref[...], preferred_element_type=_f32)
    init_ref[...] = jnp.concatenate(
        [ex128 * h, exs, jnp.zeros((_BM, 8), _f32)], axis=1)


def _stage_a(x_p, W1, As1, Ad1, E8):
    return pl.pallas_call(
        _stA_body,
        grid=(N1 // _BM,),
        in_specs=[
            pl.BlockSpec((_BM, F_IN), lambda i: (i, 0)),
            pl.BlockSpec((F_IN, 128), lambda i: (0, 0)),
            pl.BlockSpec((128, 8), lambda i: (0, 0)),
            pl.BlockSpec((128, 8), lambda i: (0, 0)),
            pl.BlockSpec((8, 128), lambda i: (0, 0)),
        ],
        out_specs=[
            pl.BlockSpec((_BM, 144), lambda i: (i, 0)),
            pl.BlockSpec((_BM, 16), lambda i: (i, 0)),
            pl.BlockSpec((_BM, 144), lambda i: (i, 0)),
        ],
        out_shape=[
            jax.ShapeDtypeStruct((N1, 144), _f32),
            jax.ShapeDtypeStruct((N1, 16), _f32),
            jax.ShapeDtypeStruct((N1, 144), _f32),
        ],
    )(x_p, W1, As1, Ad1, E8)


def _stB_body(acc_ref, b1_ref, w2_ref, a2s_ref, a2d_ref, e8_ref,
              hx_ref, b_ref, init_ref):
    accs = acc_ref[0] + acc_ref[1]
    msg = accs[:, :128]
    den = accs[:, 128:136]
    den128 = jnp.dot(den, e8_ref[...], preferred_element_type=_f32)
    y = msg / (den128 + 1e-16) + b1_ref[...]
    y = jnp.maximum(y, 0.01 * y)
    h2 = jnp.dot(y, w2_ref[...], preferred_element_type=_f32)
    sa = jnp.dot(h2, a2s_ref[...], preferred_element_type=_f32)
    sb = jnp.dot(h2, a2d_ref[...], preferred_element_type=_f32)
    hx_ref[...] = jnp.concatenate([h2, sa], axis=1)
    b_ref[...] = sb
    als = sa + sb
    exs = 0.5 * jnp.exp(jnp.maximum(als, 0.2 * als))
    init_ref[...] = jnp.concatenate([exs[:, 0:1] * h2, exs], axis=1)


def _stage_b(acc1, b1, W2, A2s, A2d, E8):
    return pl.pallas_call(
        _stB_body,
        grid=(N1 // _BM,),
        in_specs=[
            pl.BlockSpec((2, _BM, 144), lambda i: (0, i, 0)),
            pl.BlockSpec((1, 128), lambda i: (0, 0)),
            pl.BlockSpec((128, 64), lambda i: (0, 0)),
            pl.BlockSpec((64, 16), lambda i: (0, 0)),
            pl.BlockSpec((64, 16), lambda i: (0, 0)),
            pl.BlockSpec((8, 128), lambda i: (0, 0)),
        ],
        out_specs=[
            pl.BlockSpec((_BM, 80), lambda i: (i, 0)),
            pl.BlockSpec((_BM, 16), lambda i: (i, 0)),
            pl.BlockSpec((_BM, 80), lambda i: (i, 0)),
        ],
        out_shape=[
            jax.ShapeDtypeStruct((N1, 80), _f32),
            jax.ShapeDtypeStruct((N1, 16), _f32),
            jax.ShapeDtypeStruct((N1, 80), _f32),
        ],
    )(acc1, b1, W2, A2s, A2d, E8)


def _stC_body(acc_ref, b2_ref, o_ref):
    accs = acc_ref[0] + acc_ref[1]
    msg = accs[:, :64]
    den = accs[:, 64:65]
    logits = msg / (den + 1e-16) + b2_ref[...]
    m = jnp.max(logits, axis=1, keepdims=True)
    e = jnp.exp(logits - m)
    o_ref[...] = e / jnp.sum(e, axis=1, keepdims=True)


def _stage_c(acc2, b2):
    return pl.pallas_call(
        _stC_body,
        grid=(N1 // _BM,),
        in_specs=[
            pl.BlockSpec((2, _BM, 80), lambda i: (0, i, 0)),
            pl.BlockSpec((1, 64), lambda i: (0, 0)),
        ],
        out_specs=pl.BlockSpec((_BM, 64), lambda i: (i, 0)),
        out_shape=jax.ShapeDtypeStruct((N1, 64), _f32),
    )(acc2, b2)


def kernel(x, edge_index, W1, att_src1, att_dst1, b1, W2, att_src2, att_dst2, b2):
    src = edge_index[0].astype(_i32)
    dst = edge_index[1].astype(_i32)
    fill = N + (jnp.arange(E_PAD - E_TOT, dtype=_i32) % (N1 - N))
    si = jnp.concatenate([src, fill])
    di = jnp.concatenate([dst, fill])

    x_p = jnp.pad(x, ((0, N1 - N), (0, 0)))

    eye8 = jnp.eye(8, dtype=_f32)
    As1 = (att_src1.reshape(8, 16)[:, :, None] * eye8[:, None, :]).reshape(128, 8)
    Ad1 = (att_dst1.reshape(8, 16)[:, :, None] * eye8[:, None, :]).reshape(128, 8)
    E8 = jnp.repeat(eye8, 16, axis=1)
    A2s = jnp.tile(att_src2.reshape(64, 1), (1, 16))
    A2d = jnp.tile(att_dst2.reshape(64, 1), (1, 16))

    hx1, ad1, init1 = _stage_a(x_p, W1, As1, Ad1, E8)
    acc1 = _sc_layer(hx1, ad1, si, di, init1, 144, 128)
    hx2, ad2, init2 = _stage_b(acc1, b1.reshape(1, 128), W2, A2s, A2d, E8)
    acc2 = _sc_layer(hx2, ad2, si, di, init2, 80, 64)
    out = _stage_c(acc2, b2.reshape(1, 64))
    return out[:N]

# --- scband reference (transcript-rebuilt; emitter-appended) ---
"""Pipeline reference for scband-gat-71597104824719 (READ-ONLY COPY).

The authoritative reference and input builder live on the scoring server;
editing this copy changes nothing except your own understanding.
"""

import jax, jax.numpy as jnp
import numpy as np

N = 10000
E = 320000
F_IN = 128
HID = 16
HEADS = 8
NUM_CLASSES = 64


def gat_conv(x, src, dst, W, att_src, att_dst, bias, heads, out_ch, negative_slope=0.2):
    # PyG GATConv with add_self_loops=True, concat=True, eval mode (no dropout)
    n = x.shape[0]
    loop = jnp.arange(n, dtype=src.dtype)
    s = jnp.concatenate([src, loop])
    d = jnp.concatenate([dst, loop])
    h = (x @ W).reshape(n, heads, out_ch)
    a_src = jnp.sum(h * att_src, axis=-1)  # [N, H]
    a_dst = jnp.sum(h * att_dst, axis=-1)  # [N, H]
    alpha = a_src[s] + a_dst[d]            # [E+N, H]
    alpha = jax.nn.leaky_relu(alpha, negative_slope)
    amax = jax.ops.segment_max(alpha, d, num_segments=n)
    amax = jnp.where(jnp.isfinite(amax), amax, 0.0)
    ex = jnp.exp(alpha - amax[d])
    denom = jax.ops.segment_sum(ex, d, num_segments=n)
    coef = ex / (denom[d] + 1e-16)         # softmax over incoming edges per dst, per head
    msg = h[s] * coef[:, :, None]
    out = jax.ops.segment_sum(msg, d, num_segments=n)
    return out.reshape(n, heads * out_ch) + bias


def setup_inputs(seed: int = 0) -> dict:
    key = jax.random.key(seed)
    ks = jax.random.split(key, 12)
    x = jax.random.normal(ks[0], (N, F_IN), dtype=jnp.float32)
    edge_index = jax.random.randint(ks[1], (2, E), 0, N)
    # layer 1: GATConv(F_IN -> HID, heads=HEADS, concat=True)
    W1 = jax.random.normal(ks[2], (F_IN, HEADS * HID), dtype=jnp.float32) * (1.0 / np.sqrt(F_IN))
    att_src1 = jax.random.normal(ks[3], (1, HEADS, HID), dtype=jnp.float32) * (1.0 / np.sqrt(HID))
    att_dst1 = jax.random.normal(ks[4], (1, HEADS, HID), dtype=jnp.float32) * (1.0 / np.sqrt(HID))
    b1 = jnp.zeros((HEADS * HID,), dtype=jnp.float32)
    # layer 2: GATConv(HEADS*HID -> NUM_CLASSES, heads=1, concat=True)
    W2 = jax.random.normal(ks[5], (HEADS * HID, NUM_CLASSES), dtype=jnp.float32) * (1.0 / np.sqrt(HEADS * HID))
    att_src2 = jax.random.normal(ks[6], (1, 1, NUM_CLASSES), dtype=jnp.float32) * (1.0 / np.sqrt(NUM_CLASSES))
    att_dst2 = jax.random.normal(ks[7], (1, 1, NUM_CLASSES), dtype=jnp.float32) * (1.0 / np.sqrt(NUM_CLASSES))
    b2 = jnp.zeros((NUM_CLASSES,), dtype=jnp.float32)
    return {"x": x, "edge_index": edge_index, "W1": W1, "att_src1": att_src1,
            "att_dst1": att_dst1, "b1": b1, "W2": W2, "att_src2": att_src2,
            "att_dst2": att_dst2, "b2": b2}


def reference(x, edge_index, W1, att_src1, att_dst1, b1, W2, att_src2, att_dst2, b2):
    src = edge_index[0]
    dst = edge_index[1]
    h = gat_conv(x, src, dst, W1, att_src1, att_dst1, b1, HEADS, HID)
    h = jax.nn.leaky_relu(h, 0.01)  # F.leaky_relu default slope
    h = gat_conv(h, src, dst, W2, att_src2, att_dst2, b2, 1, NUM_CLASSES)
    return jax.nn.softmax(h, axis=1)

if __name__ == "__main__":
    import jax
    _d = setup_inputs()
    print(jax.jit(kernel)(*tuple(_d.values())))

</pallas_src>

<mosaic_0001>
#map = affine_map<(d0, d1) -> (0, 0)>
#map1 = affine_map<(d0, d1) -> (0)>
#map2 = affine_map<(d0, d1) -> (0, 0, 0)>
module attributes {stable_mosaic.version = 14 : i64} {
  func.func @body(%arg0: i32, %arg1: i32, %arg2: memref<10240x144xf32, #tpu.memory_space<hbm>>, %arg3: memref<10240x16xf32, #tpu.memory_space<hbm>>, %arg4: memref<322560xi32, #tpu.memory_space<hbm>>, %arg5: memref<322560xi32, #tpu.memory_space<hbm>>, %arg6: memref<10240x144xf32, #tpu.memory_space<hbm>>, %arg7: memref<2x10240x144xf32, #tpu.memory_space<hbm>>, %arg8: memref<112xi32, #tpu.memory_space<vmem>>, %arg9: memref<112xi32, #tpu.memory_space<vmem>>, %arg10: memref<64xi32, #tpu.memory_space<vmem>>, %arg11: memref<48xi32, #tpu.memory_space<vmem>>, %arg12: memref<112x144xf32, #tpu.memory_space<vmem>>, %arg13: memref<112x16xf32, #tpu.memory_space<vmem>>, %arg14: memref<112xi32, #tpu.memory_space<vmem>>, %arg15: memref<112xi32, #tpu.memory_space<vmem>>, %arg16: memref<64xi32, #tpu.memory_space<vmem>>, %arg17: memref<48xi32, #tpu.memory_space<vmem>>, %arg18: memref<112x144xf32, #tpu.memory_space<vmem>>, %arg19: memref<112x16xf32, #tpu.memory_space<vmem>>, %arg20: memref<10240x144xf32, #tpu.memory_space<vmem_shared>>, %arg21: memref<!tpu.dma_semaphore, #tpu.memory_space<semaphore_mem>>, %arg22: memref<!tpu.dma_semaphore, #tpu.memory_space<semaphore_mem>>, %arg23: memref<!tpu.dma_semaphore, #tpu.memory_space<semaphore_mem>>, %arg24: memref<!tpu.dma_semaphore, #tpu.memory_space<semaphore_mem>>, %arg25: memref<!tpu.dma_semaphore, #tpu.memory_space<semaphore_mem>>, %arg26: memref<!tpu.dma_semaphore, #tpu.memory_space<semaphore_mem>>) attributes {dimension_semantics = [#tpu.dimension_semantics<core_parallel>, #tpu.dimension_semantics<subcore_parallel>], iteration_bounds = array<i64: 2, 16>, scalar_prefetch = 0 : i64, scratch_operands = 19 : i64, tpu.core_type = #tpu.core_type<sc_vector_subcore>, window_params = [{transform_indices = #map}, {transform_indices = #map}, {transform_indices = #map1}, {transform_indices = #map1}, {transform_indices = #map}, {transform_indices = #map2}]} {
    %mul3A = arith.constant 16 : i32
    %mul3A_0 = arith.muli %arg0, %mul3A : i32
    %add3A = arith.addi %mul3A_0, %arg1 : i32
    %mul3A_1 = arith.constant 640 : i32
    %mul3A_2 = arith.muli %arg1, %mul3A_1 : i32
    %mul3A_3 = arith.constant 640 : i32
    %mul3A_4 = arith.muli %arg1, %mul3A_3 : i32
    "tpu.region"() ({
      %run_scoped3A = tpu.sem_alloc : memref<!tpu.dma_semaphore, #tpu.memory_space<semaphore_mem>>
      %dma_start3A_60 = arith.constant 0 : i32
      %dma_start3A_61 = tpu.memref_slice %arg20[%mul3A_4, %dma_start3A_60] : memref<10240x144xf32, #tpu.memory_space<vmem_shared>> -> memref<640x144xf32, #tpu.memory_space<vmem_shared>>
      %dma_start3A_62 = arith.constant 0 : i32
      %dma_start3A_63 = tpu.memref_slice %arg6[%mul3A_2, %dma_start3A_62] : memref<10240x144xf32, #tpu.memory_space<hbm>> -> memref<640x144xf32, #tpu.memory_space<hbm>>
      tpu.enqueue_dma source(%dma_start3A_63 : memref<640x144xf32, #tpu.memory_space<hbm>>) target(%dma_start3A_61 : memref<640x144xf32, #tpu.memory_space<vmem_shared>>) target_semaphore(%run_scoped3A : memref<!tpu.dma_semaphore, #tpu.memory_space<semaphore_mem>>)
      %dma_wait3A_64 = arith.constant 0 : i32
      %dma_wait3A_65 = tpu.memref_slice %arg20[%mul3A_4, %dma_wait3A_64] : memref<10240x144xf32, #tpu.memory_space<vmem_shared>> -> memref<640x144xf32, #tpu.memory_space<vmem_shared>>
      %dma_wait3A_66 = arith.constant 0 : i32
      %dma_wait3A_67 = tpu.memref_slice %arg6[%mul3A_2, %dma_wait3A_66] : memref<10240x144xf32, #tpu.memory_space<hbm>> -> memref<640x144xf32, #tpu.memory_space<hbm>>
      tpu.wait_dma2 semaphore(%run_scoped3A : memref<!tpu.dma_semaphore, #tpu.memory_space<semaphore_mem>>) src(%dma_wait3A_67 : memref<640x144xf32, #tpu.memory_space<hbm>>) dst(%dma_wait3A_65 : memref<640x144xf32, #tpu.memory_space<vmem_shared>>)
      tpu.yield
    }) : () -> ()
    %barrier3A = arith.constant 0 : index
    tpu.barrier barrier_id(%barrier3A)
    %mul3A_5 = arith.constant 10080 : i32
    %mul3A_6 = arith.muli %add3A, %mul3A_5 : i32
    %add3A_7 = arith.constant 0 : i32
    %add3A_8 = arith.addi %mul3A_6, %add3A_7 : i32
    %dma_start3A = tpu.memref_slice %arg4[%add3A_8] : memref<322560xi32, #tpu.memory_space<hbm>> -> memref<112xi32, #tpu.memory_space<hbm>>
    %dma_start3A_9 = tpu.memref_slice %arg4[%add3A_8] : memref<322560xi32, #tpu.memory_space<hbm>> -> memref<112xi32, #tpu.memory_space<hbm>>
    tpu.enqueue_dma source(%dma_start3A_9 : memref<112xi32, #tpu.memory_space<hbm>>) target(%arg8 : memref<112xi32, #tpu.memory_space<vmem>>) target_semaphore(%arg21 : memref<!tpu.dma_semaphore, #tpu.memory_space<semaphore_mem>>)
    %dma_start3A_10 = tpu.memref_slice %arg5[%add3A_8] : memref<322560xi32, #tpu.memory_space<hbm>> -> memref<112xi32, #tpu.memory_space<hbm>>
    %dma_start3A_11 = tpu.memref_slice %arg5[%add3A_8] : memref<322560xi32, #tpu.memory_space<hbm>> -> memref<112xi32, #tpu.memory_space<hbm>>
    tpu.enqueue_dma source(%dma_start3A_11 : memref<112xi32, #tpu.memory_space<hbm>>) target(%arg9 : memref<112xi32, #tpu.memory_space<vmem>>) target_semaphore(%arg21 : memref<!tpu.dma_semaphore, #tpu.memory_space<semaphore_mem>>)
    %add3A_12 = arith.constant 112 : i32
    %add3A_13 = arith.addi %mul3A_6, %add3A_12 : i32
    %dma_start3A_14 = tpu.memref_slice %arg4[%add3A_13] : memref<322560xi32, #tpu.memory_space<hbm>> -> memref<112xi32, #tpu.memory_space<hbm>>
    %dma_start3A_15 = tpu.memref_slice %arg4[%add3A_13] : memref<322560xi32, #tpu.memory_space<hbm>> -> memref<112xi32, #tpu.memory_space<hbm>>
    tpu.enqueue_dma source(%dma_start3A_15 : memref<112xi32, #tpu.memory_space<hbm>>) target(%arg14 : memref<112xi32, #tpu.memory_space<vmem>>) target_semaphore(%arg24 : memref<!tpu.dma_semaphore, #tpu.memory_space<semaphore_mem>>)
    %dma_start3A_16 = tpu.memref_slice %arg5[%add3A_13] : memref<322560xi32, #tpu.memory_space<hbm>> -> memref<112xi32, #tpu.memory_space<hbm>>
    %dma_start3A_17 = tpu.memref_slice %arg5[%add3A_13] : memref<322560xi32, #tpu.memory_space<hbm>> -> memref<112xi32, #tpu.memory_space<hbm>>
    tpu.enqueue_dma source(%dma_start3A_17 : memref<112xi32, #tpu.memory_space<hbm>>) target(%arg15 : memref<112xi32, #tpu.memory_space<vmem>>) target_semaphore(%arg24 : memref<!tpu.dma_semaphore, #tpu.memory_space<semaphore_mem>>)
    %dma_wait3A = tpu.memref_slice %arg4[%mul3A_6] : memref<322560xi32, #tpu.memory_space<hbm>> -> memref<112xi32, #tpu.memory_space<hbm>>
    %dma_wait3A_18 = tpu.memref_slice %arg4[%mul3A_6] : memref<322560xi32, #tpu.memory_space<hbm>> -> memref<112xi32, #tpu.memory_space<hbm>>
    tpu.wait_dma2 semaphore(%arg21 : memref<!tpu.dma_semaphore, #tpu.memory_space<semaphore_mem>>) src(%dma_wait3A_18 : memref<112xi32, #tpu.memory_space<hbm>>) dst(%arg8 : memref<112xi32, #tpu.memory_space<vmem>>)
    %dma_wait3A_19 = tpu.memref_slice %arg5[%mul3A_6] : memref<322560xi32, #tpu.memory_space<hbm>> -> memref<112xi32, #tpu.memory_space<hbm>>
    %dma_wait3A_20 = tpu.memref_slice %arg5[%mul3A_6] : memref<322560xi32, #tpu.memory_space<hbm>> -> memref<112xi32, #tpu.memory_space<hbm>>
    tpu.wait_dma2 semaphore(%arg21 : memref<!tpu.dma_semaphore, #tpu.memory_space<semaphore_mem>>) src(%dma_wait3A_20 : memref<112xi32, #tpu.memory_space<hbm>>) dst(%arg9 : memref<112xi32, #tpu.memory_space<vmem>>)
    %dma_start3A_21 = arith.constant 0 : i32
    %dma_start3A_22 = arith.constant 0 : i32
    %dma_start3A_23 = tpu.memref_slice %arg2[%dma_start3A_21, %dma_start3A_22] : memref<10240x144xf32, #tpu.memory_space<hbm>> -> memref<10240x144xf32, #tpu.memory_space<hbm>>
    tpu.enqueue_indirect_dma source(%dma_start3A_23 : memref<10240x144xf32, #tpu.memory_space<hbm>>) target(%arg12 : memref<112x144xf32, #tpu.memory_space<vmem>>) offsets(%arg8 : memref<112xi32, #tpu.memory_space<vmem>>) semaphore(%arg22 : memref<!tpu.dma_semaphore, #tpu.memory_space<semaphore_mem>>)
    %dma_start3A_24 = arith.constant 0 : i32
    %dma_start3A_25 = arith.constant 0 : i32
    %dma_start3A_26 = tpu.memref_slice %arg3[%dma_start3A_24, %dma_start3A_25] : memref<10240x16xf32, #tpu.memory_space<hbm>> -> memref<10240x16xf32, #tpu.memory_space<hbm>>
    tpu.enqueue_indirect_dma source(%dma_start3A_26 : memref<10240x16xf32, #tpu.memory_space<hbm>>) target(%arg13 : memref<112x16xf32, #tpu.memory_space<vmem>>) offsets(%arg9 : memref<112xi32, #tpu.memory_space<vmem>>) semaphore(%arg22 : memref<!tpu.dma_semaphore, #tpu.memory_space<semaphore_mem>>)
    %scan3A = arith.constant 0 : i32
    %scan3A_27 = arith.constant 45 : i32
    %scan3A_28 = arith.addi %scan3A, %scan3A_27 : i32
    %scan3A_29 = arith.constant 1 : i32
    scf.for %scan3A_60 = %scan3A to %scan3A_28 step %scan3A_29  : i32 {
      %mul3A_61 = arith.constant 2 : i32
      %mul3A_62 = arith.muli %scan3A_60, %mul3A_61 : i32
      %add3A_63 = arith.constant 0 : i32
      %add3A_64 = arith.addi %add3A_63, %mul3A_62 : i32
      %add3A_65 = arith.constant 0 : i32
      %add3A_66 = arith.addi %add3A_64, %add3A_65 : i32
      %ge3A = arith.constant 1 : i32
      %ge3A_67 = arith.cmpi sge, %add3A_66, %ge3A : i32
      %add3A_68 = arith.constant 1 : i32
      %add3A_69 = arith.addi %add3A_66, %add3A_68 : i32
      %lt3A = arith.constant 90 : i32
      %lt3A_70 = arith.cmpi slt, %add3A_69, %lt3A : i32
      %and3A = arith.andi %ge3A_67, %lt3A_70 : i1
      %convert_element_type3A = arith.extui %and3A : i1 to i32
      %cond3A = arith.constant 0 : i32
      %cond3A_71 = arith.cmpi ne, %convert_element_type3A, %cond3A : i32
      scf.if %cond3A_71 {
        %dma_wait3A_179 = arith.constant 0 : i32
        %dma_wait3A_180 = arith.constant 0 : i32
        %dma_wait3A_181 = tpu.memref_slice %arg18[%dma_wait3A_179, %dma_wait3A_180] : memref<112x144xf32, #tpu.memory_space<vmem>> -> memref<64x144xf32, #tpu.memory_space<vmem>>
        %dma_wait3A_182 = arith.constant 0 : i32
        %dma_wait3A_183 = arith.constant 0 : i32
        %dma_wait3A_184 = tpu.memref_slice %arg20[%dma_wait3A_182, %dma_wait3A_183] : memref<10240x144xf32, #tpu.memory_space<vmem_shared>> -> memref<10240x144xf32, #tpu.memory_space<vmem_shared>>
        tpu.wait_indirect_dma semaphore(%arg26 : memref<!tpu.dma_semaphore, #tpu.memory_space<semaphore_mem>>) src(%dma_wait3A_181 : memref<64x144xf32, #tpu.memory_space<vmem>>) dst(%dma_wait3A_184 : memref<10240x144xf32, #tpu.memory_space<vmem_shared>>)
        %dma_wait3A_185 = arith.constant 64 : i32
        %dma_wait3A_186 = arith.constant 0 : i32
        %dma_wait3A_187 = tpu.memref_slice %arg18[%dma_wait3A_185, %dma_wait3A_186] : memref<112x144xf32, #tpu.memory_space<vmem>> -> memref<48x144xf32, #tpu.memory_space<vmem>>
        %dma_wait3A_188 = arith.constant 0 : i32
        %dma_wait3A_189 = arith.constant 0 : i32
        %dma_wait3A_190 = tpu.memref_slice %arg20[%dma_wait3A_188, %dma_wait3A_189] : memref<10240x144xf32, #tpu.memory_space<vmem_shared>> -> memref<10240x144xf32, #tpu.memory_space<vmem_shared>>
        tpu.wait_indirect_dma semaphore(%arg26 : memref<!tpu.dma_semaphore, #tpu.memory_space<semaphore_mem>>) src(%dma_wait3A_187 : memref<48x144xf32, #tpu.memory_space<vmem>>) dst(%dma_wait3A_190 : memref<10240x144xf32, #tpu.memory_space<vmem_shared>>)
      } else {
      }
      %add3A_72 = arith.constant 1 : i32
      %add3A_73 = arith.addi %add3A_66, %add3A_72 : i32
      %lt3A_74 = arith.constant 90 : i32
      %lt3A_75 = arith.cmpi slt, %add3A_73, %lt3A_74 : i32
      %convert_element_type3A_76 = arith.extui %lt3A_75 : i1 to i32
      %cond3A_77 = arith.constant 0 : i32
      %cond3A_78 = arith.cmpi ne, %convert_element_type3A_76, %cond3A_77 : i32
      scf.if %cond3A_78 {
        %dma_wait3A_179 = tpu.memref_slice %arg4[%mul3A_6] : memref<322560xi32, #tpu.memory_space<hbm>> -> memref<112xi32, #tpu.memory_space<hbm>>
        %dma_wait3A_180 = tpu.memref_slice %arg4[%mul3A_6] : memref<322560xi32, #tpu.memory_space<hbm>> -> memref<112xi32, #tpu.memory_space<hbm>>
        tpu.wait_dma2 semaphore(%arg24 : memref<!tpu.dma_semaphore, #tpu.memory_space<semaphore_mem>>) src(%dma_wait3A_180 : memref<112xi32, #tpu.memory_space<hbm>>) dst(%arg14 : memref<112xi32, #tpu.memory_space<vmem>>)
        %dma_wait3A_181 = tpu.memref_slice %arg5[%mul3A_6] : memref<322560xi32, #tpu.memory_space<hbm>> -> memref<112xi32, #tpu.memory_space<hbm>>
        %dma_wait3A_182 = tpu.memref_slice %arg5[%mul3A_6] : memref<322560xi32, #tpu.memory_space<hbm>> -> memref<112xi32, #tpu.memory_space<hbm>>
        tpu.wait_dma2 semaphore(%arg24 : memref<!tpu.dma_semaphore, #tpu.memory_space<semaphore_mem>>) src(%dma_wait3A_182 : memref<112xi32, #tpu.memory_space<hbm>>) dst(%arg15 : memref<112xi32, #tpu.memory_space<vmem>>)
        %dma_start3A_183 = arith.constant 0 : i32
        %dma_start3A_184 = arith.constant 0 : i32
        %dma_start3A_185 = tpu.memref_slice %arg2[%dma_start3A_183, %dma_start3A_184] : memref<10240x144xf32, #tpu.memory_space<hbm>> -> memref<10240x144xf32, #tpu.memory_space<hbm>>
        tpu.enqueue_indirect_dma source(%dma_start3A_185 : memref<10240x144xf32, #tpu.memory_space<hbm>>) target(%arg18 : memref<112x144xf32, #tpu.memory_space<vmem>>) offsets(%arg14 : memref<112xi32, #tpu.memory_space<vmem>>) semaphore(%arg25 : memref<!tpu.dma_semaphore, #tpu.memory_space<semaphore_mem>>)
        %dma_start3A_186 = arith.constant 0 : i32
        %dma_start3A_187 = arith.constant 0 : i32
        %dma_start3A_188 = tpu.memref_slice %arg3[%dma_start3A_186, %dma_start3A_187] : memref<10240x16xf32, #tpu.memory_space<hbm>> -> memref<10240x16xf32, #tpu.memory_space<hbm>>
        tpu.enqueue_indirect_dma source(%dma_start3A_188 : memref<10240x16xf32, #tpu.memory_space<hbm>>) target(%arg19 : memref<112x16xf32, #tpu.memory_space<vmem>>) offsets(%arg15 : memref<112xi32, #tpu.memory_space<vmem>>) semaphore(%arg25 : memref<!tpu.dma_semaphore, #tpu.memory_space<semaphore_mem>>)
      } else {
      }
      %dma_wait3A_79 = arith.constant 0 : i32
      %dma_wait3A_80 = arith.constant 0 : i32
      %dma_wait3A_81 = tpu.memref_slice %arg2[%dma_wait3A_79, %dma_wait3A_80] : memref<10240x144xf32, #tpu.memory_space<hbm>> -> memref<10240x144xf32, #tpu.memory_space<hbm>>
      tpu.wait_indirect_dma semaphore(%arg22 : memref<!tpu.dma_semaphore, #tpu.memory_space<semaphore_mem>>) src(%dma_wait3A_81 : memref<10240x144xf32, #tpu.memory_space<hbm>>) dst(%arg12 : memref<112x144xf32, #tpu.memory_space<vmem>>)
      %dma_wait3A_82 = arith.constant 0 : i32
      %dma_wait3A_83 = arith.constant 0 : i32
      %dma_wait3A_84 = tpu.memref_slice %arg3[%dma_wait3A_82, %dma_wait3A_83] : memref<10240x16xf32, #tpu.memory_space<hbm>> -> memref<10240x16xf32, #tpu.memory_space<hbm>>
      tpu.wait_indirect_dma semaphore(%arg22 : memref<!tpu.dma_semaphore, #tpu.memory_space<semaphore_mem>>) src(%dma_wait3A_84 : memref<10240x16xf32, #tpu.memory_space<hbm>>) dst(%arg13 : memref<112x16xf32, #tpu.memory_space<vmem>>)
      %scan3A_85 = arith.constant 0 : i32
      %scan3A_86 = arith.constant 4 : i32
      %scan3A_87 = arith.addi %scan3A_85, %scan3A_86 : i32
      %scan3A_88 = arith.constant 1 : i32
      scf.for %scan3A_179 = %scan3A_85 to %scan3A_87 step %scan3A_88  : i32 {
        %mul3A_180 = arith.constant 1 : i32
        %mul3A_181 = arith.muli %scan3A_179, %mul3A_180 : i32
        %add3A_182 = arith.constant 0 : i32
        %add3A_183 = arith.addi %add3A_182, %mul3A_181 : i32
        %mul3A_184 = arith.constant 16 : i32
        %mul3A_185 = arith.muli %add3A_183, %mul3A_184 : i32
        %add3A_186 = arith.constant 0 : i32
        %add3A_187 = arith.addi %add3A_186, %mul3A_185 : i32
        %get3A = arith.index_cast %add3A_187 : i32 to index
        %get3A_188 = tpu.vector_load %arg9[%get3A] {strides = array<i32>} : memref<112xi32, #tpu.memory_space<vmem>>, vector<16xi32>,
        %mul3A_189 = arith.constant 16 : i32
        %mul3A_190 = arith.muli %add3A_183, %mul3A_189 : i32
        %swap3A = arith.index_cast %mul3A_190 : i32 to index
        %swap3A_191 = tpu.vector_load %arg10[%swap3A] {strides = array<i32>} : memref<64xi32, #tpu.memory_space<vmem>>, vector<16xi32>,
        tpu.vector_store %arg10[%swap3A], %get3A_188 {strides = array<i32>} : memref<64xi32, #tpu.memory_space<vmem>>, vector<16xi32>,
      }
      %scan3A_89 = arith.constant 4 : i32
      %parallel_loop3A = arith.constant 0 : i32
      %parallel_loop3A_90 = arith.constant 64 : i32
      %parallel_loop3A_91 = arith.constant 1 : i32
      scf.for %parallel_loop3A_179 = %parallel_loop3A to %parallel_loop3A_90 step %parallel_loop3A_91  : i32 {
        %parallel_loop3A_180 = arith.index_cast %parallel_loop3A_179 : i32 to index
        %parallel_loop3A_181 = arith.constant 128 : index
        %parallel_loop3A_182 = tpu.vector_load %arg12[%parallel_loop3A_180, %parallel_loop3A_181] {strides = array<i32>} : memref<112x144xf32, #tpu.memory_space<vmem>>, vector<16xf32>,
        %parallel_loop3A_183 = arith.index_cast %parallel_loop3A_179 : i32 to index
        %parallel_loop3A_184 = arith.constant 0 : index
        %parallel_loop3A_185 = tpu.vector_load %arg13[%parallel_loop3A_183, %parallel_loop3A_184] {strides = array<i32>} : memref<112x16xf32, #tpu.memory_space<vmem>>, vector<16xf32>,
        %parallel_loop3A_186 = arith.addf %parallel_loop3A_182, %parallel_loop3A_185 : vector<16xf32>
        %parallel_loop3A_187 = arith.constant 2.000000e-01 : f32
        %parallel_loop3A_188 = vector.broadcast %parallel_loop3A_187 : f32 to vector<16xf32>
        %parallel_loop3A_189 = arith.mulf %parallel_loop3A_186, %parallel_loop3A_188 : vector<16xf32>
        %parallel_loop3A_190 = arith.maximumf %parallel_loop3A_186, %parallel_loop3A_189 : vector<16xf32>
        %parallel_loop3A_191 = math.exp %parallel_loop3A_190 : vector<16xf32>
        %parallel_loop3A_192 = arith.index_cast %parallel_loop3A_179 : i32 to index
        %parallel_loop3A_193 = arith.constant 128 : index
        %parallel_loop3A_194 = tpu.vector_load %arg12[%parallel_loop3A_192, %parallel_loop3A_193] {strides = array<i32>} : memref<112x144xf32, #tpu.memory_space<vmem>>, vector<16xf32>,
        tpu.vector_store %arg12[%parallel_loop3A_192, %parallel_loop3A_193], %parallel_loop3A_191 {strides = array<i32>} : memref<112x144xf32, #tpu.memory_space<vmem>>, vector<16xf32>,
        %parallel_loop3A_195 = arith.constant 0 : i32
        %parallel_loop3A_196 = vector.broadcast %parallel_loop3A_195 : i32 to vector<16x1xi32>
        %parallel_loop3A_197 = vector.shape_cast %parallel_loop3A_196 : vector<16x1xi32> to vector<16xi32>
        %parallel_loop3A_198 = tpu.dynamic_gather %parallel_loop3A_191[%parallel_loop3A_197] in [0] : vector<16xf32>, vector<16xi32> -> vector<16xf32>
        %parallel_loop3A_199 = arith.index_cast %parallel_loop3A_179 : i32 to index
        %parallel_loop3A_200 = arith.constant 0 : index
        %parallel_loop3A_201 = tpu.vector_load %arg12[%parallel_loop3A_199, %parallel_loop3A_200] {strides = array<i32>} : memref<112x144xf32, #tpu.memory_space<vmem>>, vector<16xf32>,
        %parallel_loop3A_202 = arith.mulf %parallel_loop3A_198, %parallel_loop3A_201 : vector<16xf32>
        %parallel_loop3A_203 = arith.index_cast %parallel_loop3A_179 : i32 to index
        %parallel_loop3A_204 = arith.constant 0 : index
        %parallel_loop3A_205 = tpu.vector_load %arg12[%parallel_loop3A_203, %parallel_loop3A_204] {strides = array<i32>} : memref<112x144xf32, #tpu.memory_space<vmem>>, vector<16xf32>,
        tpu.vector_store %arg12[%parallel_loop3A_203, %parallel_loop3A_204], %parallel_loop3A_202 {strides = array<i32>} : memref<112x144xf32, #tpu.memory_space<vmem>>, vector<16xf32>,
        %parallel_loop3A_206 = arith.constant 1 : i32
        %parallel_loop3A_207 = vector.broadcast %parallel_loop3A_206 : i32 to vector<16x1xi32>
        %parallel_loop3A_208 = vector.shape_cast %parallel_loop3A_207 : vector<16x1xi32> to vector<16xi32>
        %parallel_loop3A_209 = tpu.dynamic_gather %parallel_loop3A_191[%parallel_loop3A_208] in [0] : vector<16xf32>, vector<16xi32> -> vector<16xf32>
        %parallel_loop3A_210 = arith.index_cast %parallel_loop3A_179 : i32 to index
        %parallel_loop3A_211 = arith.constant 16 : index
        %parallel_loop3A_212 = tpu.vector_load %arg12[%parallel_loop3A_210, %parallel_loop3A_211] {strides = array<i32>} : memref<112x144xf32, #tpu.memory_space<vmem>>, vector<16xf32>,
        %parallel_loop3A_213 = arith.mulf %parallel_loop3A_209, %parallel_loop3A_212 : vector<16xf32>
        %parallel_loop3A_214 = arith.index_cast %parallel_loop3A_179 : i32 to index
        %parallel_loop3A_215 = arith.constant 16 : index
        %parallel_loop3A_216 = tpu.vector_load %arg12[%parallel_loop3A_214, %parallel_loop3A_215] {strides = array<i32>} : memref<112x144xf32, #tpu.memory_space<vmem>>, vector<16xf32>,
        tpu.vector_store %arg12[%parallel_loop3A_214, %parallel_loop3A_215], %parallel_loop3A_213 {strides = array<i32>} : memref<112x144xf32, #tpu.memory_space<vmem>>, vector<16xf32>,
        %parallel_loop3A_217 = arith.constant 2 : i32
        %parallel_loop3A_218 = vector.broadcast %parallel_loop3A_217 : i32 to vector<16x1xi32>
        %parallel_loop3A_219 = vector.shape_cast %parallel_loop3A_218 : vector<16x1xi32> to vector<16xi32>
        %parallel_loop3A_220 = tpu.dynamic_gather %parallel_loop3A_191[%parallel_loop3A_219] in [0] : vector<16xf32>, vector<16xi32> -> vector<16xf32>
        %parallel_loop3A_221 = arith.index_cast %parallel_loop3A_179 : i32 to index
        %parallel_loop3A_222 = arith.constant 32 : index
        %parallel_loop3A_223 = tpu.vector_load %arg12[%parallel_loop3A_221, %parallel_loop3A_222] {strides = array<i32>} : memref<112x144xf32, #tpu.memory_space<vmem>>, vector<16xf32>,
        %parallel_loop3A_224 = arith.mulf %parallel_loop3A_220, %parallel_loop3A_223 : vector<16xf32>
        %parallel_loop3A_225 = arith.index_cast %parallel_loop3A_179 : i32 to index
        %parallel_loop3A_226 = arith.constant 32 : index
        %parallel_loop3A_227 = tpu.vector_load %arg12[%parallel_loop3A_225, %parallel_loop3A_226] {strides = array<i32>} : memref<112x144xf32, #tpu.memory_space<vmem>>, vector<16xf32>,
        tpu.vector_store %arg12[%parallel_loop3A_225, %parallel_loop3A_226], %parallel_loop3A_224 {strides = array<i32>} : memref<112x144xf32, #tpu.memory_space<vmem>>, vector<16xf32>,
        %parallel_loop3A_228 = arith.constant 3 : i32
        %parallel_loop3A_229 = vector.broadcast %parallel_loop3A_228 : i32 to vector<16x1xi32>
        %parallel_loop3A_230 = vector.shape_cast %parallel_loop3A_229 : vector<16x1xi32> to vector<16xi32>
        %parallel_loop3A_231 = tpu.dynamic_gather %parallel_loop3A_191[%parallel_loop3A_230] in [0] : vector<16xf32>, vector<16xi32> -> vector<16xf32>
        %parallel_loop3A_232 = arith.index_cast %parallel_loop3A_179 : i32 to index
        %parallel_loop3A_233 = arith.constant 48 : index
        %parallel_loop3A_234 = tpu.vector_load %arg12[%parallel_loop3A_232, %parallel_loop3A_233] {strides = array<i32>} : memref<112x144xf32, #tpu.memory_space<vmem>>, vector<16xf32>,
        %parallel_loop3A_235 = arith.mulf %parallel_loop3A_231, %parallel_loop3A_234 : vector<16xf32>
        %parallel_loop3A_236 = arith.index_cast %parallel_loop3A_179 : i32 to index
        %parallel_loop3A_237 = arith.constant 48 : index
        %parallel_loop3A_238 = tpu.vector_load %arg12[%parallel_loop3A_236, %parallel_loop3A_237] {strides = array<i32>} : memref<112x144xf32, #tpu.memory_space<vmem>>, vector<16xf32>,
        tpu.vector_store %arg12[%parallel_loop3A_236, %parallel_loop3A_237], %parallel_loop3A_235 {strides = array<i32>} : memref<112x144xf32, #tpu.memory_space<vmem>>, vector<16xf32>,
        %parallel_loop3A_239 = arith.constant 4 : i32
        %parallel_loop3A_240 = vector.broadcast %parallel_loop3A_239 : i32 to vector<16x1xi32>
        %parallel_loop3A_241 = vector.shape_cast %parallel_loop3A_240 : vector<16x1xi32> to vector<16xi32>
        %parallel_loop3A_242 = tpu.dynamic_gather %parallel_loop3A_191[%parallel_loop3A_241] in [0] : vector<16xf32>, vector<16xi32> -> vector<16xf32>
        %parallel_loop3A_243 = arith.index_cast %parallel_loop3A_179 : i32 to index
        %parallel_loop3A_244 = arith.constant 64 : index
        %parallel_loop3A_245 = tpu.vector_load %arg12[%parallel_loop3A_243, %parallel_loop3A_244] {strides = array<i32>} : memref<112x144xf32, #tpu.memory_space<vmem>>, vector<16xf32>,
        %parallel_loop3A_246 = arith.mulf %parallel_loop3A_242, %parallel_loop3A_245 : vector<16xf32>
        %parallel_loop3A_247 = arith.index_cast %parallel_loop3A_179 : i32 to index
        %parallel_loop3A_248 = arith.constant 64 : index
        %parallel_loop3A_249 = tpu.vector_load %arg12[%parallel_loop3A_247, %parallel_loop3A_248] {strides = array<i32>} : memref<112x144xf32, #tpu.memory_space<vmem>>, vector<16xf32>,
        tpu.vector_store %arg12[%parallel_loop3A_247, %parallel_loop3A_248], %parallel_loop3A_246 {strides = array<i32>} : memref<112x144xf32, #tpu.memory_space<vmem>>, vector<16xf32>,
        %parallel_loop3A_250 = arith.constant 5 : i32
        %parallel_loop3A_251 = vector.broadcast %parallel_loop3A_250 : i32 to vector<16x1xi32>
        %parallel_loop3A_252 = vector.shape_cast %parallel_loop3A_251 : vector<16x1xi32> to vector<16xi32>
        %parallel_loop3A_253 = tpu.dynamic_gather %parallel_loop3A_191[%parallel_loop3A_252] in [0] : vector<16xf32>, vector<16xi32> -> vector<16xf32>
        %parallel_loop3A_254 = arith.index_cast %parallel_loop3A_179 : i32 to index
        %parallel_loop3A_255 = arith.constant 80 : index
        %parallel_loop3A_256 = tpu.vector_load %arg12[%parallel_loop3A_254, %parallel_loop3A_255] {strides = array<i32>} : memref<112x144xf32, #tpu.memory_space<vmem>>, vector<16xf32>,
        %parallel_loop3A_257 = arith.mulf %parallel_loop3A_253, %parallel_loop3A_256 : vector<16xf32>
        %parallel_loop3A_258 = arith.index_cast %parallel_loop3A_179 : i32 to index
        %parallel_loop3A_259 = arith.constant 80 : index
        %parallel_loop3A_260 = tpu.vector_load %arg12[%parallel_loop3A_258, %parallel_loop3A_259] {strides = array<i32>} : memref<112x144xf32, #tpu.memory_space<vmem>>, vector<16xf32>,
        tpu.vector_store %arg12[%parallel_loop3A_258, %parallel_loop3A_259], %parallel_loop3A_257 {strides = array<i32>} : memref<112x144xf32, #tpu.memory_space<vmem>>, vector<16xf32>,
        %parallel_loop3A_261 = arith.constant 6 : i32
        %parallel_loop3A_262 = vector.broadcast %parallel_loop3A_261 : i32 to vector<16x1xi32>
        %parallel_loop3A_263 = vector.shape_cast %parallel_loop3A_262 : vector<16x1xi32> to vector<16xi32>
        %parallel_loop3A_264 = tpu.dynamic_gather %parallel_loop3A_191[%parallel_loop3A_263] in [0] : vector<16xf32>, vector<16xi32> -> vector<16xf32>
        %parallel_loop3A_265 = arith.index_cast %parallel_loop3A_179 : i32 to index
        %parallel_loop3A_266 = arith.constant 96 : index
        %parallel_loop3A_267 = tpu.vector_load %arg12[%parallel_loop3A_265, %parallel_loop3A_266] {strides = array<i32>} : memref<112x144xf32, #tpu.memory_space<vmem>>, vector<16xf32>,
        %parallel_loop3A_268 = arith.mulf %parallel_loop3A_264, %parallel_loop3A_267 : vector<16xf32>
        %parallel_loop3A_269 = arith.index_cast %parallel_loop3A_179 : i32 to index
        %parallel_loop3A_270 = arith.constant 96 : index
        %parallel_loop3A_271 = tpu.vector_load %arg12[%parallel_loop3A_269, %parallel_loop3A_270] {strides = array<i32>} : memref<112x144xf32, #tpu.memory_space<vmem>>, vector<16xf32>,
        tpu.vector_store %arg12[%parallel_loop3A_269, %parallel_loop3A_270], %parallel_loop3A_268 {strides = array<i32>} : memref<112x144xf32, #tpu.memory_space<vmem>>, vector<16xf32>,
        %parallel_loop3A_272 = arith.constant 7 : i32
        %parallel_loop3A_273 = vector.broadcast %parallel_loop3A_272 : i32 to vector<16x1xi32>
        %parallel_loop3A_274 = vector.shape_cast %parallel_loop3A_273 : vector<16x1xi32> to vector<16xi32>
        %parallel_loop3A_275 = tpu.dynamic_gather %parallel_loop3A_191[%parallel_loop3A_274] in [0] : vector<16xf32>, vector<16xi32> -> vector<16xf32>
        %parallel_loop3A_276 = arith.index_cast %parallel_loop3A_179 : i32 to index
        %parallel_loop3A_277 = arith.constant 112 : index
        %parallel_loop3A_278 = tpu.vector_load %arg12[%parallel_loop3A_276, %parallel_loop3A_277] {strides = array<i32>} : memref<112x144xf32, #tpu.memory_space<vmem>>, vector<16xf32>,
        %parallel_loop3A_279 = arith.mulf %parallel_loop3A_275, %parallel_loop3A_278 : vector<16xf32>
        %parallel_loop3A_280 = arith.index_cast %parallel_loop3A_179 : i32 to index
        %parallel_loop3A_281 = arith.constant 112 : index
        %parallel_loop3A_282 = tpu.vector_load %arg12[%parallel_loop3A_280, %parallel_loop3A_281] {strides = array<i32>} : memref<112x144xf32, #tpu.memory_space<vmem>>, vector<16xf32>,
        tpu.vector_store %arg12[%parallel_loop3A_280, %parallel_loop3A_281], %parallel_loop3A_279 {strides = array<i32>} : memref<112x144xf32, #tpu.memory_space<vmem>>, vector<16xf32>,
      } {sc.loop_unroll_factor = 2 : i64, sc.parallel_access}
      %dma_start3A_92 = arith.constant 0 : i32
      %dma_start3A_93 = arith.constant 0 : i32
      %dma_start3A_94 = tpu.memref_slice %arg12[%dma_start3A_92, %dma_start3A_93] : memref<112x144xf32, #tpu.memory_space<vmem>> -> memref<64x144xf32, #tpu.memory_space<vmem>>
      %dma_start3A_95 = arith.constant 0 : i32
      %dma_start3A_96 = arith.constant 0 : i32
      %dma_start3A_97 = tpu.memref_slice %arg20[%dma_start3A_95, %dma_start3A_96] : memref<10240x144xf32, #tpu.memory_space<vmem_shared>> -> memref<10240x144xf32, #tpu.memory_space<vmem_shared>>
      tpu.enqueue_indirect_dma source(%dma_start3A_94 : memref<64x144xf32, #tpu.memory_space<vmem>>) target(%dma_start3A_97 : memref<10240x144xf32, #tpu.memory_space<vmem_shared>>) offsets(%arg10 : memref<64xi32, #tpu.memory_space<vmem>>) semaphore(%arg23 : memref<!tpu.dma_semaphore, #tpu.memory_space<semaphore_mem>>) {add = true}
      %scan3A_98 = arith.constant 0 : i32
      %scan3A_99 = arith.constant 3 : i32
      %scan3A_100 = arith.addi %scan3A_98, %scan3A_99 : i32
      %scan3A_101 = arith.constant 1 : i32
      scf.for %scan3A_179 = %scan3A_98 to %scan3A_100 step %scan3A_101  : i32 {
        %mul3A_180 = arith.constant 1 : i32
        %mul3A_181 = arith.muli %scan3A_179, %mul3A_180 : i32
        %add3A_182 = arith.constant 0 : i32
        %add3A_183 = arith.addi %add3A_182, %mul3A_181 : i32
        %mul3A_184 = arith.constant 16 : i32
        %mul3A_185 = arith.muli %add3A_183, %mul3A_184 : i32
        %add3A_186 = arith.constant 64 : i32
        %add3A_187 = arith.addi %add3A_186, %mul3A_185 : i32
        %get3A = arith.index_cast %add3A_187 : i32 to index
        %get3A_188 = tpu.vector_load %arg9[%get3A] {strides = array<i32>} : memref<112xi32, #tpu.memory_space<vmem>>, vector<16xi32>,
        %mul3A_189 = arith.constant 16 : i32
        %mul3A_190 = arith.muli %add3A_183, %mul3A_189 : i32
        %swap3A = arith.index_cast %mul3A_190 : i32 to index
        %swap3A_191 = tpu.vector_load %arg11[%swap3A] {strides = array<i32>} : memref<48xi32, #tpu.memory_space<vmem>>, vector<16xi32>,
        tpu.vector_store %arg11[%swap3A], %get3A_188 {strides = array<i32>} : memref<48xi32, #tpu.memory_space<vmem>>, vector<16xi32>,
      }
      %scan3A_102 = arith.constant 3 : i32
      %parallel_loop3A_103 = arith.constant 64 : i32
      %parallel_loop3A_104 = arith.constant 112 : i32
      %parallel_loop3A_105 = arith.constant 1 : i32
      scf.for %parallel_loop3A_179 = %parallel_loop3A_103 to %parallel_loop3A_104 step %parallel_loop3A_105  : i32 {
        %parallel_loop3A_180 = arith.index_cast %parallel_loop3A_179 : i32 to index
        %parallel_loop3A_181 = arith.constant 128 : index
        %parallel_loop3A_182 = tpu.vector_load %arg12[%parallel_loop3A_180, %parallel_loop3A_181] {strides = array<i32>} : memref<112x144xf32, #tpu.memory_space<vmem>>, vector<16xf32>,
        %parallel_loop3A_183 = arith.index_cast %parallel_loop3A_179 : i32 to index
        %parallel_loop3A_184 = arith.constant 0 : index
        %parallel_loop3A_185 = tpu.vector_load %arg13[%parallel_loop3A_183, %parallel_loop3A_184] {strides = array<i32>} : memref<112x16xf32, #tpu.memory_space<vmem>>, vector<16xf32>,
        %parallel_loop3A_186 = arith.addf %parallel_loop3A_182, %parallel_loop3A_185 : vector<16xf32>
        %parallel_loop3A_187 = arith.constant 2.000000e-01 : f32
        %parallel_loop3A_188 = vector.broadcast %parallel_loop3A_187 : f32 to vector<16xf32>
        %parallel_loop3A_189 = arith.mulf %parallel_loop3A_186, %parallel_loop3A_188 : vector<16xf32>
        %parallel_loop3A_190 = arith.maximumf %parallel_loop3A_186, %parallel_loop3A_189 : vector<16xf32>
        %parallel_loop3A_191 = math.exp %parallel_loop3A_190 : vector<16xf32>
        %parallel_loop3A_192 = arith.index_cast %parallel_loop3A_179 : i32 to index
        %parallel_loop3A_193 = arith.constant 128 : index
        %parallel_loop3A_194 = tpu.vector_load %arg12[%parallel_loop3A_192, %parallel_loop3A_193] {strides = array<i32>} : memref<112x144xf32, #tpu.memory_space<vmem>>, vector<16xf32>,
        tpu.vector_store %arg12[%parallel_loop3A_192, %parallel_loop3A_193], %parallel_loop3A_191 {strides = array<i32>} : memref<112x144xf32, #tpu.memory_space<vmem>>, vector<16xf32>,
        %parallel_loop3A_195 = arith.constant 0 : i32
        %parallel_loop3A_196 = vector.broadcast %parallel_loop3A_195 : i32 to vector<16x1xi32>
        %parallel_loop3A_197 = vector.shape_cast %parallel_loop3A_196 : vector<16x1xi32> to vector<16xi32>
        %parallel_loop3A_198 = tpu.dynamic_gather %parallel_loop3A_191[%parallel_loop3A_197] in [0] : vector<16xf32>, vector<16xi32> -> vector<16xf32>
        %parallel_loop3A_199 = arith.index_cast %parallel_loop3A_179 : i32 to index
        %parallel_loop3A_200 = arith.constant 0 : index
        %parallel_loop3A_201 = tpu.vector_load %arg12[%parallel_loop3A_199, %parallel_loop3A_200] {strides = array<i32>} : memref<112x144xf32, #tpu.memory_space<vmem>>, vector<16xf32>,
        %parallel_loop3A_202 = arith.mulf %parallel_loop3A_198, %parallel_loop3A_201 : vector<16xf32>
        %parallel_loop3A_203 = arith.index_cast %parallel_loop3A_179 : i32 to index
        %parallel_loop3A_204 = arith.constant 0 : index
        %parallel_loop3A_205 = tpu.vector_load %arg12[%parallel_loop3A_203, %parallel_loop3A_204] {strides = array<i32>} : memref<112x144xf32, #tpu.memory_space<vmem>>, vector<16xf32>,
        tpu.vector_store %arg12[%parallel_loop3A_203, %parallel_loop3A_204], %parallel_loop3A_202 {strides = array<i32>} : memref<112x144xf32, #tpu.memory_space<vmem>>, vector<16xf32>,
        %parallel_loop3A_206 = arith.constant 1 : i32
        %parallel_loop3A_207 = vector.broadcast %parallel_loop3A_206 : i32 to vector<16x1xi32>
        %parallel_loop3A_208 = vector.shape_cast %parallel_loop3A_207 : vector<16x1xi32> to vector<16xi32>
        %parallel_loop3A_209 = tpu.dynamic_gather %parallel_loop3A_191[%parallel_loop3A_208] in [0] : vector<16xf32>, vector<16xi32> -> vector<16xf32>
        %parallel_loop3A_210 = arith.index_cast %parallel_loop3A_179 : i32 to index
        %parallel_loop3A_211 = arith.constant 16 : index
        %parallel_loop3A_212 = tpu.vector_load %arg12[%parallel_loop3A_210, %parallel_loop3A_211] {strides = array<i32>} : memref<112x144xf32, #tpu.memory_space<vmem>>, vector<16xf32>,
        %parallel_loop3A_213 = arith.mulf %parallel_loop3A_209, %parallel_loop3A_212 : vector<16xf32>
        %parallel_loop3A_214 = arith.index_cast %parallel_loop3A_179 : i32 to index
        %parallel_loop3A_215 = arith.constant 16 : index
        %parallel_loop3A_216 = tpu.vector_load %arg12[%parallel_loop3A_214, %parallel_loop3A_215] {strides = array<i32>} : memref<112x144xf32, #tpu.memory_space<vmem>>, vector<16xf32>,
        tpu.vector_store %arg12[%parallel_loop3A_214, %parallel_loop3A_215], %parallel_loop3A_213 {strides = array<i32>} : memref<112x144xf32, #tpu.memory_space<vmem>>, vector<16xf32>,
        %parallel_loop3A_217 = arith.constant 2 : i32
        %parallel_loop3A_218 = vector.broadcast %parallel_loop3A_217 : i32 to vector<16x1xi32>
        %parallel_loop3A_219 = vector.shape_cast %parallel_loop3A_218 : vector<16x1xi32> to vector<16xi32>
        %parallel_loop3A_220 = tpu.dynamic_gather %parallel_loop3A_191[%parallel_loop3A_219] in [0] : vector<16xf32>, vector<16xi32> -> vector<16xf32>
        %parallel_loop3A_221 = arith.index_cast %parallel_loop3A_179 : i32 to index
        %parallel_loop3A_222 = arith.constant 32 : index
        %parallel_loop3A_223 = tpu.vector_load %arg12[%parallel_loop3A_221, %parallel_loop3A_222] {strides = array<i32>} : memref<112x144xf32, #tpu.memory_space<vmem>>, vector<16xf32>,
        %parallel_loop3A_224 = arith.mulf %parallel_loop3A_220, %parallel_loop3A_223 : vector<16xf32>
        %parallel_loop3A_225 = arith.index_cast %parallel_loop3A_179 : i32 to index
        %parallel_loop3A_226 = arith.constant 32 : index
        %parallel_loop3A_227 = tpu.vector_load %arg12[%parallel_loop3A_225, %parallel_loop3A_226] {strides = array<i32>} : memref<112x144xf32, #tpu.memory_space<vmem>>, vector<16xf32>,
        tpu.vector_store %arg12[%parallel_loop3A_225, %parallel_loop3A_226], %parallel_loop3A_224 {strides = array<i32>} : memref<112x144xf32, #tpu.memory_space<vmem>>, vector<16xf32>,
        %parallel_loop3A_228 = arith.constant 3 : i32
        %parallel_loop3A_229 = vector.broadcast %parallel_loop3A_228 : i32 to vector<16x1xi32>
        %parallel_loop3A_230 = vector.shape_cast %parallel_loop3A_229 : vector<16x1xi32> to vector<16xi32>
        %parallel_loop3A_231 = tpu.dynamic_gather %parallel_loop3A_191[%parallel_loop3A_230] in [0] : vector<16xf32>, vector<16xi32> -> vector<16xf32>
        %parallel_loop3A_232 = arith.index_cast %parallel_loop3A_179 : i32 to index
        %parallel_loop3A_233 = arith.constant 48 : index
        %parallel_loop3A_234 = tpu.vector_load %arg12[%parallel_loop3A_232, %parallel_loop3A_233] {strides = array<i32>} : memref<112x144xf32, #tpu.memory_space<vmem>>, vector<16xf32>,
        %parallel_loop3A_235 = arith.mulf %parallel_loop3A_231, %parallel_loop3A_234 : vector<16xf32>
        %parallel_loop3A_236 = arith.index_cast %parallel_loop3A_179 : i32 to index
        %parallel_loop3A_237 = arith.constant 48 : index
        %parallel_loop3A_238 = tpu.vector_load %arg12[%parallel_loop3A_236, %parallel_loop3A_237] {strides = array<i32>} : memref<112x144xf32, #tpu.memory_space<vmem>>, vector<16xf32>,
        tpu.vector_store %arg12[%parallel_loop3A_236, %parallel_loop3A_237], %parallel_loop3A_235 {strides = array<i32>} : memref<112x144xf32, #tpu.memory_space<vmem>>, vector<16xf32>,
        %parallel_loop3A_239 = arith.constant 4 : i32
        %parallel_loop3A_240 = vector.broadcast %parallel_loop3A_239 : i32 to vector<16x1xi32>
        %parallel_loop3A_241 = vector.shape_cast %parallel_loop3A_240 : vector<16x1xi32> to vector<16xi32>
        %parallel_loop3A_242 = tpu.dynamic_gather %parallel_loop3A_191[%parallel_loop3A_241] in [0] : vector<16xf32>, vector<16xi32> -> vector<16xf32>
        %parallel_loop3A_243 = arith.index_cast %parallel_loop3A_179 : i32 to index
        %parallel_loop3A_244 = arith.constant 64 : index
        %parallel_loop3A_245 = tpu.vector_load %arg12[%parallel_loop3A_243, %parallel_loop3A_244] {strides = array<i32>} : memref<112x144xf32, #tpu.memory_space<vmem>>, vector<16xf32>,
        %parallel_loop3A_246 = arith.mulf %parallel_loop3A_242, %parallel_loop3A_245 : vector<16xf32>
        %parallel_loop3A_247 = arith.index_cast %parallel_loop3A_179 : i32 to index
        %parallel_loop3A_248 = arith.constant 64 : index
        %parallel_loop3A_249 = tpu.vector_load %arg12[%parallel_loop3A_247, %parallel_loop3A_248] {strides = array<i32>} : memref<112x144xf32, #tpu.memory_space<vmem>>, vector<16xf32>,
        tpu.vector_store %arg12[%parallel_loop3A_247, %parallel_loop3A_248], %parallel_loop3A_246 {strides = array<i32>} : memref<112x144xf32, #tpu.memory_space<vmem>>, vector<16xf32>,
        %parallel_loop3A_250 = arith.constant 5 : i32
        %parallel_loop3A_251 = vector.broadcast %parallel_loop3A_250 : i32 to vector<16x1xi32>
        %parallel_loop3A_252 = vector.shape_cast %parallel_loop3A_251 : vector<16x1xi32> to vector<16xi32>
        %parallel_loop3A_253 = tpu.dynamic_gather %parallel_loop3A_191[%parallel_loop3A_252] in [0] : vector<16xf32>, vector<16xi32> -> vector<16xf32>
        %parallel_loop3A_254 = arith.index_cast %parallel_loop3A_179 : i32 to index
        %parallel_loop3A_255 = arith.constant 80 : index
        %parallel_loop3A_256 = tpu.vector_load %arg12[%parallel_loop3A_254, %parallel_loop3A_255] {strides = array<i32>} : memref<112x144xf32, #tpu.memory_space<vmem>>, vector<16xf32>,
        %parallel_loop3A_257 = arith.mulf %parallel_loop3A_253, %parallel_loop3A_256 : vector<16xf32>
        %parallel_loop3A_258 = arith.index_cast %parallel_loop3A_179 : i32 to index
        %parallel_loop3A_259 = arith.constant 80 : index
        %parallel_loop3A_260 = tpu.vector_load %arg12[%parallel_loop3A_258, %parallel_loop3A_259] {strides = array<i32>} : memref<112x144xf32, #tpu.memory_space<vmem>>, vector<16xf32>,
        tpu.vector_store %arg12[%parallel_loop3A_258, %parallel_loop3A_259], %parallel_loop3A_257 {strides = array<i32>} : memref<112x144xf32, #tpu.memory_space<vmem>>, vector<16xf32>,
        %parallel_loop3A_261 = arith.constant 6 : i32
        %parallel_loop3A_262 = vector.broadcast %parallel_loop3A_261 : i32 to vector<16x1xi32>
        %parallel_loop3A_263 = vector.shape_cast %parallel_loop3A_262 : vector<16x1xi32> to vector<16xi32>
        %parallel_loop3A_264 = tpu.dynamic_gather %parallel_loop3A_191[%parallel_loop3A_263] in [0] : vector<16xf32>, vector<16xi32> -> vector<16xf32>
        %parallel_loop3A_265 = arith.index_cast %parallel_loop3A_179 : i32 to index
        %parallel_loop3A_266 = arith.constant 96 : index
        %parallel_loop3A_267 = tpu.vector_load %arg12[%parallel_loop3A_265, %parallel_loop3A_266] {strides = array<i32>} : memref<112x144xf32, #tpu.memory_space<vmem>>, vector<16xf32>,
        %parallel_loop3A_268 = arith.mulf %parallel_loop3A_264, %parallel_loop3A_267 : vector<16xf32>
        %parallel_loop3A_269 = arith.index_cast %parallel_loop3A_179 : i32 to index
        %parallel_loop3A_270 = arith.constant 96 : index
        %parallel_loop3A_271 = tpu.vector_load %arg12[%parallel_loop3A_269, %parallel_loop3A_270] {strides = array<i32>} : memref<112x144xf32, #tpu.memory_space<vmem>>, vector<16xf32>,
        tpu.vector_store %arg12[%parallel_loop3A_269, %parallel_loop3A_270], %parallel_loop3A_268 {strides = array<i32>} : memref<112x144xf32, #tpu.memory_space<vmem>>, vector<16xf32>,
        %parallel_loop3A_272 = arith.constant 7 : i32
        %parallel_loop3A_273 = vector.broadcast %parallel_loop3A_272 : i32 to vector<16x1xi32>
        %parallel_loop3A_274 = vector.shape_cast %parallel_loop3A_273 : vector<16x1xi32> to vector<16xi32>
        %parallel_loop3A_275 = tpu.dynamic_gather %parallel_loop3A_191[%parallel_loop3A_274] in [0] : vector<16xf32>, vector<16xi32> -> vector<16xf32>
        %parallel_loop3A_276 = arith.index_cast %parallel_loop3A_179 : i32 to index
        %parallel_loop3A_277 = arith.constant 112 : index
        %parallel_loop3A_278 = tpu.vector_load %arg12[%parallel_loop3A_276, %parallel_loop3A_277] {strides = array<i32>} : memref<112x144xf32, #tpu.memory_space<vmem>>, vector<16xf32>,
        %parallel_loop3A_279 = arith.mulf %parallel_loop3A_275, %parallel_loop3A_278 : vector<16xf32>
        %parallel_loop3A_280 = arith.index_cast %parallel_loop3A_179 : i32 to index
        %parallel_loop3A_281 = arith.constant 112 : index
        %parallel_loop3A_282 = tpu.vector_load %arg12[%parallel_loop3A_280, %parallel_loop3A_281] {strides = array<i32>} : memref<112x144xf32, #tpu.memory_space<vmem>>, vector<16xf32>,
        tpu.vector_store %arg12[%parallel_loop3A_280, %parallel_loop3A_281], %parallel_loop3A_279 {strides = array<i32>} : memref<112x144xf32, #tpu.memory_space<vmem>>, vector<16xf32>,
      } {sc.loop_unroll_factor = 2 : i64, sc.parallel_access}
      %dma_start3A_106 = arith.constant 64 : i32
      %dma_start3A_107 = arith.constant 0 : i32
      %dma_start3A_108 = tpu.memref_slice %arg12[%dma_start3A_106, %dma_start3A_107] : memref<112x144xf32, #tpu.memory_space<vmem>> -> memref<48x144xf32, #tpu.memory_space<vmem>>
      %dma_start3A_109 = arith.constant 0 : i32
      %dma_start3A_110 = arith.constant 0 : i32
      %dma_start3A_111 = tpu.memref_slice %arg20[%dma_start3A_109, %dma_start3A_110] : memref<10240x144xf32, #tpu.memory_space<vmem_shared>> -> memref<10240x144xf32, #tpu.memory_space<vmem_shared>>
      tpu.enqueue_indirect_dma source(%dma_start3A_108 : memref<48x144xf32, #tpu.memory_space<vmem>>) target(%dma_start3A_111 : memref<10240x144xf32, #tpu.memory_space<vmem_shared>>) offsets(%arg11 : memref<48xi32, #tpu.memory_space<vmem>>) semaphore(%arg23 : memref<!tpu.dma_semaphore, #tpu.memory_space<semaphore_mem>>) {add = true}
      %add3A_112 = arith.constant 2 : i32
      %add3A_113 = arith.addi %add3A_66, %add3A_112 : i32
      %lt3A_114 = arith.constant 90 : i32
      %lt3A_115 = arith.cmpi slt, %add3A_113, %lt3A_114 : i32
      %convert_element_type3A_116 = arith.extui %lt3A_115 : i1 to i32
      %cond3A_117 = arith.constant 0 : i32
      %cond3A_118 = arith.cmpi ne, %convert_element_type3A_116, %cond3A_117 : i32
      scf.if %cond3A_118 {
        %add3A_179 = arith.constant 2 : i32
        %add3A_180 = arith.addi %add3A_66, %add3A_179 : i32
        %mul3A_181 = arith.constant 112 : i32
        %mul3A_182 = arith.muli %add3A_180, %mul3A_181 : i32
        %add3A_183 = arith.addi %mul3A_6, %mul3A_182 : i32
        %dma_start3A_184 = tpu.memref_slice %arg4[%add3A_183] : memref<322560xi32, #tpu.memory_space<hbm>> -> memref<112xi32, #tpu.memory_space<hbm>>
        %dma_start3A_185 = tpu.memref_slice %arg4[%add3A_183] : memref<322560xi32, #tpu.memory_space<hbm>> -> memref<112xi32, #tpu.memory_space<hbm>>
        tpu.enqueue_dma source(%dma_start3A_185 : memref<112xi32, #tpu.memory_space<hbm>>) target(%arg8 : memref<112xi32, #tpu.memory_space<vmem>>) target_semaphore(%arg21 : memref<!tpu.dma_semaphore, #tpu.memory_space<semaphore_mem>>)
        %dma_start3A_186 = tpu.memref_slice %arg5[%add3A_183] : memref<322560xi32, #tpu.memory_space<hbm>> -> memref<112xi32, #tpu.memory_space<hbm>>
        %dma_start3A_187 = tpu.memref_slice %arg5[%add3A_183] : memref<322560xi32, #tpu.memory_space<hbm>> -> memref<112xi32, #tpu.memory_space<hbm>>
        tpu.enqueue_dma source(%dma_start3A_187 : memref<112xi32, #tpu.memory_space<hbm>>) target(%arg9 : memref<112xi32, #tpu.memory_space<vmem>>) target_semaphore(%arg21 : memref<!tpu.dma_semaphore, #tpu.memory_space<semaphore_mem>>)
      } else {
      }
      %add3A_119 = arith.constant 1 : i32
      %add3A_120 = arith.addi %add3A_64, %add3A_119 : i32
      %ge3A_121 = arith.constant 1 : i32
      %ge3A_122 = arith.cmpi sge, %add3A_120, %ge3A_121 : i32
      %add3A_123 = arith.constant 1 : i32
      %add3A_124 = arith.addi %add3A_120, %add3A_123 : i32
      %lt3A_125 = arith.constant 90 : i32
      %lt3A_126 = arith.cmpi slt, %add3A_124, %lt3A_125 : i32
      %and3A_127 = arith.andi %ge3A_122, %lt3A_126 : i1
      %convert_element_type3A_128 = arith.extui %and3A_127 : i1 to i32
      %cond3A_129 = arith.constant 0 : i32
      %cond3A_130 = arith.cmpi ne, %convert_element_type3A_128, %cond3A_129 : i32
      scf.if %cond3A_130 {
        %dma_wait3A_179 = arith.constant 0 : i32
        %dma_wait3A_180 = arith.constant 0 : i32
        %dma_wait3A_181 = tpu.memref_slice %arg12[%dma_wait3A_179, %dma_wait3A_180] : memref<112x144xf32, #tpu.memory_space<vmem>> -> memref<64x144xf32, #tpu.memory_space<vmem>>
        %dma_wait3A_182 = arith.constant 0 : i32
        %dma_wait3A_183 = arith.constant 0 : i32
        %dma_wait3A_184 = tpu.memref_slice %arg20[%dma_wait3A_182, %dma_wait3A_183] : memref<10240x144xf32, #tpu.memory_space<vmem_shared>> -> memref<10240x144xf32, #tpu.memory_space<vmem_shared>>
        tpu.wait_indirect_dma semaphore(%arg23 : memref<!tpu.dma_semaphore, #tpu.memory_space<semaphore_mem>>) src(%dma_wait3A_181 : memref<64x144xf32, #tpu.memory_space<vmem>>) dst(%dma_wait3A_184 : memref<10240x144xf32, #tpu.memory_space<vmem_shared>>)
        %dma_wait3A_185 = arith.constant 64 : i32
        %dma_wait3A_186 = arith.constant 0 : i32
        %dma_wait3A_187 = tpu.memref_slice %arg12[%dma_wait3A_185, %dma_wait3A_186] : memref<112x144xf32, #tpu.memory_space<vmem>> -> memref<48x144xf32, #tpu.memory_space<vmem>>
        %dma_wait3A_188 = arith.constant 0 : i32
        %dma_wait3A_189 = arith.constant 0 : i32
        %dma_wait3A_190 = tpu.memref_slice %arg20[%dma_wait3A_188, %dma_wait3A_189] : memref<10240x144xf32, #tpu.memory_space<vmem_shared>> -> memref<10240x144xf32, #tpu.memory_space<vmem_shared>>
        tpu.wait_indirect_dma semaphore(%arg23 : memref<!tpu.dma_semaphore, #tpu.memory_space<semaphore_mem>>) src(%dma_wait3A_187 : memref<48x144xf32, #tpu.memory_space<vmem>>) dst(%dma_wait3A_190 : memref<10240x144xf32, #tpu.memory_space<vmem_shared>>)
      } else {
      }
      %add3A_131 = arith.constant 1 : i32
      %add3A_132 = arith.addi %add3A_120, %add3A_131 : i32
      %lt3A_133 = arith.constant 90 : i32
      %lt3A_134 = arith.cmpi slt, %add3A_132, %lt3A_133 : i32
      %convert_element_type3A_135 = arith.extui %lt3A_134 : i1 to i32
      %cond3A_136 = arith.constant 0 : i32
      %cond3A_137 = arith.cmpi ne, %convert_element_type3A_135, %cond3A_136 : i32
      scf.if %cond3A_137 {
        %dma_wait3A_179 = tpu.memref_slice %arg4[%mul3A_6] : memref<322560xi32, #tpu.memory_space<hbm>> -> memref<112xi32, #tpu.memory_space<hbm>>
        %dma_wait3A_180 = tpu.memref_slice %arg4[%mul3A_6] : memref<322560xi32, #tpu.memory_space<hbm>> -> memref<112xi32, #tpu.memory_space<hbm>>
        tpu.wait_dma2 semaphore(%arg21 : memref<!tpu.dma_semaphore, #tpu.memory_space<semaphore_mem>>) src(%dma_wait3A_180 : memref<112xi32, #tpu.memory_space<hbm>>) dst(%arg8 : memref<112xi32, #tpu.memory_space<vmem>>)
        %dma_wait3A_181 = tpu.memref_slice %arg5[%mul3A_6] : memref<322560xi32, #tpu.memory_space<hbm>> -> memref<112xi32, #tpu.memory_space<hbm>>
        %dma_wait3A_182 = tpu.memref_slice %arg5[%mul3A_6] : memref<322560xi32, #tpu.memory_space<hbm>> -> memref<112xi32, #tpu.memory_space<hbm>>
        tpu.wait_dma2 semaphore(%arg21 : memref<!tpu.dma_semaphore, #tpu.memory_space<semaphore_mem>>) src(%dma_wait3A_182 : memref<112xi32, #tpu.memory_space<hbm>>) dst(%arg9 : memref<112xi32, #tpu.memory_space<vmem>>)
        %dma_start3A_183 = arith.constant 0 : i32
        %dma_start3A_184 = arith.constant 0 : i32
        %dma_start3A_185 = tpu.memref_slice %arg2[%dma_start3A_183, %dma_start3A_184] : memref<10240x144xf32, #tpu.memory_space<hbm>> -> memref<10240x144xf32, #tpu.memory_space<hbm>>
        tpu.enqueue_indirect_dma source(%dma_start3A_185 : memref<10240x144xf32, #tpu.memory_space<hbm>>) target(%arg12 : memref<112x144xf32, #tpu.memory_space<vmem>>) offsets(%arg8 : memref<112xi32, #tpu.memory_space<vmem>>) semaphore(%arg22 : memref<!tpu.dma_semaphore, #tpu.memory_space<semaphore_mem>>)
        %dma_start3A_186 = arith.constant 0 : i32
        %dma_start3A_187 = arith.constant 0 : i32
        %dma_start3A_188 = tpu.memref_slice %arg3[%dma_start3A_186, %dma_start3A_187] : memref<10240x16xf32, #tpu.memory_space<hbm>> -> memref<10240x16xf32, #tpu.memory_space<hbm>>
        tpu.enqueue_indirect_dma source(%dma_start3A_188 : memref<10240x16xf32, #tpu.memory_space<hbm>>) target(%arg13 : memref<112x16xf32, #tpu.memory_space<vmem>>) offsets(%arg9 : memref<112xi32, #tpu.memory_space<vmem>>) semaphore(%arg22 : memref<!tpu.dma_semaphore, #tpu.memory_space<semaphore_mem>>)
      } else {
      }
      %dma_wait3A_138 = arith.constant 0 : i32
      %dma_wait3A_139 = arith.constant 0 : i32
      %dma_wait3A_140 = tpu.memref_slice %arg2[%dma_wait3A_138, %dma_wait3A_139] : memref<10240x144xf32, #tpu.memory_space<hbm>> -> memref<10240x144xf32, #tpu.memory_space<hbm>>
      tpu.wait_indirect_dma semaphore(%arg25 : memref<!tpu.dma_semaphore, #tpu.memory_space<semaphore_mem>>) src(%dma_wait3A_140 : memref<10240x144xf32, #tpu.memory_space<hbm>>) dst(%arg18 : memref<112x144xf32, #tpu.memory_space<vmem>>)
      %dma_wait3A_141 = arith.constant 0 : i32
      %dma_wait3A_142 = arith.constant 0 : i32
      %dma_wait3A_143 = tpu.memref_slice %arg3[%dma_wait3A_141, %dma_wait3A_142] : memref<10240x16xf32, #tpu.memory_space<hbm>> -> memref<10240x16xf32, #tpu.memory_space<hbm>>
      tpu.wait_indirect_dma semaphore(%arg25 : memref<!tpu.dma_semaphore, #tpu.memory_space<semaphore_mem>>) src(%dma_wait3A_143 : memref<10240x16xf32, #tpu.memory_space<hbm>>) dst(%arg19 : memref<112x16xf32, #tpu.memory_space<vmem>>)
      %scan3A_144 = arith.constant 0 : i32
      %scan3A_145 = arith.constant 4 : i32
      %scan3A_146 = arith.addi %scan3A_144, %scan3A_145 : i32
      %scan3A_147 = arith.constant 1 : i32
      scf.for %scan3A_179 = %scan3A_144 to %scan3A_146 step %scan3A_147  : i32 {
        %mul3A_180 = arith.constant 1 : i32
        %mul3A_181 = arith.muli %scan3A_179, %mul3A_180 : i32
        %add3A_182 = arith.constant 0 : i32
        %add3A_183 = arith.addi %add3A_182, %mul3A_181 : i32
        %mul3A_184 = arith.constant 16 : i32
        %mul3A_185 = arith.muli %add3A_183, %mul3A_184 : i32
        %add3A_186 = arith.constant 0 : i32
        %add3A_187 = arith.addi %add3A_186, %mul3A_185 : i32
        %get3A = arith.index_cast %add3A_187 : i32 to index
        %get3A_188 = tpu.vector_load %arg15[%get3A] {strides = array<i32>} : memref<112xi32, #tpu.memory_space<vmem>>, vector<16xi32>,
        %mul3A_189 = arith.constant 16 : i32
        %mul3A_190 = arith.muli %add3A_183, %mul3A_189 : i32
        %swap3A = arith.index_cast %mul3A_190 : i32 to index
        %swap3A_191 = tpu.vector_load %arg16[%swap3A] {strides = array<i32>} : memref<64xi32, #tpu.memory_space<vmem>>, vector<16xi32>,
        tpu.vector_store %arg16[%swap3A], %get3A_188 {strides = array<i32>} : memref<64xi32, #tpu.memory_space<vmem>>, vector<16xi32>,
      }
      %scan3A_148 = arith.constant 4 : i32
      %parallel_loop3A_149 = arith.constant 0 : i32
      %parallel_loop3A_150 = arith.constant 64 : i32
      %parallel_loop3A_151 = arith.constant 1 : i32
      scf.for %parallel_loop3A_179 = %parallel_loop3A_149 to %parallel_loop3A_150 step %parallel_loop3A_151  : i32 {
        %parallel_loop3A_180 = arith.index_cast %parallel_loop3A_179 : i32 to index
        %parallel_loop3A_181 = arith.constant 128 : index
        %parallel_loop3A_182 = tpu.vector_load %arg18[%parallel_loop3A_180, %parallel_loop3A_181] {strides = array<i32>} : memref<112x144xf32, #tpu.memory_space<vmem>>, vector<16xf32>,
        %parallel_loop3A_183 = arith.index_cast %parallel_loop3A_179 : i32 to index
        %parallel_loop3A_184 = arith.constant 0 : index
        %parallel_loop3A_185 = tpu.vector_load %arg19[%parallel_loop3A_183, %parallel_loop3A_184] {strides = array<i32>} : memref<112x16xf32, #tpu.memory_space<vmem>>, vector<16xf32>,
        %parallel_loop3A_186 = arith.addf %parallel_loop3A_182, %parallel_loop3A_185 : vector<16xf32>
        %parallel_loop3A_187 = arith.constant 2.000000e-01 : f32
        %parallel_loop3A_188 = vector.broadcast %parallel_loop3A_187 : f32 to vector<16xf32>
        %parallel_loop3A_189 = arith.mulf %parallel_loop3A_186, %parallel_loop3A_188 : vector<16xf32>
        %parallel_loop3A_190 = arith.maximumf %parallel_loop3A_186, %parallel_loop3A_189 : vector<16xf32>
        %parallel_loop3A_191 = math.exp %parallel_loop3A_190 : vector<16xf32>
        %parallel_loop3A_192 = arith.index_cast %parallel_loop3A_179 : i32 to index
        %parallel_loop3A_193 = arith.constant 128 : index
        %parallel_loop3A_194 = tpu.vector_load %arg18[%parallel_loop3A_192, %parallel_loop3A_193] {strides = array<i32>} : memref<112x144xf32, #tpu.memory_space<vmem>>, vector<16xf32>,
        tpu.vector_store %arg18[%parallel_loop3A_192, %parallel_loop3A_193], %parallel_loop3A_191 {strides = array<i32>} : memref<112x144xf32, #tpu.memory_space<vmem>>, vector<16xf32>,
        %parallel_loop3A_195 = arith.constant 0 : i32
        %parallel_loop3A_196 = vector.broadcast %parallel_loop3A_195 : i32 to vector<16x1xi32>
        %parallel_loop3A_197 = vector.shape_cast %parallel_loop3A_196 : vector<16x1xi32> to vector<16xi32>
        %parallel_loop3A_198 = tpu.dynamic_gather %parallel_loop3A_191[%parallel_loop3A_197] in [0] : vector<16xf32>, vector<16xi32> -> vector<16xf32>
        %parallel_loop3A_199 = arith.index_cast %parallel_loop3A_179 : i32 to index
        %parallel_loop3A_200 = arith.constant 0 : index
        %parallel_loop3A_201 = tpu.vector_load %arg18[%parallel_loop3A_199, %parallel_loop3A_200] {strides = array<i32>} : memref<112x144xf32, #tpu.memory_space<vmem>>, vector<16xf32>,
        %parallel_loop3A_202 = arith.mulf %parallel_loop3A_198, %parallel_loop3A_201 : vector<16xf32>
        %parallel_loop3A_203 = arith.index_cast %parallel_loop3A_179 : i32 to index
        %parallel_loop3A_204 = arith.constant 0 : index
        %parallel_loop3A_205 = tpu.vector_load %arg18[%parallel_loop3A_203, %parallel_loop3A_204] {strides = array<i32>} : memref<112x144xf32, #tpu.memory_space<vmem>>, vector<16xf32>,
        tpu.vector_store %arg18[%parallel_loop3A_203, %parallel_loop3A_204], %parallel_loop3A_202 {strides = array<i32>} : memref<112x144xf32, #tpu.memory_space<vmem>>, vector<16xf32>,
        %parallel_loop3A_206 = arith.constant 1 : i32
        %parallel_loop3A_207 = vector.broadcast %parallel_loop3A_206 : i32 to vector<16x1xi32>
        %parallel_loop3A_208 = vector.shape_cast %parallel_loop3A_207 : vector<16x1xi32> to vector<16xi32>
        %parallel_loop3A_209 = tpu.dynamic_gather %parallel_loop3A_191[%parallel_loop3A_208] in [0] : vector<16xf32>, vector<16xi32> -> vector<16xf32>
        %parallel_loop3A_210 = arith.index_cast %parallel_loop3A_179 : i32 to index
        %parallel_loop3A_211 = arith.constant 16 : index
        %parallel_loop3A_212 = tpu.vector_load %arg18[%parallel_loop3A_210, %parallel_loop3A_211] {strides = array<i32>} : memref<112x144xf32, #tpu.memory_space<vmem>>, vector<16xf32>,
        %parallel_loop3A_213 = arith.mulf %parallel_loop3A_209, %parallel_loop3A_212 : vector<16xf32>
        %parallel_loop3A_214 = arith.index_cast %parallel_loop3A_179 : i32 to index
        %parallel_loop3A_215 = arith.constant 16 : index
        %parallel_loop3A_216 = tpu.vector_load %arg18[%parallel_loop3A_214, %parallel_loop3A_215] {strides = array<i32>} : memref<112x144xf32, #tpu.memory_space<vmem>>, vector<16xf32>,
        tpu.vector_store %arg18[%parallel_loop3A_214, %parallel_loop3A_215], %parallel_loop3A_213 {strides = array<i32>} : memref<112x144xf32, #tpu.memory_space<vmem>>, vector<16xf32>,
        %parallel_loop3A_217 = arith.constant 2 : i32
        %parallel_loop3A_218 = vector.broadcast %parallel_loop3A_217 : i32 to vector<16x1xi32>
        %parallel_loop3A_219 = vector.shape_cast %parallel_loop3A_218 : vector<16x1xi32> to vector<16xi32>
        %parallel_loop3A_220 = tpu.dynamic_gather %parallel_loop3A_191[%parallel_loop3A_219] in [0] : vector<16xf32>, vector<16xi32> -> vector<16xf32>
        %parallel_loop3A_221 = arith.index_cast %parallel_loop3A_179 : i32 to index
        %parallel_loop3A_222 = arith.constant 32 : index
        %parallel_loop3A_223 = tpu.vector_load %arg18[%parallel_loop3A_221, %parallel_loop3A_222] {strides = array<i32>} : memref<112x144xf32, #tpu.memory_space<vmem>>, vector<16xf32>,
        %parallel_loop3A_224 = arith.mulf %parallel_loop3A_220, %parallel_loop3A_223 : vector<16xf32>
        %parallel_loop3A_225 = arith.index_cast %parallel_loop3A_179 : i32 to index
        %parallel_loop3A_226 = arith.constant 32 : index
        %parallel_loop3A_227 = tpu.vector_load %arg18[%parallel_loop3A_225, %parallel_loop3A_226] {strides = array<i32>} : memref<112x144xf32, #tpu.memory_space<vmem>>, vector<16xf32>,
        tpu.vector_store %arg18[%parallel_loop3A_225, %parallel_loop3A_226], %parallel_loop3A_224 {strides = array<i32>} : memref<112x144xf32, #tpu.memory_space<vmem>>, vector<16xf32>,
        %parallel_loop3A_228 = arith.constant 3 : i32
        %parallel_loop3A_229 = vector.broadcast %parallel_loop3A_228 : i32 to vector<16x1xi32>
        %parallel_loop3A_230 = vector.shape_cast %parallel_loop3A_229 : vector<16x1xi32> to vector<16xi32>
        %parallel_loop3A_231 = tpu.dynamic_gather %parallel_loop3A_191[%parallel_loop3A_230] in [0] : vector<16xf32>, vector<16xi32> -> vector<16xf32>
        %parallel_loop3A_232 = arith.index_cast %parallel_loop3A_179 : i32 to index
        %parallel_loop3A_233 = arith.constant 48 : index
        %parallel_loop3A_234 = tpu.vector_load %arg18[%parallel_loop3A_232, %parallel_loop3A_233] {strides = array<i32>} : memref<112x144xf32, #tpu.memory_space<vmem>>, vector<16xf32>,
        %parallel_loop3A_235 = arith.mulf %parallel_loop3A_231, %parallel_loop3A_234 : vector<16xf32>
        %parallel_loop3A_236 = arith.index_cast %parallel_loop3A_179 : i32 to index
        %parallel_loop3A_237 = arith.constant 48 : index
        %parallel_loop3A_238 = tpu.vector_load %arg18[%parallel_loop3A_236, %parallel_loop3A_237] {strides = array<i32>} : memref<112x144xf32, #tpu.memory_space<vmem>>, vector<16xf32>,
        tpu.vector_store %arg18[%parallel_loop3A_236, %parallel_loop3A_237], %parallel_loop3A_235 {strides = array<i32>} : memref<112x144xf32, #tpu.memory_space<vmem>>, vector<16xf32>,
        %parallel_loop3A_239 = arith.constant 4 : i32
        %parallel_loop3A_240 = vector.broadcast %parallel_loop3A_239 : i32 to vector<16x1xi32>
        %parallel_loop3A_241 = vector.shape_cast %parallel_loop3A_240 : vector<16x1xi32> to vector<16xi32>
        %parallel_loop3A_242 = tpu.dynamic_gather %parallel_loop3A_191[%parallel_loop3A_241] in [0] : vector<16xf32>, vector<16xi32> -> vector<16xf32>
        %parallel_loop3A_243 = arith.index_cast %parallel_loop3A_179 : i32 to index
        %parallel_loop3A_244 = arith.constant 64 : index
        %parallel_loop3A_245 = tpu.vector_load %arg18[%parallel_loop3A_243, %parallel_loop3A_244] {strides = array<i32>} : memref<112x144xf32, #tpu.memory_space<vmem>>, vector<16xf32>,
        %parallel_loop3A_246 = arith.mulf %parallel_loop3A_242, %parallel_loop3A_245 : vector<16xf32>
        %parallel_loop3A_247 = arith.index_cast %parallel_loop3A_179 : i32 to index
        %parallel_loop3A_248 = arith.constant 64 : index
        %parallel_loop3A_249 = tpu.vector_load %arg18[%parallel_loop3A_247, %parallel_loop3A_248] {strides = array<i32>} : memref<112x144xf32, #tpu.memory_space<vmem>>, vector<16xf32>,
        tpu.vector_store %arg18[%parallel_loop3A_247, %parallel_loop3A_248], %parallel_loop3A_246 {strides = array<i32>} : memref<112x144xf32, #tpu.memory_space<vmem>>, vector<16xf32>,
        %parallel_loop3A_250 = arith.constant 5 : i32
        %parallel_loop3A_251 = vector.broadcast %parallel_loop3A_250 : i32 to vector<16x1xi32>
        %parallel_loop3A_252 = vector.shape_cast %parallel_loop3A_251 : vector<16x1xi32> to vector<16xi32>
        %parallel_loop3A_253 = tpu.dynamic_gather %parallel_loop3A_191[%parallel_loop3A_252] in [0] : vector<16xf32>, vector<16xi32> -> vector<16xf32>
        %parallel_loop3A_254 = arith.index_cast %parallel_loop3A_179 : i32 to index
        %parallel_loop3A_255 = arith.constant 80 : index
        %parallel_loop3A_256 = tpu.vector_load %arg18[%parallel_loop3A_254, %parallel_loop3A_255] {strides = array<i32>} : memref<112x144xf32, #tpu.memory_space<vmem>>, vector<16xf32>,
        %parallel_loop3A_257 = arith.mulf %parallel_loop3A_253, %parallel_loop3A_256 : vector<16xf32>
        %parallel_loop3A_258 = arith.index_cast %parallel_loop3A_179 : i32 to index
        %parallel_loop3A_259 = arith.constant 80 : index
        %parallel_loop3A_260 = tpu.vector_load %arg18[%parallel_loop3A_258, %parallel_loop3A_259] {strides = array<i32>} : memref<112x144xf32, #tpu.memory_space<vmem>>, vector<16xf32>,
        tpu.vector_store %arg18[%parallel_loop3A_258, %parallel_loop3A_259], %parallel_loop3A_257 {strides = array<i32>} : memref<112x144xf32, #tpu.memory_space<vmem>>, vector<16xf32>,
        %parallel_loop3A_261 = arith.constant 6 : i32
        %parallel_loop3A_262 = vector.broadcast %parallel_loop3A_261 : i32 to vector<16x1xi32>
        %parallel_loop3A_263 = vector.shape_cast %parallel_loop3A_262 : vector<16x1xi32> to vector<16xi32>
        %parallel_loop3A_264 = tpu.dynamic_gather %parallel_loop3A_191[%parallel_loop3A_263] in [0] : vector<16xf32>, vector<16xi32> -> vector<16xf32>
        %parallel_loop3A_265 = arith.index_cast %parallel_loop3A_179 : i32 to index
        %parallel_loop3A_266 = arith.constant 96 : index
        %parallel_loop3A_267 = tpu.vector_load %arg18[%parallel_loop3A_265, %parallel_loop3A_266] {strides = array<i32>} : memref<112x144xf32, #tpu.memory_space<vmem>>, vector<16xf32>,
        %parallel_loop3A_268 = arith.mulf %parallel_loop3A_264, %parallel_loop3A_267 : vector<16xf32>
        %parallel_loop3A_269 = arith.index_cast %parallel_loop3A_179 : i32 to index
        %parallel_loop3A_270 = arith.constant 96 : index
        %parallel_loop3A_271 = tpu.vector_load %arg18[%parallel_loop3A_269, %parallel_loop3A_270] {strides = array<i32>} : memref<112x144xf32, #tpu.memory_space<vmem>>, vector<16xf32>,
        tpu.vector_store %arg18[%parallel_loop3A_269, %parallel_loop3A_270], %parallel_loop3A_268 {strides = array<i32>} : memref<112x144xf32, #tpu.memory_space<vmem>>, vector<16xf32>,
        %parallel_loop3A_272 = arith.constant 7 : i32
        %parallel_loop3A_273 = vector.broadcast %parallel_loop3A_272 : i32 to vector<16x1xi32>
        %parallel_loop3A_274 = vector.shape_cast %parallel_loop3A_273 : vector<16x1xi32> to vector<16xi32>
        %parallel_loop3A_275 = tpu.dynamic_gather %parallel_loop3A_191[%parallel_loop3A_274] in [0] : vector<16xf32>, vector<16xi32> -> vector<16xf32>
        %parallel_loop3A_276 = arith.index_cast %parallel_loop3A_179 : i32 to index
        %parallel_loop3A_277 = arith.constant 112 : index
        %parallel_loop3A_278 = tpu.vector_load %arg18[%parallel_loop3A_276, %parallel_loop3A_277] {strides = array<i32>} : memref<112x144xf32, #tpu.memory_space<vmem>>, vector<16xf32>,
        %parallel_loop3A_279 = arith.mulf %parallel_loop3A_275, %parallel_loop3A_278 : vector<16xf32>
        %parallel_loop3A_280 = arith.index_cast %parallel_loop3A_179 : i32 to index
        %parallel_loop3A_281 = arith.constant 112 : index
        %parallel_loop3A_282 = tpu.vector_load %arg18[%parallel_loop3A_280, %parallel_loop3A_281] {strides = array<i32>} : memref<112x144xf32, #tpu.memory_space<vmem>>, vector<16xf32>,
        tpu.vector_store %arg18[%parallel_loop3A_280, %parallel_loop3A_281], %parallel_loop3A_279 {strides = array<i32>} : memref<112x144xf32, #tpu.memory_space<vmem>>, vector<16xf32>,
      } {sc.loop_unroll_factor = 2 : i64, sc.parallel_access}
      %dma_start3A_152 = arith.constant 0 : i32
      %dma_start3A_153 = arith.constant 0 : i32
      %dma_start3A_154 = tpu.memref_slice %arg18[%dma_start3A_152, %dma_start3A_153] : memref<112x144xf32, #tpu.memory_space<vmem>> -> memref<64x144xf32, #tpu.memory_space<vmem>>
      %dma_start3A_155 = arith.constant 0 : i32
      %dma_start3A_156 = arith.constant 0 : i32
      %dma_start3A_157 = tpu.memref_slice %arg20[%dma_start3A_155, %dma_start3A_156] : memref<10240x144xf32, #tpu.memory_space<vmem_shared>> -> memref<10240x144xf32, #tpu.memory_space<vmem_shared>>
      tpu.enqueue_indirect_dma source(%dma_start3A_154 : memref<64x144xf32, #tpu.memory_space<vmem>>) target(%dma_start3A_157 : memref<10240x144xf32, #tpu.memory_space<vmem_shared>>) offsets(%arg16 : memref<64xi32, #tpu.memory_space<vmem>>) semaphore(%arg26 : memref<!tpu.dma_semaphore, #tpu.memory_space<semaphore_mem>>) {add = true}
      %scan3A_158 = arith.constant 0 : i32
      %scan3A_159 = arith.constant 3 : i32
      %scan3A_160 = arith.addi %scan3A_158, %scan3A_159 : i32
      %scan3A_161 = arith.constant 1 : i32
      scf.for %scan3A_179 = %scan3A_158 to %scan3A_160 step %scan3A_161  : i32 {
        %mul3A_180 = arith.constant 1 : i32
        %mul3A_181 = arith.muli %scan3A_179, %mul3A_180 : i32
        %add3A_182 = arith.constant 0 : i32
        %add3A_183 = arith.addi %add3A_182, %mul3A_181 : i32
        %mul3A_184 = arith.constant 16 : i32
        %mul3A_185 = arith.muli %add3A_183, %mul3A_184 : i32
        %add3A_186 = arith.constant 64 : i32
        %add3A_187 = arith.addi %add3A_186, %mul3A_185 : i32
        %get3A = arith.index_cast %add3A_187 : i32 to index
        %get3A_188 = tpu.vector_load %arg15[%get3A] {strides = array<i32>} : memref<112xi32, #tpu.memory_space<vmem>>, vector<16xi32>,
        %mul3A_189 = arith.constant 16 : i32
        %mul3A_190 = arith.muli %add3A_183, %mul3A_189 : i32
        %swap3A = arith.index_cast %mul3A_190 : i32 to index
        %swap3A_191 = tpu.vector_load %arg17[%swap3A] {strides = array<i32>} : memref<48xi32, #tpu.memory_space<vmem>>, vector<16xi32>,
        tpu.vector_store %arg17[%swap3A], %get3A_188 {strides = array<i32>} : memref<48xi32, #tpu.memory_space<vmem>>, vector<16xi32>,
      }
      %scan3A_162 = arith.constant 3 : i32
      %parallel_loop3A_163 = arith.constant 64 : i32
      %parallel_loop3A_164 = arith.constant 112 : i32
      %parallel_loop3A_165 = arith.constant 1 : i32
      scf.for %parallel_loop3A_179 = %parallel_loop3A_163 to %parallel_loop3A_164 step %parallel_loop3A_165  : i32 {
        %parallel_loop3A_180 = arith.index_cast %parallel_loop3A_179 : i32 to index
        %parallel_loop3A_181 = arith.constant 128 : index
        %parallel_loop3A_182 = tpu.vector_load %arg18[%parallel_loop3A_180, %parallel_loop3A_181] {strides = array<i32>} : memref<112x144xf32, #tpu.memory_space<vmem>>, vector<16xf32>,
        %parallel_loop3A_183 = arith.index_cast %parallel_loop3A_179 : i32 to index
        %parallel_loop3A_184 = arith.constant 0 : index
        %parallel_loop3A_185 = tpu.vector_load %arg19[%parallel_loop3A_183, %parallel_loop3A_184] {strides = array<i32>} : memref<112x16xf32, #tpu.memory_space<vmem>>, vector<16xf32>,
        %parallel_loop3A_186 = arith.addf %parallel_loop3A_182, %parallel_loop3A_185 : vector<16xf32>
        %parallel_loop3A_187 = arith.constant 2.000000e-01 : f32
        %parallel_loop3A_188 = vector.broadcast %parallel_loop3A_187 : f32 to vector<16xf32>
        %parallel_loop3A_189 = arith.mulf %parallel_loop3A_186, %parallel_loop3A_188 : vector<16xf32>
        %parallel_loop3A_190 = arith.maximumf %parallel_loop3A_186, %parallel_loop3A_189 : vector<16xf32>
        %parallel_loop3A_191 = math.exp %parallel_loop3A_190 : vector<16xf32>
        %parallel_loop3A_192 = arith.index_cast %parallel_loop3A_179 : i32 to index
        %parallel_loop3A_193 = arith.constant 128 : index
        %parallel_loop3A_194 = tpu.vector_load %arg18[%parallel_loop3A_192, %parallel_loop3A_193] {strides = array<i32>} : memref<112x144xf32, #tpu.memory_space<vmem>>, vector<16xf32>,
        tpu.vector_store %arg18[%parallel_loop3A_192, %parallel_loop3A_193], %parallel_loop3A_191 {strides = array<i32>} : memref<112x144xf32, #tpu.memory_space<vmem>>, vector<16xf32>,
        %parallel_loop3A_195 = arith.constant 0 : i32
        %parallel_loop3A_196 = vector.broadcast %parallel_loop3A_195 : i32 to vector<16x1xi32>
        %parallel_loop3A_197 = vector.shape_cast %parallel_loop3A_196 : vector<16x1xi32> to vector<16xi32>
        %parallel_loop3A_198 = tpu.dynamic_gather %parallel_loop3A_191[%parallel_loop3A_197] in [0] : vector<16xf32>, vector<16xi32> -> vector<16xf32>
        %parallel_loop3A_199 = arith.index_cast %parallel_loop3A_179 : i32 to index
        %parallel_loop3A_200 = arith.constant 0 : index
        %parallel_loop3A_201 = tpu.vector_load %arg18[%parallel_loop3A_199, %parallel_loop3A_200] {strides = array<i32>} : memref<112x144xf32, #tpu.memory_space<vmem>>, vector<16xf32>,
        %parallel_loop3A_202 = arith.mulf %parallel_loop3A_198, %parallel_loop3A_201 : vector<16xf32>
        %parallel_loop3A_203 = arith.index_cast %parallel_loop3A_179 : i32 to index
        %parallel_loop3A_204 = arith.constant 0 : index
        %parallel_loop3A_205 = tpu.vector_load %arg18[%parallel_loop3A_203, %parallel_loop3A_204] {strides = array<i32>} : memref<112x144xf32, #tpu.memory_space<vmem>>, vector<16xf32>,
        tpu.vector_store %arg18[%parallel_loop3A_203, %parallel_loop3A_204], %parallel_loop3A_202 {strides = array<i32>} : memref<112x144xf32, #tpu.memory_space<vmem>>, vector<16xf32>,
        %parallel_loop3A_206 = arith.constant 1 : i32
        %parallel_loop3A_207 = vector.broadcast %parallel_loop3A_206 : i32 to vector<16x1xi32>
        %parallel_loop3A_208 = vector.shape_cast %parallel_loop3A_207 : vector<16x1xi32> to vector<16xi32>
        %parallel_loop3A_209 = tpu.dynamic_gather %parallel_loop3A_191[%parallel_loop3A_208] in [0] : vector<16xf32>, vector<16xi32> -> vector<16xf32>
        %parallel_loop3A_210 = arith.index_cast %parallel_loop3A_179 : i32 to index
        %parallel_loop3A_211 = arith.constant 16 : index
        %parallel_loop3A_212 = tpu.vector_load %arg18[%parallel_loop3A_210, %parallel_loop3A_211] {strides = array<i32>} : memref<112x144xf32, #tpu.memory_space<vmem>>, vector<16xf32>,
        %parallel_loop3A_213 = arith.mulf %parallel_loop3A_209, %parallel_loop3A_212 : vector<16xf32>
        %parallel_loop3A_214 = arith.index_cast %parallel_loop3A_179 : i32 to index
        %parallel_loop3A_215 = arith.constant 16 : index
        %parallel_loop3A_216 = tpu.vector_load %arg18[%parallel_loop3A_214, %parallel_loop3A_215] {strides = array<i32>} : memref<112x144xf32, #tpu.memory_space<vmem>>, vector<16xf32>,
        tpu.vector_store %arg18[%parallel_loop3A_214, %parallel_loop3A_215], %parallel_loop3A_213 {strides = array<i32>} : memref<112x144xf32, #tpu.memory_space<vmem>>, vector<16xf32>,
        %parallel_loop3A_217 = arith.constant 2 : i32
        %parallel_loop3A_218 = vector.broadcast %parallel_loop3A_217 : i32 to vector<16x1xi32>
        %parallel_loop3A_219 = vector.shape_cast %parallel_loop3A_218 : vector<16x1xi32> to vector<16xi32>
        %parallel_loop3A_220 = tpu.dynamic_gather %parallel_loop3A_191[%parallel_loop3A_219] in [0] : vector<16xf32>, vector<16xi32> -> vector<16xf32>
        %parallel_loop3A_221 = arith.index_cast %parallel_loop3A_179 : i32 to index
        %parallel_loop3A_222 = arith.constant 32 : index
        %parallel_loop3A_223 = tpu.vector_load %arg18[%parallel_loop3A_221, %parallel_loop3A_222] {strides = array<i32>} : memref<112x144xf32, #tpu.memory_space<vmem>>, vector<16xf32>,
        %parallel_loop3A_224 = arith.mulf %parallel_loop3A_220, %parallel_loop3A_223 : vector<16xf32>
        %parallel_loop3A_225 = arith.index_cast %parallel_loop3A_179 : i32 to index
        %parallel_loop3A_226 = arith.constant 32 : index
        %parallel_loop3A_227 = tpu.vector_load %arg18[%parallel_loop3A_225, %parallel_loop3A_226] {strides = array<i32>} : memref<112x144xf32, #tpu.memory_space<vmem>>, vector<16xf32>,
        tpu.vector_store %arg18[%parallel_loop3A_225, %parallel_loop3A_226], %parallel_loop3A_224 {strides = array<i32>} : memref<112x144xf32, #tpu.memory_space<vmem>>, vector<16xf32>,
        %parallel_loop3A_228 = arith.constant 3 : i32
        %parallel_loop3A_229 = vector.broadcast %parallel_loop3A_228 : i32 to vector<16x1xi32>
        %parallel_loop3A_230 = vector.shape_cast %parallel_loop3A_229 : vector<16x1xi32> to vector<16xi32>
        %parallel_loop3A_231 = tpu.dynamic_gather %parallel_loop3A_191[%parallel_loop3A_230] in [0] : vector<16xf32>, vector<16xi32> -> vector<16xf32>
        %parallel_loop3A_232 = arith.index_cast %parallel_loop3A_179 : i32 to index
        %parallel_loop3A_233 = arith.constant 48 : index
        %parallel_loop3A_234 = tpu.vector_load %arg18[%parallel_loop3A_232, %parallel_loop3A_233] {strides = array<i32>} : memref<112x144xf32, #tpu.memory_space<vmem>>, vector<16xf32>,
        %parallel_loop3A_235 = arith.mulf %parallel_loop3A_231, %parallel_loop3A_234 : vector<16xf32>
        %parallel_loop3A_236 = arith.index_cast %parallel_loop3A_179 : i32 to index
        %parallel_loop3A_237 = arith.constant 48 : index
        %parallel_loop3A_238 = tpu.vector_load %arg18[%parallel_loop3A_236, %parallel_loop3A_237] {strides = array<i32>} : memref<112x144xf32, #tpu.memory_space<vmem>>, vector<16xf32>,
        tpu.vector_store %arg18[%parallel_loop3A_236, %parallel_loop3A_237], %parallel_loop3A_235 {strides = array<i32>} : memref<112x144xf32, #tpu.memory_space<vmem>>, vector<16xf32>,
        %parallel_loop3A_239 = arith.constant 4 : i32
        %parallel_loop3A_240 = vector.broadcast %parallel_loop3A_239 : i32 to vector<16x1xi32>
        %parallel_loop3A_241 = vector.shape_cast %parallel_loop3A_240 : vector<16x1xi32> to vector<16xi32>
        %parallel_loop3A_242 = tpu.dynamic_gather %parallel_loop3A_191[%parallel_loop3A_241] in [0] : vector<16xf32>, vector<16xi32> -> vector<16xf32>
        %parallel_loop3A_243 = arith.index_cast %parallel_loop3A_179 : i32 to index
        %parallel_loop3A_244 = arith.constant 64 : index
        %parallel_loop3A_245 = tpu.vector_load %arg18[%parallel_loop3A_243, %parallel_loop3A_244] {strides = array<i32>} : memref<112x144xf32, #tpu.memory_space<vmem>>, vector<16xf32>,
        %parallel_loop3A_246 = arith.mulf %parallel_loop3A_242, %parallel_loop3A_245 : vector<16xf32>
        %parallel_loop3A_247 = arith.index_cast %parallel_loop3A_179 : i32 to index
        %parallel_loop3A_248 = arith.constant 64 : index
        %parallel_loop3A_249 = tpu.vector_load %arg18[%parallel_loop3A_247, %parallel_loop3A_248] {strides = array<i32>} : memref<112x144xf32, #tpu.memory_space<vmem>>, vector<16xf32>,
        tpu.vector_store %arg18[%parallel_loop3A_247, %parallel_loop3A_248], %parallel_loop3A_246 {strides = array<i32>} : memref<112x144xf32, #tpu.memory_space<vmem>>, vector<16xf32>,
        %parallel_loop3A_250 = arith.constant 5 : i32
        %parallel_loop3A_251 = vector.broadcast %parallel_loop3A_250 : i32 to vector<16x1xi32>
        %parallel_loop3A_252 = vector.shape_cast %parallel_loop3A_251 : vector<16x1xi32> to vector<16xi32>
        %parallel_loop3A_253 = tpu.dynamic_gather %parallel_loop3A_191[%parallel_loop3A_252] in [0] : vector<16xf32>, vector<16xi32> -> vector<16xf32>
        %parallel_loop3A_254 = arith.index_cast %parallel_loop3A_179 : i32 to index
        %parallel_loop3A_255 = arith.constant 80 : index
        %parallel_loop3A_256 = tpu.vector_load %arg18[%parallel_loop3A_254, %parallel_loop3A_255] {strides = array<i32>} : memref<112x144xf32, #tpu.memory_space<vmem>>, vector<16xf32>,
        %parallel_loop3A_257 = arith.mulf %parallel_loop3A_253, %parallel_loop3A_256 : vector<16xf32>
        %parallel_loop3A_258 = arith.index_cast %parallel_loop3A_179 : i32 to index
        %parallel_loop3A_259 = arith.constant 80 : index
        %parallel_loop3A_260 = tpu.vector_load %arg18[%parallel_loop3A_258, %parallel_loop3A_259] {strides = array<i32>} : memref<112x144xf32, #tpu.memory_space<vmem>>, vector<16xf32>,
        tpu.vector_store %arg18[%parallel_loop3A_258, %parallel_loop3A_259], %parallel_loop3A_257 {strides = array<i32>} : memref<112x144xf32, #tpu.memory_space<vmem>>, vector<16xf32>,
        %parallel_loop3A_261 = arith.constant 6 : i32
        %parallel_loop3A_262 = vector.broadcast %parallel_loop3A_261 : i32 to vector<16x1xi32>
        %parallel_loop3A_263 = vector.shape_cast %parallel_loop3A_262 : vector<16x1xi32> to vector<16xi32>
        %parallel_loop3A_264 = tpu.dynamic_gather %parallel_loop3A_191[%parallel_loop3A_263] in [0] : vector<16xf32>, vector<16xi32> -> vector<16xf32>
        %parallel_loop3A_265 = arith.index_cast %parallel_loop3A_179 : i32 to index
        %parallel_loop3A_266 = arith.constant 96 : index
        %parallel_loop3A_267 = tpu.vector_load %arg18[%parallel_loop3A_265, %parallel_loop3A_266] {strides = array<i32>} : memref<112x144xf32, #tpu.memory_space<vmem>>, vector<16xf32>,
        %parallel_loop3A_268 = arith.mulf %parallel_loop3A_264, %parallel_loop3A_267 : vector<16xf32>
        %parallel_loop3A_269 = arith.index_cast %parallel_loop3A_179 : i32 to index
        %parallel_loop3A_270 = arith.constant 96 : index
        %parallel_loop3A_271 = tpu.vector_load %arg18[%parallel_loop3A_269, %parallel_loop3A_270] {strides = array<i32>} : memref<112x144xf32, #tpu.memory_space<vmem>>, vector<16xf32>,
        tpu.vector_store %arg18[%parallel_loop3A_269, %parallel_loop3A_270], %parallel_loop3A_268 {strides = array<i32>} : memref<112x144xf32, #tpu.memory_space<vmem>>, vector<16xf32>,
        %parallel_loop3A_272 = arith.constant 7 : i32
        %parallel_loop3A_273 = vector.broadcast %parallel_loop3A_272 : i32 to vector<16x1xi32>
        %parallel_loop3A_274 = vector.shape_cast %parallel_loop3A_273 : vector<16x1xi32> to vector<16xi32>
        %parallel_loop3A_275 = tpu.dynamic_gather %parallel_loop3A_191[%parallel_loop3A_274] in [0] : vector<16xf32>, vector<16xi32> -> vector<16xf32>
        %parallel_loop3A_276 = arith.index_cast %parallel_loop3A_179 : i32 to index
        %parallel_loop3A_277 = arith.constant 112 : index
        %parallel_loop3A_278 = tpu.vector_load %arg18[%parallel_loop3A_276, %parallel_loop3A_277] {strides = array<i32>} : memref<112x144xf32, #tpu.memory_space<vmem>>, vector<16xf32>,
        %parallel_loop3A_279 = arith.mulf %parallel_loop3A_275, %parallel_loop3A_278 : vector<16xf32>
        %parallel_loop3A_280 = arith.index_cast %parallel_loop3A_179 : i32 to index
        %parallel_loop3A_281 = arith.constant 112 : index
        %parallel_loop3A_282 = tpu.vector_load %arg18[%parallel_loop3A_280, %parallel_loop3A_281] {strides = array<i32>} : memref<112x144xf32, #tpu.memory_space<vmem>>, vector<16xf32>,
        tpu.vector_store %arg18[%parallel_loop3A_280, %parallel_loop3A_281], %parallel_loop3A_279 {strides = array<i32>} : memref<112x144xf32, #tpu.memory_space<vmem>>, vector<16xf32>,
      } {sc.loop_unroll_factor = 2 : i64, sc.parallel_access}
      %dma_start3A_166 = arith.constant 64 : i32
      %dma_start3A_167 = arith.constant 0 : i32
      %dma_start3A_168 = tpu.memref_slice %arg18[%dma_start3A_166, %dma_start3A_167] : memref<112x144xf32, #tpu.memory_space<vmem>> -> memref<48x144xf32, #tpu.memory_space<vmem>>
      %dma_start3A_169 = arith.constant 0 : i32
      %dma_start3A_170 = arith.constant 0 : i32
      %dma_start3A_171 = tpu.memref_slice %arg20[%dma_start3A_169, %dma_start3A_170] : memref<10240x144xf32, #tpu.memory_space<vmem_shared>> -> memref<10240x144xf32, #tpu.memory_space<vmem_shared>>
      tpu.enqueue_indirect_dma source(%dma_start3A_168 : memref<48x144xf32, #tpu.memory_space<vmem>>) target(%dma_start3A_171 : memref<10240x144xf32, #tpu.memory_space<vmem_shared>>) offsets(%arg17 : memref<48xi32, #tpu.memory_space<vmem>>) semaphore(%arg26 : memref<!tpu.dma_semaphore, #tpu.memory_space<semaphore_mem>>) {add = true}
      %add3A_172 = arith.constant 2 : i32
      %add3A_173 = arith.addi %add3A_120, %add3A_172 : i32
      %lt3A_174 = arith.constant 90 : i32
      %lt3A_175 = arith.cmpi slt, %add3A_173, %lt3A_174 : i32
      %convert_element_type3A_176 = arith.extui %lt3A_175 : i1 to i32
      %cond3A_177 = arith.constant 0 : i32
      %cond3A_178 = arith.cmpi ne, %convert_element_type3A_176, %cond3A_177 : i32
      scf.if %cond3A_178 {
        %add3A_179 = arith.constant 2 : i32
        %add3A_180 = arith.addi %add3A_120, %add3A_179 : i32
        %mul3A_181 = arith.constant 112 : i32
        %mul3A_182 = arith.muli %add3A_180, %mul3A_181 : i32
        %add3A_183 = arith.addi %mul3A_6, %mul3A_182 : i32
        %dma_start3A_184 = tpu.memref_slice %arg4[%add3A_183] : memref<322560xi32, #tpu.memory_space<hbm>> -> memref<112xi32, #tpu.memory_space<hbm>>
        %dma_start3A_185 = tpu.memref_slice %arg4[%add3A_183] : memref<322560xi32, #tpu.memory_space<hbm>> -> memref<112xi32, #tpu.memory_space<hbm>>
        tpu.enqueue_dma source(%dma_start3A_185 : memref<112xi32, #tpu.memory_space<hbm>>) target(%arg14 : memref<112xi32, #tpu.memory_space<vmem>>) target_semaphore(%arg24 : memref<!tpu.dma_semaphore, #tpu.memory_space<semaphore_mem>>)
        %dma_start3A_186 = tpu.memref_slice %arg5[%add3A_183] : memref<322560xi32, #tpu.memory_space<hbm>> -> memref<112xi32, #tpu.memory_space<hbm>>
        %dma_start3A_187 = tpu.memref_slice %arg5[%add3A_183] : memref<322560xi32, #tpu.memory_space<hbm>> -> memref<112xi32, #tpu.memory_space<hbm>>
        tpu.enqueue_dma source(%dma_start3A_187 : memref<112xi32, #tpu.memory_space<hbm>>) target(%arg15 : memref<112xi32, #tpu.memory_space<vmem>>) target_semaphore(%arg24 : memref<!tpu.dma_semaphore, #tpu.memory_space<semaphore_mem>>)
      } else {
      }
    }
    %scan3A_30 = arith.constant 45 : i32
    %dma_wait3A_31 = arith.constant 0 : i32
    %dma_wait3A_32 = arith.constant 0 : i32
    %dma_wait3A_33 = tpu.memref_slice %arg12[%dma_wait3A_31, %dma_wait3A_32] : memref<112x144xf32, #tpu.memory_space<vmem>> -> memref<64x144xf32, #tpu.memory_space<vmem>>
    %dma_wait3A_34 = arith.constant 0 : i32
    %dma_wait3A_35 = arith.constant 0 : i32
    %dma_wait3A_36 = tpu.memref_slice %arg20[%dma_wait3A_34, %dma_wait3A_35] : memref<10240x144xf32, #tpu.memory_space<vmem_shared>> -> memref<10240x144xf32, #tpu.memory_space<vmem_shared>>
    tpu.wait_indirect_dma semaphore(%arg23 : memref<!tpu.dma_semaphore, #tpu.memory_space<semaphore_mem>>) src(%dma_wait3A_33 : memref<64x144xf32, #tpu.memory_space<vmem>>) dst(%dma_wait3A_36 : memref<10240x144xf32, #tpu.memory_space<vmem_shared>>)
    %dma_wait3A_37 = arith.constant 64 : i32
    %dma_wait3A_38 = arith.constant 0 : i32
    %dma_wait3A_39 = tpu.memref_slice %arg12[%dma_wait3A_37, %dma_wait3A_38] : memref<112x144xf32, #tpu.memory_space<vmem>> -> memref<48x144xf32, #tpu.memory_space<vmem>>
    %dma_wait3A_40 = arith.constant 0 : i32
    %dma_wait3A_41 = arith.constant 0 : i32
    %dma_wait3A_42 = tpu.memref_slice %arg20[%dma_wait3A_40, %dma_wait3A_41] : memref<10240x144xf32, #tpu.memory_space<vmem_shared>> -> memref<10240x144xf32, #tpu.memory_space<vmem_shared>>
    tpu.wait_indirect_dma semaphore(%arg23 : memref<!tpu.dma_semaphore, #tpu.memory_space<semaphore_mem>>) src(%dma_wait3A_39 : memref<48x144xf32, #tpu.memory_space<vmem>>) dst(%dma_wait3A_42 : memref<10240x144xf32, #tpu.memory_space<vmem_shared>>)
    %dma_wait3A_43 = arith.constant 0 : i32
    %dma_wait3A_44 = arith.constant 0 : i32
    %dma_wait3A_45 = tpu.memref_slice %arg18[%dma_wait3A_43, %dma_wait3A_44] : memref<112x144xf32, #tpu.memory_space<vmem>> -> memref<64x144xf32, #tpu.memory_space<vmem>>
    %dma_wait3A_46 = arith.constant 0 : i32
    %dma_wait3A_47 = arith.constant 0 : i32
    %dma_wait3A_48 = tpu.memref_slice %arg20[%dma_wait3A_46, %dma_wait3A_47] : memref<10240x144xf32, #tpu.memory_space<vmem_shared>> -> memref<10240x144xf32, #tpu.memory_space<vmem_shared>>
    tpu.wait_indirect_dma semaphore(%arg26 : memref<!tpu.dma_semaphore, #tpu.memory_space<semaphore_mem>>) src(%dma_wait3A_45 : memref<64x144xf32, #tpu.memory_space<vmem>>) dst(%dma_wait3A_48 : memref<10240x144xf32, #tpu.memory_space<vmem_shared>>)
    %dma_wait3A_49 = arith.constant 64 : i32
    %dma_wait3A_50 = arith.constant 0 : i32
    %dma_wait3A_51 = tpu.memref_slice %arg18[%dma_wait3A_49, %dma_wait3A_50] : memref<112x144xf32, #tpu.memory_space<vmem>> -> memref<48x144xf32, #tpu.memory_space<vmem>>
    %dma_wait3A_52 = arith.constant 0 : i32
    %dma_wait3A_53 = arith.constant 0 : i32
    %dma_wait3A_54 = tpu.memref_slice %arg20[%dma_wait3A_52, %dma_wait3A_53] : memref<10240x144xf32, #tpu.memory_space<vmem_shared>> -> memref<10240x144xf32, #tpu.memory_space<vmem_shared>>
    tpu.wait_indirect_dma semaphore(%arg26 : memref<!tpu.dma_semaphore, #tpu.memory_space<semaphore_mem>>) src(%dma_wait3A_51 : memref<48x144xf32, #tpu.memory_space<vmem>>) dst(%dma_wait3A_54 : memref<10240x144xf32, #tpu.memory_space<vmem_shared>>)
    %barrier3A_55 = arith.constant 0 : index
    tpu.barrier barrier_id(%barrier3A_55)
    %mul3A_56 = arith.constant 640 : i32
    %mul3A_57 = arith.muli %arg1, %mul3A_56 : i32
    %mul3A_58 = arith.constant 640 : i32
    %mul3A_59 = arith.muli %arg1, %mul3A_58 : i32
    "tpu.region"() ({
      %run_scoped3A = tpu.sem_alloc : memref<!tpu.dma_semaphore, #tpu.memory_space<semaphore_mem>>
      %dma_start3A_60 = arith.constant 0 : i32
      %dma_start3A_61 = tpu.memref_slice %arg7[%arg0, %mul3A_59, %dma_start3A_60] : memref<2x10240x144xf32, #tpu.memory_space<hbm>> -> memref<1x640x144xf32, #tpu.memory_space<hbm>>
      %dma_start3A_62 = tpu.memref_squeeze %dma_start3A_61 : memref<1x640x144xf32, #tpu.memory_space<hbm>> -> memref<640x144xf32, #tpu.memory_space<hbm>>
      %dma_start3A_63 = arith.constant 0 : i32
      %dma_start3A_64 = tpu.memref_slice %arg20[%mul3A_57, %dma_start3A_63] : memref<10240x144xf32, #tpu.memory_space<vmem_shared>> -> memref<640x144xf32, #tpu.memory_space<vmem_shared>>
      tpu.enqueue_dma source(%dma_start3A_64 : memref<640x144xf32, #tpu.memory_space<vmem_shared>>) target(%dma_start3A_62 : memref<640x144xf32, #tpu.memory_space<hbm>>) target_semaphore(%run_scoped3A : memref<!tpu.dma_semaphore, #tpu.memory_space<semaphore_mem>>)
      %dma_wait3A_65 = arith.constant 0 : i32
      %dma_wait3A_66 = tpu.memref_slice %arg7[%arg0, %mul3A_59, %dma_wait3A_65] : memref<2x10240x144xf32, #tpu.memory_space<hbm>> -> memref<1x640x144xf32, #tpu.memory_space<hbm>>
      %dma_wait3A_67 = tpu.memref_squeeze %dma_wait3A_66 : memref<1x640x144xf32, #tpu.memory_space<hbm>> -> memref<640x144xf32, #tpu.memory_space<hbm>>
      %dma_wait3A_68 = arith.constant 0 : i32
      %dma_wait3A_69 = tpu.memref_slice %arg20[%mul3A_57, %dma_wait3A_68] : memref<10240x144xf32, #tpu.memory_space<vmem_shared>> -> memref<640x144xf32, #tpu.memory_space<vmem_shared>>
      tpu.wait_dma2 semaphore(%run_scoped3A : memref<!tpu.dma_semaphore, #tpu.memory_space<semaphore_mem>>) src(%dma_wait3A_69 : memref<640x144xf32, #tpu.memory_space<vmem_shared>>) dst(%dma_wait3A_67 : memref<640x144xf32, #tpu.memory_space<hbm>>)
      tpu.yield
    }) : () -> ()
    return
  }
}

#map = affine_map<(d0, d1) -> (0, 0)>
#map1 = affine_map<(d0, d1) -> (0)>
#map2 = affine_map<(d0, d1) -> (0, 0, 0)>
module attributes {stable_mosaic.version = 14 : i64} {
  func.func @body(%arg0: i32, %arg1: i32, %arg2: memref<10240x80xf32, #tpu.memory_space<hbm>>, %arg3: memref<10240x16xf32, #tpu.memory_space<hbm>>, %arg4: memref<322560xi32, #tpu.memory_space<hbm>>, %arg5: memref<322560xi32, #tpu.memory_space<hbm>>, %arg6: memref<10240x80xf32, #tpu.memory_space<hbm>>, %arg7: memref<2x10240x80xf32, #tpu.memory_space<hbm>>, %arg8: memref<112xi32, #tpu.memory_space<vmem>>, %arg9: memref<112xi32, #tpu.memory_space<vmem>>, %arg10: memref<64xi32, #tpu.memory_space<vmem>>, %arg11: memref<48xi32, #tpu.memory_space<vmem>>, %arg12: memref<112x80xf32, #tpu.memory_space<vmem>>, %arg13: memref<112x16xf32, #tpu.memory_space<vmem>>, %arg14: memref<112xi32, #tpu.memory_space<vmem>>, %arg15: memref<112xi32, #tpu.memory_space<vmem>>, %arg16: memref<64xi32, #tpu.memory_space<vmem>>, %arg17: memref<48xi32, #tpu.memory_space<vmem>>, %arg18: memref<112x80xf32, #tpu.memory_space<vmem>>, %arg19: memref<112x16xf32, #tpu.memory_space<vmem>>, %arg20: memref<10240x80xf32, #tpu.memory_space<vmem_shared>>, %arg21: memref<!tpu.dma_semaphore, #tpu.memory_space<semaphore_mem>>, %arg22: memref<!tpu.dma_semaphore, #tpu.memory_space<semaphore_mem>>, %arg23: memref<!tpu.dma_semaphore, #tpu.memory_space<semaphore_mem>>, %arg24: memref<!tpu.dma_semaphore, #tpu.memory_space<semaphore_mem>>, %arg25: memref<!tpu.dma_semaphore, #tpu.memory_space<semaphore_mem>>, %arg26: memref<!tpu.dma_semaphore, #tpu.memory_space<semaphore_mem>>) attributes {dimension_semantics = [#tpu.dimension_semantics<core_parallel>, #tpu.dimension_semantics<subcore_parallel>], iteration_bounds = array<i64: 2, 16>, scalar_prefetch = 0 : i64, scratch_operands = 19 : i64, tpu.core_type = #tpu.core_type<sc_vector_subcore>, window_params = [{transform_indices = #map}, {transform_indices = #map}, {transform_indices = #map1}, {transform_indices = #map1}, {transform_indices = #map}, {transform_indices = #map2}]} {
    %mul3A = arith.constant 16 : i32
    %mul3A_0 = arith.muli %arg0, %mul3A : i32
    %add3A = arith.addi %mul3A_0, %arg1 : i32
    %mul3A_1 = arith.constant 640 : i32
    %mul3A_2 = arith.muli %arg1, %mul3A_1 : i32
    %mul3A_3 = arith.constant 640 : i32
    %mul3A_4 = arith.muli %arg1, %mul3A_3 : i32
    "tpu.region"() ({
      %run_scoped3A = tpu.sem_alloc : memref<!tpu.dma_semaphore, #tpu.memory_space<semaphore_mem>>
      %dma_start3A_60 = arith.constant 0 : i32
      %dma_start3A_61 = tpu.memref_slice %arg20[%mul3A_4, %dma_start3A_60] : memref<10240x80xf32, #tpu.memory_space<vmem_shared>> -> memref<640x80xf32, #tpu.memory_space<vmem_shared>>
      %dma_start3A_62 = arith.constant 0 : i32
      %dma_start3A_63 = tpu.memref_slice %arg6[%mul3A_2, %dma_start3A_62] : memref<10240x80xf32, #tpu.memory_space<hbm>> -> memref<640x80xf32, #tpu.memory_space<hbm>>
      tpu.enqueue_dma source(%dma_start3A_63 : memref<640x80xf32, #tpu.memory_space<hbm>>) target(%dma_start3A_61 : memref<640x80xf32, #tpu.memory_space<vmem_shared>>) target_semaphore(%run_scoped3A : memref<!tpu.dma_semaphore, #tpu.memory_space<semaphore_mem>>)
      %dma_wait3A_64 = arith.constant 0 : i32
      %dma_wait3A_65 = tpu.memref_slice %arg20[%mul3A_4, %dma_wait3A_64] : memref<10240x80xf32, #tpu.memory_space<vmem_shared>> -> memref<640x80xf32, #tpu.memory_space<vmem_shared>>
      %dma_wait3A_66 = arith.constant 0 : i32
      %dma_wait3A_67 = tpu.memref_slice %arg6[%mul3A_2, %dma_wait3A_66] : memref<10240x80xf32, #tpu.memory_space<hbm>> -> memref<640x80xf32, #tpu.memory_space<hbm>>
      tpu.wait_dma2 semaphore(%run_scoped3A : memref<!tpu.dma_semaphore, #tpu.memory_space<semaphore_mem>>) src(%dma_wait3A_67 : memref<640x80xf32, #tpu.memory_space<hbm>>) dst(%dma_wait3A_65 : memref<640x80xf32, #tpu.memory_space<vmem_shared>>)
      tpu.yield
    }) : () -> ()
    %barrier3A = arith.constant 0 : index
    tpu.barrier barrier_id(%barrier3A)
    %mul3A_5 = arith.constant 10080 : i32
    %mul3A_6 = arith.muli %add3A, %mul3A_5 : i32
    %add3A_7 = arith.constant 0 : i32
    %add3A_8 = arith.addi %mul3A_6, %add3A_7 : i32
    %dma_start3A = tpu.memref_slice %arg4[%add3A_8] : memref<322560xi32, #tpu.memory_space<hbm>> -> memref<112xi32, #tpu.memory_space<hbm>>
    %dma_start3A_9 = tpu.memref_slice %arg4[%add3A_8] : memref<322560xi32, #tpu.memory_space<hbm>> -> memref<112xi32, #tpu.memory_space<hbm>>
    tpu.enqueue_dma source(%dma_start3A_9 : memref<112xi32, #tpu.memory_space<hbm>>) target(%arg8 : memref<112xi32, #tpu.memory_space<vmem>>) target_semaphore(%arg21 : memref<!tpu.dma_semaphore, #tpu.memory_space<semaphore_mem>>)
    %dma_start3A_10 = tpu.memref_slice %arg5[%add3A_8] : memref<322560xi32, #tpu.memory_space<hbm>> -> memref<112xi32, #tpu.memory_space<hbm>>
    %dma_start3A_11 = tpu.memref_slice %arg5[%add3A_8] : memref<322560xi32, #tpu.memory_space<hbm>> -> memref<112xi32, #tpu.memory_space<hbm>>
    tpu.enqueue_dma source(%dma_start3A_11 : memref<112xi32, #tpu.memory_space<hbm>>) target(%arg9 : memref<112xi32, #tpu.memory_space<vmem>>) target_semaphore(%arg21 : memref<!tpu.dma_semaphore, #tpu.memory_space<semaphore_mem>>)
    %add3A_12 = arith.constant 112 : i32
    %add3A_13 = arith.addi %mul3A_6, %add3A_12 : i32
    %dma_start3A_14 = tpu.memref_slice %arg4[%add3A_13] : memref<322560xi32, #tpu.memory_space<hbm>> -> memref<112xi32, #tpu.memory_space<hbm>>
    %dma_start3A_15 = tpu.memref_slice %arg4[%add3A_13] : memref<322560xi32, #tpu.memory_space<hbm>> -> memref<112xi32, #tpu.memory_space<hbm>>
    tpu.enqueue_dma source(%dma_start3A_15 : memref<112xi32, #tpu.memory_space<hbm>>) target(%arg14 : memref<112xi32, #tpu.memory_space<vmem>>) target_semaphore(%arg24 : memref<!tpu.dma_semaphore, #tpu.memory_space<semaphore_mem>>)
    %dma_start3A_16 = tpu.memref_slice %arg5[%add3A_13] : memref<322560xi32, #tpu.memory_space<hbm>> -> memref<112xi32, #tpu.memory_space<hbm>>
    %dma_start3A_17 = tpu.memref_slice %arg5[%add3A_13] : memref<322560xi32, #tpu.memory_space<hbm>> -> memref<112xi32, #tpu.memory_space<hbm>>
    tpu.enqueue_dma source(%dma_start3A_17 : memref<112xi32, #tpu.memory_space<hbm>>) target(%arg15 : memref<112xi32, #tpu.memory_space<vmem>>) target_semaphore(%arg24 : memref<!tpu.dma_semaphore, #tpu.memory_space<semaphore_mem>>)
    %dma_wait3A = tpu.memref_slice %arg4[%mul3A_6] : memref<322560xi32, #tpu.memory_space<hbm>> -> memref<112xi32, #tpu.memory_space<hbm>>
    %dma_wait3A_18 = tpu.memref_slice %arg4[%mul3A_6] : memref<322560xi32, #tpu.memory_space<hbm>> -> memref<112xi32, #tpu.memory_space<hbm>>
    tpu.wait_dma2 semaphore(%arg21 : memref<!tpu.dma_semaphore, #tpu.memory_space<semaphore_mem>>) src(%dma_wait3A_18 : memref<112xi32, #tpu.memory_space<hbm>>) dst(%arg8 : memref<112xi32, #tpu.memory_space<vmem>>)
    %dma_wait3A_19 = tpu.memref_slice %arg5[%mul3A_6] : memref<322560xi32, #tpu.memory_space<hbm>> -> memref<112xi32, #tpu.memory_space<hbm>>
    %dma_wait3A_20 = tpu.memref_slice %arg5[%mul3A_6] : memref<322560xi32, #tpu.memory_space<hbm>> -> memref<112xi32, #tpu.memory_space<hbm>>
    tpu.wait_dma2 semaphore(%arg21 : memref<!tpu.dma_semaphore, #tpu.memory_space<semaphore_mem>>) src(%dma_wait3A_20 : memref<112xi32, #tpu.memory_space<hbm>>) dst(%arg9 : memref<112xi32, #tpu.memory_space<vmem>>)
    %dma_start3A_21 = arith.constant 0 : i32
    %dma_start3A_22 = arith.constant 0 : i32
    %dma_start3A_23 = tpu.memref_slice %arg2[%dma_start3A_21, %dma_start3A_22] : memref<10240x80xf32, #tpu.memory_space<hbm>> -> memref<10240x80xf32, #tpu.memory_space<hbm>>
    tpu.enqueue_indirect_dma source(%dma_start3A_23 : memref<10240x80xf32, #tpu.memory_space<hbm>>) target(%arg12 : memref<112x80xf32, #tpu.memory_space<vmem>>) offsets(%arg8 : memref<112xi32, #tpu.memory_space<vmem>>) semaphore(%arg22 : memref<!tpu.dma_semaphore, #tpu.memory_space<semaphore_mem>>)
    %dma_start3A_24 = arith.constant 0 : i32
    %dma_start3A_25 = arith.constant 0 : i32
    %dma_start3A_26 = tpu.memref_slice %arg3[%dma_start3A_24, %dma_start3A_25] : memref<10240x16xf32, #tpu.memory_space<hbm>> -> memref<10240x16xf32, #tpu.memory_space<hbm>>
    tpu.enqueue_indirect_dma source(%dma_start3A_26 : memref<10240x16xf32, #tpu.memory_space<hbm>>) target(%arg13 : memref<112x16xf32, #tpu.memory_space<vmem>>) offsets(%arg9 : memref<112xi32, #tpu.memory_space<vmem>>) semaphore(%arg22 : memref<!tpu.dma_semaphore, #tpu.memory_space<semaphore_mem>>)
    %scan3A = arith.constant 0 : i32
    %scan3A_27 = arith.constant 45 : i32
    %scan3A_28 = arith.addi %scan3A, %scan3A_27 : i32
    %scan3A_29 = arith.constant 1 : i32
    scf.for %scan3A_60 = %scan3A to %scan3A_28 step %scan3A_29  : i32 {
      %mul3A_61 = arith.constant 2 : i32
      %mul3A_62 = arith.muli %scan3A_60, %mul3A_61 : i32
      %add3A_63 = arith.constant 0 : i32
      %add3A_64 = arith.addi %add3A_63, %mul3A_62 : i32
      %add3A_65 = arith.constant 0 : i32
      %add3A_66 = arith.addi %add3A_64, %add3A_65 : i32
      %ge3A = arith.constant 1 : i32
      %ge3A_67 = arith.cmpi sge, %add3A_66, %ge3A : i32
      %add3A_68 = arith.constant 1 : i32
      %add3A_69 = arith.addi %add3A_66, %add3A_68 : i32
      %lt3A = arith.constant 90 : i32
      %lt3A_70 = arith.cmpi slt, %add3A_69, %lt3A : i32
      %and3A = arith.andi %ge3A_67, %lt3A_70 : i1
      %convert_element_type3A = arith.extui %and3A : i1 to i32
      %cond3A = arith.constant 0 : i32
      %cond3A_71 = arith.cmpi ne, %convert_element_type3A, %cond3A : i32
      scf.if %cond3A_71 {
        %dma_wait3A_179 = arith.constant 0 : i32
        %dma_wait3A_180 = arith.constant 0 : i32
        %dma_wait3A_181 = tpu.memref_slice %arg18[%dma_wait3A_179, %dma_wait3A_180] : memref<112x80xf32, #tpu.memory_space<vmem>> -> memref<64x80xf32, #tpu.memory_space<vmem>>
        %dma_wait3A_182 = arith.constant 0 : i32
        %dma_wait3A_183 = arith.constant 0 : i32
        %dma_wait3A_184 = tpu.memref_slice %arg20[%dma_wait3A_182, %dma_wait3A_183] : memref<10240x80xf32, #tpu.memory_space<vmem_shared>> -> memref<10240x80xf32, #tpu.memory_space<vmem_shared>>
        tpu.wait_indirect_dma semaphore(%arg26 : memref<!tpu.dma_semaphore, #tpu.memory_space<semaphore_mem>>) src(%dma_wait3A_181 : memref<64x80xf32, #tpu.memory_space<vmem>>) dst(%dma_wait3A_184 : memref<10240x80xf32, #tpu.memory_space<vmem_shared>>)
        %dma_wait3A_185 = arith.constant 64 : i32
        %dma_wait3A_186 = arith.constant 0 : i32
        %dma_wait3A_187 = tpu.memref_slice %arg18[%dma_wait3A_185, %dma_wait3A_186] : memref<112x80xf32, #tpu.memory_space<vmem>> -> memref<48x80xf32, #tpu.memory_space<vmem>>
        %dma_wait3A_188 = arith.constant 0 : i32
        %dma_wait3A_189 = arith.constant 0 : i32
        %dma_wait3A_190 = tpu.memref_slice %arg20[%dma_wait3A_188, %dma_wait3A_189] : memref<10240x80xf32, #tpu.memory_space<vmem_shared>> -> memref<10240x80xf32, #tpu.memory_space<vmem_shared>>
        tpu.wait_indirect_dma semaphore(%arg26 : memref<!tpu.dma_semaphore, #tpu.memory_space<semaphore_mem>>) src(%dma_wait3A_187 : memref<48x80xf32, #tpu.memory_space<vmem>>) dst(%dma_wait3A_190 : memref<10240x80xf32, #tpu.memory_space<vmem_shared>>)
      } else {
      }
      %add3A_72 = arith.constant 1 : i32
      %add3A_73 = arith.addi %add3A_66, %add3A_72 : i32
      %lt3A_74 = arith.constant 90 : i32
      %lt3A_75 = arith.cmpi slt, %add3A_73, %lt3A_74 : i32
      %convert_element_type3A_76 = arith.extui %lt3A_75 : i1 to i32
      %cond3A_77 = arith.constant 0 : i32
      %cond3A_78 = arith.cmpi ne, %convert_element_type3A_76, %cond3A_77 : i32
      scf.if %cond3A_78 {
        %dma_wait3A_179 = tpu.memref_slice %arg4[%mul3A_6] : memref<322560xi32, #tpu.memory_space<hbm>> -> memref<112xi32, #tpu.memory_space<hbm>>
        %dma_wait3A_180 = tpu.memref_slice %arg4[%mul3A_6] : memref<322560xi32, #tpu.memory_space<hbm>> -> memref<112xi32, #tpu.memory_space<hbm>>
        tpu.wait_dma2 semaphore(%arg24 : memref<!tpu.dma_semaphore, #tpu.memory_space<semaphore_mem>>) src(%dma_wait3A_180 : memref<112xi32, #tpu.memory_space<hbm>>) dst(%arg14 : memref<112xi32, #tpu.memory_space<vmem>>)
        %dma_wait3A_181 = tpu.memref_slice %arg5[%mul3A_6] : memref<322560xi32, #tpu.memory_space<hbm>> -> memref<112xi32, #tpu.memory_space<hbm>>
        %dma_wait3A_182 = tpu.memref_slice %arg5[%mul3A_6] : memref<322560xi32, #tpu.memory_space<hbm>> -> memref<112xi32, #tpu.memory_space<hbm>>
        tpu.wait_dma2 semaphore(%arg24 : memref<!tpu.dma_semaphore, #tpu.memory_space<semaphore_mem>>) src(%dma_wait3A_182 : memref<112xi32, #tpu.memory_space<hbm>>) dst(%arg15 : memref<112xi32, #tpu.memory_space<vmem>>)
        %dma_start3A_183 = arith.constant 0 : i32
        %dma_start3A_184 = arith.constant 0 : i32
        %dma_start3A_185 = tpu.memref_slice %arg2[%dma_start3A_183, %dma_start3A_184] : memref<10240x80xf32, #tpu.memory_space<hbm>> -> memref<10240x80xf32, #tpu.memory_space<hbm>>
        tpu.enqueue_indirect_dma source(%dma_start3A_185 : memref<10240x80xf32, #tpu.memory_space<hbm>>) target(%arg18 : memref<112x80xf32, #tpu.memory_space<vmem>>) offsets(%arg14 : memref<112xi32, #tpu.memory_space<vmem>>) semaphore(%arg25 : memref<!tpu.dma_semaphore, #tpu.memory_space<semaphore_mem>>)
        %dma_start3A_186 = arith.constant 0 : i32
        %dma_start3A_187 = arith.constant 0 : i32
        %dma_start3A_188 = tpu.memref_slice %arg3[%dma_start3A_186, %dma_start3A_187] : memref<10240x16xf32, #tpu.memory_space<hbm>> -> memref<10240x16xf32, #tpu.memory_space<hbm>>
        tpu.enqueue_indirect_dma source(%dma_start3A_188 : memref<10240x16xf32, #tpu.memory_space<hbm>>) target(%arg19 : memref<112x16xf32, #tpu.memory_space<vmem>>) offsets(%arg15 : memref<112xi32, #tpu.memory_space<vmem>>) semaphore(%arg25 : memref<!tpu.dma_semaphore, #tpu.memory_space<semaphore_mem>>)
      } else {
      }
      %dma_wait3A_79 = arith.constant 0 : i32
      %dma_wait3A_80 = arith.constant 0 : i32
      %dma_wait3A_81 = tpu.memref_slice %arg2[%dma_wait3A_79, %dma_wait3A_80] : memref<10240x80xf32, #tpu.memory_space<hbm>> -> memref<10240x80xf32, #tpu.memory_space<hbm>>
      tpu.wait_indirect_dma semaphore(%arg22 : memref<!tpu.dma_semaphore, #tpu.memory_space<semaphore_mem>>) src(%dma_wait3A_81 : memref<10240x80xf32, #tpu.memory_space<hbm>>) dst(%arg12 : memref<112x80xf32, #tpu.memory_space<vmem>>)
      %dma_wait3A_82 = arith.constant 0 : i32
      %dma_wait3A_83 = arith.constant 0 : i32
      %dma_wait3A_84 = tpu.memref_slice %arg3[%dma_wait3A_82, %dma_wait3A_83] : memref<10240x16xf32, #tpu.memory_space<hbm>> -> memref<10240x16xf32, #tpu.memory_space<hbm>>
      tpu.wait_indirect_dma semaphore(%arg22 : memref<!tpu.dma_semaphore, #tpu.memory_space<semaphore_mem>>) src(%dma_wait3A_84 : memref<10240x16xf32, #tpu.memory_space<hbm>>) dst(%arg13 : memref<112x16xf32, #tpu.memory_space<vmem>>)
      %scan3A_85 = arith.constant 0 : i32
      %scan3A_86 = arith.constant 4 : i32
      %scan3A_87 = arith.addi %scan3A_85, %scan3A_86 : i32
      %scan3A_88 = arith.constant 1 : i32
      scf.for %scan3A_179 = %scan3A_85 to %scan3A_87 step %scan3A_88  : i32 {
        %mul3A_180 = arith.constant 1 : i32
        %mul3A_181 = arith.muli %scan3A_179, %mul3A_180 : i32
        %add3A_182 = arith.constant 0 : i32
        %add3A_183 = arith.addi %add3A_182, %mul3A_181 : i32
        %mul3A_184 = arith.constant 16 : i32
        %mul3A_185 = arith.muli %add3A_183, %mul3A_184 : i32
        %add3A_186 = arith.constant 0 : i32
        %add3A_187 = arith.addi %add3A_186, %mul3A_185 : i32
        %get3A = arith.index_cast %add3A_187 : i32 to index
        %get3A_188 = tpu.vector_load %arg9[%get3A] {strides = array<i32>} : memref<112xi32, #tpu.memory_space<vmem>>, vector<16xi32>,
        %mul3A_189 = arith.constant 16 : i32
        %mul3A_190 = arith.muli %add3A_183, %mul3A_189 : i32
        %swap3A = arith.index_cast %mul3A_190 : i32 to index
        %swap3A_191 = tpu.vector_load %arg10[%swap3A] {strides = array<i32>} : memref<64xi32, #tpu.memory_space<vmem>>, vector<16xi32>,
        tpu.vector_store %arg10[%swap3A], %get3A_188 {strides = array<i32>} : memref<64xi32, #tpu.memory_space<vmem>>, vector<16xi32>,
      }
      %scan3A_89 = arith.constant 4 : i32
      %parallel_loop3A = arith.constant 0 : i32
      %parallel_loop3A_90 = arith.constant 64 : i32
      %parallel_loop3A_91 = arith.constant 1 : i32
      scf.for %parallel_loop3A_179 = %parallel_loop3A to %parallel_loop3A_90 step %parallel_loop3A_91  : i32 {
        %parallel_loop3A_180 = arith.index_cast %parallel_loop3A_179 : i32 to index
        %parallel_loop3A_181 = arith.constant 64 : index
        %parallel_loop3A_182 = tpu.vector_load %arg12[%parallel_loop3A_180, %parallel_loop3A_181] {strides = array<i32>} : memref<112x80xf32, #tpu.memory_space<vmem>>, vector<16xf32>,
        %parallel_loop3A_183 = arith.index_cast %parallel_loop3A_179 : i32 to index
        %parallel_loop3A_184 = arith.constant 0 : index
        %parallel_loop3A_185 = tpu.vector_load %arg13[%parallel_loop3A_183, %parallel_loop3A_184] {strides = array<i32>} : memref<112x16xf32, #tpu.memory_space<vmem>>, vector<16xf32>,
        %parallel_loop3A_186 = arith.addf %parallel_loop3A_182, %parallel_loop3A_185 : vector<16xf32>
        %parallel_loop3A_187 = arith.constant 2.000000e-01 : f32
        %parallel_loop3A_188 = vector.broadcast %parallel_loop3A_187 : f32 to vector<16xf32>
        %parallel_loop3A_189 = arith.mulf %parallel_loop3A_186, %parallel_loop3A_188 : vector<16xf32>
        %parallel_loop3A_190 = arith.maximumf %parallel_loop3A_186, %parallel_loop3A_189 : vector<16xf32>
        %parallel_loop3A_191 = math.exp %parallel_loop3A_190 : vector<16xf32>
        %parallel_loop3A_192 = arith.index_cast %parallel_loop3A_179 : i32 to index
        %parallel_loop3A_193 = arith.constant 64 : index
        %parallel_loop3A_194 = tpu.vector_load %arg12[%parallel_loop3A_192, %parallel_loop3A_193] {strides = array<i32>} : memref<112x80xf32, #tpu.memory_space<vmem>>, vector<16xf32>,
        tpu.vector_store %arg12[%parallel_loop3A_192, %parallel_loop3A_193], %parallel_loop3A_191 {strides = array<i32>} : memref<112x80xf32, #tpu.memory_space<vmem>>, vector<16xf32>,
        %parallel_loop3A_195 = arith.index_cast %parallel_loop3A_179 : i32 to index
        %parallel_loop3A_196 = arith.constant 0 : index
        %parallel_loop3A_197 = tpu.vector_load %arg12[%parallel_loop3A_195, %parallel_loop3A_196] {strides = array<i32>} : memref<112x80xf32, #tpu.memory_space<vmem>>, vector<16xf32>,
        %parallel_loop3A_198 = arith.mulf %parallel_loop3A_191, %parallel_loop3A_197 : vector<16xf32>
        %parallel_loop3A_199 = arith.index_cast %parallel_loop3A_179 : i32 to index
        %parallel_loop3A_200 = arith.constant 0 : index
        %parallel_loop3A_201 = tpu.vector_load %arg12[%parallel_loop3A_199, %parallel_loop3A_200] {strides = array<i32>} : memref<112x80xf32, #tpu.memory_space<vmem>>, vector<16xf32>,
        tpu.vector_store %arg12[%parallel_loop3A_199, %parallel_loop3A_200], %parallel_loop3A_198 {strides = array<i32>} : memref<112x80xf32, #tpu.memory_space<vmem>>, vector<16xf32>,
        %parallel_loop3A_202 = arith.index_cast %parallel_loop3A_179 : i32 to index
        %parallel_loop3A_203 = arith.constant 16 : index
        %parallel_loop3A_204 = tpu.vector_load %arg12[%parallel_loop3A_202, %parallel_loop3A_203] {strides = array<i32>} : memref<112x80xf32, #tpu.memory_space<vmem>>, vector<16xf32>,
        %parallel_loop3A_205 = arith.mulf %parallel_loop3A_191, %parallel_loop3A_204 : vector<16xf32>
        %parallel_loop3A_206 = arith.index_cast %parallel_loop3A_179 : i32 to index
        %parallel_loop3A_207 = arith.constant 16 : index
        %parallel_loop3A_208 = tpu.vector_load %arg12[%parallel_loop3A_206, %parallel_loop3A_207] {strides = array<i32>} : memref<112x80xf32, #tpu.memory_space<vmem>>, vector<16xf32>,
        tpu.vector_store %arg12[%parallel_loop3A_206, %parallel_loop3A_207], %parallel_loop3A_205 {strides = array<i32>} : memref<112x80xf32, #tpu.memory_space<vmem>>, vector<16xf32>,
        %parallel_loop3A_209 = arith.index_cast %parallel_loop3A_179 : i32 to index
        %parallel_loop3A_210 = arith.constant 32 : index
        %parallel_loop3A_211 = tpu.vector_load %arg12[%parallel_loop3A_209, %parallel_loop3A_210] {strides = array<i32>} : memref<112x80xf32, #tpu.memory_space<vmem>>, vector<16xf32>,
        %parallel_loop3A_212 = arith.mulf %parallel_loop3A_191, %parallel_loop3A_211 : vector<16xf32>
        %parallel_loop3A_213 = arith.index_cast %parallel_loop3A_179 : i32 to index
        %parallel_loop3A_214 = arith.constant 32 : index
        %parallel_loop3A_215 = tpu.vector_load %arg12[%parallel_loop3A_213, %parallel_loop3A_214] {strides = array<i32>} : memref<112x80xf32, #tpu.memory_space<vmem>>, vector<16xf32>,
        tpu.vector_store %arg12[%parallel_loop3A_213, %parallel_loop3A_214], %parallel_loop3A_212 {strides = array<i32>} : memref<112x80xf32, #tpu.memory_space<vmem>>, vector<16xf32>,
        %parallel_loop3A_216 = arith.index_cast %parallel_loop3A_179 : i32 to index
        %parallel_loop3A_217 = arith.constant 48 : index
        %parallel_loop3A_218 = tpu.vector_load %arg12[%parallel_loop3A_216, %parallel_loop3A_217] {strides = array<i32>} : memref<112x80xf32, #tpu.memory_space<vmem>>, vector<16xf32>,
        %parallel_loop3A_219 = arith.mulf %parallel_loop3A_191, %parallel_loop3A_218 : vector<16xf32>
        %parallel_loop3A_220 = arith.index_cast %parallel_loop3A_179 : i32 to index
        %parallel_loop3A_221 = arith.constant 48 : index
        %parallel_loop3A_222 = tpu.vector_load %arg12[%parallel_loop3A_220, %parallel_loop3A_221] {strides = array<i32>} : memref<112x80xf32, #tpu.memory_space<vmem>>, vector<16xf32>,
        tpu.vector_store %arg12[%parallel_loop3A_220, %parallel_loop3A_221], %parallel_loop3A_219 {strides = array<i32>} : memref<112x80xf32, #tpu.memory_space<vmem>>, vector<16xf32>,
      } {sc.loop_unroll_factor = 2 : i64, sc.parallel_access}
      %dma_start3A_92 = arith.constant 0 : i32
      %dma_start3A_93 = arith.constant 0 : i32
      %dma_start3A_94 = tpu.memref_slice %arg12[%dma_start3A_92, %dma_start3A_93] : memref<112x80xf32, #tpu.memory_space<vmem>> -> memref<64x80xf32, #tpu.memory_space<vmem>>
      %dma_start3A_95 = arith.constant 0 : i32
      %dma_start3A_96 = arith.constant 0 : i32
      %dma_start3A_97 = tpu.memref_slice %arg20[%dma_start3A_95, %dma_start3A_96] : memref<10240x80xf32, #tpu.memory_space<vmem_shared>> -> memref<10240x80xf32, #tpu.memory_space<vmem_shared>>
      tpu.enqueue_indirect_dma source(%dma_start3A_94 : memref<64x80xf32, #tpu.memory_space<vmem>>) target(%dma_start3A_97 : memref<10240x80xf32, #tpu.memory_space<vmem_shared>>) offsets(%arg10 : memref<64xi32, #tpu.memory_space<vmem>>) semaphore(%arg23 : memref<!tpu.dma_semaphore, #tpu.memory_space<semaphore_mem>>) {add = true}
      %scan3A_98 = arith.constant 0 : i32
      %scan3A_99 = arith.constant 3 : i32
      %scan3A_100 = arith.addi %scan3A_98, %scan3A_99 : i32
      %scan3A_101 = arith.constant 1 : i32
      scf.for %scan3A_179 = %scan3A_98 to %scan3A_100 step %scan3A_101  : i32 {
        %mul3A_180 = arith.constant 1 : i32
        %mul3A_181 = arith.muli %scan3A_179, %mul3A_180 : i32
        %add3A_182 = arith.constant 0 : i32
        %add3A_183 = arith.addi %add3A_182, %mul3A_181 : i32
        %mul3A_184 = arith.constant 16 : i32
        %mul3A_185 = arith.muli %add3A_183, %mul3A_184 : i32
        %add3A_186 = arith.constant 64 : i32
        %add3A_187 = arith.addi %add3A_186, %mul3A_185 : i32
        %get3A = arith.index_cast %add3A_187 : i32 to index
        %get3A_188 = tpu.vector_load %arg9[%get3A] {strides = array<i32>} : memref<112xi32, #tpu.memory_space<vmem>>, vector<16xi32>,
        %mul3A_189 = arith.constant 16 : i32
        %mul3A_190 = arith.muli %add3A_183, %mul3A_189 : i32
        %swap3A = arith.index_cast %mul3A_190 : i32 to index
        %swap3A_191 = tpu.vector_load %arg11[%swap3A] {strides = array<i32>} : memref<48xi32, #tpu.memory_space<vmem>>, vector<16xi32>,
        tpu.vector_store %arg11[%swap3A], %get3A_188 {strides = array<i32>} : memref<48xi32, #tpu.memory_space<vmem>>, vector<16xi32>,
      }
      %scan3A_102 = arith.constant 3 : i32
      %parallel_loop3A_103 = arith.constant 64 : i32
      %parallel_loop3A_104 = arith.constant 112 : i32
      %parallel_loop3A_105 = arith.constant 1 : i32
      scf.for %parallel_loop3A_179 = %parallel_loop3A_103 to %parallel_loop3A_104 step %parallel_loop3A_105  : i32 {
        %parallel_loop3A_180 = arith.index_cast %parallel_loop3A_179 : i32 to index
        %parallel_loop3A_181 = arith.constant 64 : index
        %parallel_loop3A_182 = tpu.vector_load %arg12[%parallel_loop3A_180, %parallel_loop3A_181] {strides = array<i32>} : memref<112x80xf32, #tpu.memory_space<vmem>>, vector<16xf32>,
        %parallel_loop3A_183 = arith.index_cast %parallel_loop3A_179 : i32 to index
        %parallel_loop3A_184 = arith.constant 0 : index
        %parallel_loop3A_185 = tpu.vector_load %arg13[%parallel_loop3A_183, %parallel_loop3A_184] {strides = array<i32>} : memref<112x16xf32, #tpu.memory_space<vmem>>, vector<16xf32>,
        %parallel_loop3A_186 = arith.addf %parallel_loop3A_182, %parallel_loop3A_185 : vector<16xf32>
        %parallel_loop3A_187 = arith.constant 2.000000e-01 : f32
        %parallel_loop3A_188 = vector.broadcast %parallel_loop3A_187 : f32 to vector<16xf32>
        %parallel_loop3A_189 = arith.mulf %parallel_loop3A_186, %parallel_loop3A_188 : vector<16xf32>
        %parallel_loop3A_190 = arith.maximumf %parallel_loop3A_186, %parallel_loop3A_189 : vector<16xf32>
        %parallel_loop3A_191 = math.exp %parallel_loop3A_190 : vector<16xf32>
        %parallel_loop3A_192 = arith.index_cast %parallel_loop3A_179 : i32 to index
        %parallel_loop3A_193 = arith.constant 64 : index
        %parallel_loop3A_194 = tpu.vector_load %arg12[%parallel_loop3A_192, %parallel_loop3A_193] {strides = array<i32>} : memref<112x80xf32, #tpu.memory_space<vmem>>, vector<16xf32>,
        tpu.vector_store %arg12[%parallel_loop3A_192, %parallel_loop3A_193], %parallel_loop3A_191 {strides = array<i32>} : memref<112x80xf32, #tpu.memory_space<vmem>>, vector<16xf32>,
        %parallel_loop3A_195 = arith.index_cast %parallel_loop3A_179 : i32 to index
        %parallel_loop3A_196 = arith.constant 0 : index
        %parallel_loop3A_197 = tpu.vector_load %arg12[%parallel_loop3A_195, %parallel_loop3A_196] {strides = array<i32>} : memref<112x80xf32, #tpu.memory_space<vmem>>, vector<16xf32>,
        %parallel_loop3A_198 = arith.mulf %parallel_loop3A_191, %parallel_loop3A_197 : vector<16xf32>
        %parallel_loop3A_199 = arith.index_cast %parallel_loop3A_179 : i32 to index
        %parallel_loop3A_200 = arith.constant 0 : index
        %parallel_loop3A_201 = tpu.vector_load %arg12[%parallel_loop3A_199, %parallel_loop3A_200] {strides = array<i32>} : memref<112x80xf32, #tpu.memory_space<vmem>>, vector<16xf32>,
        tpu.vector_store %arg12[%parallel_loop3A_199, %parallel_loop3A_200], %parallel_loop3A_198 {strides = array<i32>} : memref<112x80xf32, #tpu.memory_space<vmem>>, vector<16xf32>,
        %parallel_loop3A_202 = arith.index_cast %parallel_loop3A_179 : i32 to index
        %parallel_loop3A_203 = arith.constant 16 : index
        %parallel_loop3A_204 = tpu.vector_load %arg12[%parallel_loop3A_202, %parallel_loop3A_203] {strides = array<i32>} : memref<112x80xf32, #tpu.memory_space<vmem>>, vector<16xf32>,
        %parallel_loop3A_205 = arith.mulf %parallel_loop3A_191, %parallel_loop3A_204 : vector<16xf32>
        %parallel_loop3A_206 = arith.index_cast %parallel_loop3A_179 : i32 to index
        %parallel_loop3A_207 = arith.constant 16 : index
        %parallel_loop3A_208 = tpu.vector_load %arg12[%parallel_loop3A_206, %parallel_loop3A_207] {strides = array<i32>} : memref<112x80xf32, #tpu.memory_space<vmem>>, vector<16xf32>,
        tpu.vector_store %arg12[%parallel_loop3A_206, %parallel_loop3A_207], %parallel_loop3A_205 {strides = array<i32>} : memref<112x80xf32, #tpu.memory_space<vmem>>, vector<16xf32>,
        %parallel_loop3A_209 = arith.index_cast %parallel_loop3A_179 : i32 to index
        %parallel_loop3A_210 = arith.constant 32 : index
        %parallel_loop3A_211 = tpu.vector_load %arg12[%parallel_loop3A_209, %parallel_loop3A_210] {strides = array<i32>} : memref<112x80xf32, #tpu.memory_space<vmem>>, vector<16xf32>,
        %parallel_loop3A_212 = arith.mulf %parallel_loop3A_191, %parallel_loop3A_211 : vector<16xf32>
        %parallel_loop3A_213 = arith.index_cast %parallel_loop3A_179 : i32 to index
        %parallel_loop3A_214 = arith.constant 32 : index
        %parallel_loop3A_215 = tpu.vector_load %arg12[%parallel_loop3A_213, %parallel_loop3A_214] {strides = array<i32>} : memref<112x80xf32, #tpu.memory_space<vmem>>, vector<16xf32>,
        tpu.vector_store %arg12[%parallel_loop3A_213, %parallel_loop3A_214], %parallel_loop3A_212 {strides = array<i32>} : memref<112x80xf32, #tpu.memory_space<vmem>>, vector<16xf32>,
        %parallel_loop3A_216 = arith.index_cast %parallel_loop3A_179 : i32 to index
        %parallel_loop3A_217 = arith.constant 48 : index
        %parallel_loop3A_218 = tpu.vector_load %arg12[%parallel_loop3A_216, %parallel_loop3A_217] {strides = array<i32>} : memref<112x80xf32, #tpu.memory_space<vmem>>, vector<16xf32>,
        %parallel_loop3A_219 = arith.mulf %parallel_loop3A_191, %parallel_loop3A_218 : vector<16xf32>
        %parallel_loop3A_220 = arith.index_cast %parallel_loop3A_179 : i32 to index
        %parallel_loop3A_221 = arith.constant 48 : index
        %parallel_loop3A_222 = tpu.vector_load %arg12[%parallel_loop3A_220, %parallel_loop3A_221] {strides = array<i32>} : memref<112x80xf32, #tpu.memory_space<vmem>>, vector<16xf32>,
        tpu.vector_store %arg12[%parallel_loop3A_220, %parallel_loop3A_221], %parallel_loop3A_219 {strides = array<i32>} : memref<112x80xf32, #tpu.memory_space<vmem>>, vector<16xf32>,
      } {sc.loop_unroll_factor = 2 : i64, sc.parallel_access}
      %dma_start3A_106 = arith.constant 64 : i32
      %dma_start3A_107 = arith.constant 0 : i32
      %dma_start3A_108 = tpu.memref_slice %arg12[%dma_start3A_106, %dma_start3A_107] : memref<112x80xf32, #tpu.memory_space<vmem>> -> memref<48x80xf32, #tpu.memory_space<vmem>>
      %dma_start3A_109 = arith.constant 0 : i32
      %dma_start3A_110 = arith.constant 0 : i32
      %dma_start3A_111 = tpu.memref_slice %arg20[%dma_start3A_109, %dma_start3A_110] : memref<10240x80xf32, #tpu.memory_space<vmem_shared>> -> memref<10240x80xf32, #tpu.memory_space<vmem_shared>>
      tpu.enqueue_indirect_dma source(%dma_start3A_108 : memref<48x80xf32, #tpu.memory_space<vmem>>) target(%dma_start3A_111 : memref<10240x80xf32, #tpu.memory_space<vmem_shared>>) offsets(%arg11 : memref<48xi32, #tpu.memory_space<vmem>>) semaphore(%arg23 : memref<!tpu.dma_semaphore, #tpu.memory_space<semaphore_mem>>) {add = true}
      %add3A_112 = arith.constant 2 : i32
      %add3A_113 = arith.addi %add3A_66, %add3A_112 : i32
      %lt3A_114 = arith.constant 90 : i32
      %lt3A_115 = arith.cmpi slt, %add3A_113, %lt3A_114 : i32
      %convert_element_type3A_116 = arith.extui %lt3A_115 : i1 to i32
      %cond3A_117 = arith.constant 0 : i32
      %cond3A_118 = arith.cmpi ne, %convert_element_type3A_116, %cond3A_117 : i32
      scf.if %cond3A_118 {
        %add3A_179 = arith.constant 2 : i32
        %add3A_180 = arith.addi %add3A_66, %add3A_179 : i32
        %mul3A_181 = arith.constant 112 : i32
        %mul3A_182 = arith.muli %add3A_180, %mul3A_181 : i32
        %add3A_183 = arith.addi %mul3A_6, %mul3A_182 : i32
        %dma_start3A_184 = tpu.memref_slice %arg4[%add3A_183] : memref<322560xi32, #tpu.memory_space<hbm>> -> memref<112xi32, #tpu.memory_space<hbm>>
        %dma_start3A_185 = tpu.memref_slice %arg4[%add3A_183] : memref<322560xi32, #tpu.memory_space<hbm>> -> memref<112xi32, #tpu.memory_space<hbm>>
        tpu.enqueue_dma source(%dma_start3A_185 : memref<112xi32, #tpu.memory_space<hbm>>) target(%arg8 : memref<112xi32, #tpu.memory_space<vmem>>) target_semaphore(%arg21 : memref<!tpu.dma_semaphore, #tpu.memory_space<semaphore_mem>>)
        %dma_start3A_186 = tpu.memref_slice %arg5[%add3A_183] : memref<322560xi32, #tpu.memory_space<hbm>> -> memref<112xi32, #tpu.memory_space<hbm>>
        %dma_start3A_187 = tpu.memref_slice %arg5[%add3A_183] : memref<322560xi32, #tpu.memory_space<hbm>> -> memref<112xi32, #tpu.memory_space<hbm>>
        tpu.enqueue_dma source(%dma_start3A_187 : memref<112xi32, #tpu.memory_space<hbm>>) target(%arg9 : memref<112xi32, #tpu.memory_space<vmem>>) target_semaphore(%arg21 : memref<!tpu.dma_semaphore, #tpu.memory_space<semaphore_mem>>)
      } else {
      }
      %add3A_119 = arith.constant 1 : i32
      %add3A_120 = arith.addi %add3A_64, %add3A_119 : i32
      %ge3A_121 = arith.constant 1 : i32
      %ge3A_122 = arith.cmpi sge, %add3A_120, %ge3A_121 : i32
      %add3A_123 = arith.constant 1 : i32
      %add3A_124 = arith.addi %add3A_120, %add3A_123 : i32
      %lt3A_125 = arith.constant 90 : i32
      %lt3A_126 = arith.cmpi slt, %add3A_124, %lt3A_125 : i32
      %and3A_127 = arith.andi %ge3A_122, %lt3A_126 : i1
      %convert_element_type3A_128 = arith.extui %and3A_127 : i1 to i32
      %cond3A_129 = arith.constant 0 : i32
      %cond3A_130 = arith.cmpi ne, %convert_element_type3A_128, %cond3A_129 : i32
      scf.if %cond3A_130 {
        %dma_wait3A_179 = arith.constant 0 : i32
        %dma_wait3A_180 = arith.constant 0 : i32
        %dma_wait3A_181 = tpu.memref_slice %arg12[%dma_wait3A_179, %dma_wait3A_180] : memref<112x80xf32, #tpu.memory_space<vmem>> -> memref<64x80xf32, #tpu.memory_space<vmem>>
        %dma_wait3A_182 = arith.constant 0 : i32
        %dma_wait3A_183 = arith.constant 0 : i32
        %dma_wait3A_184 = tpu.memref_slice %arg20[%dma_wait3A_182, %dma_wait3A_183] : memref<10240x80xf32, #tpu.memory_space<vmem_shared>> -> memref<10240x80xf32, #tpu.memory_space<vmem_shared>>
        tpu.wait_indirect_dma semaphore(%arg23 : memref<!tpu.dma_semaphore, #tpu.memory_space<semaphore_mem>>) src(%dma_wait3A_181 : memref<64x80xf32, #tpu.memory_space<vmem>>) dst(%dma_wait3A_184 : memref<10240x80xf32, #tpu.memory_space<vmem_shared>>)
        %dma_wait3A_185 = arith.constant 64 : i32
        %dma_wait3A_186 = arith.constant 0 : i32
        %dma_wait3A_187 = tpu.memref_slice %arg12[%dma_wait3A_185, %dma_wait3A_186] : memref<112x80xf32, #tpu.memory_space<vmem>> -> memref<48x80xf32, #tpu.memory_space<vmem>>
        %dma_wait3A_188 = arith.constant 0 : i32
        %dma_wait3A_189 = arith.constant 0 : i32
        %dma_wait3A_190 = tpu.memref_slice %arg20[%dma_wait3A_188, %dma_wait3A_189] : memref<10240x80xf32, #tpu.memory_space<vmem_shared>> -> memref<10240x80xf32, #tpu.memory_space<vmem_shared>>
        tpu.wait_indirect_dma semaphore(%arg23 : memref<!tpu.dma_semaphore, #tpu.memory_space<semaphore_mem>>) src(%dma_wait3A_187 : memref<48x80xf32, #tpu.memory_space<vmem>>) dst(%dma_wait3A_190 : memref<10240x80xf32, #tpu.memory_space<vmem_shared>>)
      } else {
      }
      %add3A_131 = arith.constant 1 : i32
      %add3A_132 = arith.addi %add3A_120, %add3A_131 : i32
      %lt3A_133 = arith.constant 90 : i32
      %lt3A_134 = arith.cmpi slt, %add3A_132, %lt3A_133 : i32
      %convert_element_type3A_135 = arith.extui %lt3A_134 : i1 to i32
      %cond3A_136 = arith.constant 0 : i32
      %cond3A_137 = arith.cmpi ne, %convert_element_type3A_135, %cond3A_136 : i32
      scf.if %cond3A_137 {
        %dma_wait3A_179 = tpu.memref_slice %arg4[%mul3A_6] : memref<322560xi32, #tpu.memory_space<hbm>> -> memref<112xi32, #tpu.memory_space<hbm>>
        %dma_wait3A_180 = tpu.memref_slice %arg4[%mul3A_6] : memref<322560xi32, #tpu.memory_space<hbm>> -> memref<112xi32, #tpu.memory_space<hbm>>
        tpu.wait_dma2 semaphore(%arg21 : memref<!tpu.dma_semaphore, #tpu.memory_space<semaphore_mem>>) src(%dma_wait3A_180 : memref<112xi32, #tpu.memory_space<hbm>>) dst(%arg8 : memref<112xi32, #tpu.memory_space<vmem>>)
        %dma_wait3A_181 = tpu.memref_slice %arg5[%mul3A_6] : memref<322560xi32, #tpu.memory_space<hbm>> -> memref<112xi32, #tpu.memory_space<hbm>>
        %dma_wait3A_182 = tpu.memref_slice %arg5[%mul3A_6] : memref<322560xi32, #tpu.memory_space<hbm>> -> memref<112xi32, #tpu.memory_space<hbm>>
        tpu.wait_dma2 semaphore(%arg21 : memref<!tpu.dma_semaphore, #tpu.memory_space<semaphore_mem>>) src(%dma_wait3A_182 : memref<112xi32, #tpu.memory_space<hbm>>) dst(%arg9 : memref<112xi32, #tpu.memory_space<vmem>>)
        %dma_start3A_183 = arith.constant 0 : i32
        %dma_start3A_184 = arith.constant 0 : i32
        %dma_start3A_185 = tpu.memref_slice %arg2[%dma_start3A_183, %dma_start3A_184] : memref<10240x80xf32, #tpu.memory_space<hbm>> -> memref<10240x80xf32, #tpu.memory_space<hbm>>
        tpu.enqueue_indirect_dma source(%dma_start3A_185 : memref<10240x80xf32, #tpu.memory_space<hbm>>) target(%arg12 : memref<112x80xf32, #tpu.memory_space<vmem>>) offsets(%arg8 : memref<112xi32, #tpu.memory_space<vmem>>) semaphore(%arg22 : memref<!tpu.dma_semaphore, #tpu.memory_space<semaphore_mem>>)
        %dma_start3A_186 = arith.constant 0 : i32
        %dma_start3A_187 = arith.constant 0 : i32
        %dma_start3A_188 = tpu.memref_slice %arg3[%dma_start3A_186, %dma_start3A_187] : memref<10240x16xf32, #tpu.memory_space<hbm>> -> memref<10240x16xf32, #tpu.memory_space<hbm>>
        tpu.enqueue_indirect_dma source(%dma_start3A_188 : memref<10240x16xf32, #tpu.memory_space<hbm>>) target(%arg13 : memref<112x16xf32, #tpu.memory_space<vmem>>) offsets(%arg9 : memref<112xi32, #tpu.memory_space<vmem>>) semaphore(%arg22 : memref<!tpu.dma_semaphore, #tpu.memory_space<semaphore_mem>>)
      } else {
      }
      %dma_wait3A_138 = arith.constant 0 : i32
      %dma_wait3A_139 = arith.constant 0 : i32
      %dma_wait3A_140 = tpu.memref_slice %arg2[%dma_wait3A_138, %dma_wait3A_139] : memref<10240x80xf32, #tpu.memory_space<hbm>> -> memref<10240x80xf32, #tpu.memory_space<hbm>>
      tpu.wait_indirect_dma semaphore(%arg25 : memref<!tpu.dma_semaphore, #tpu.memory_space<semaphore_mem>>) src(%dma_wait3A_140 : memref<10240x80xf32, #tpu.memory_space<hbm>>) dst(%arg18 : memref<112x80xf32, #tpu.memory_space<vmem>>)
      %dma_wait3A_141 = arith.constant 0 : i32
      %dma_wait3A_142 = arith.constant 0 : i32
      %dma_wait3A_143 = tpu.memref_slice %arg3[%dma_wait3A_141, %dma_wait3A_142] : memref<10240x16xf32, #tpu.memory_space<hbm>> -> memref<10240x16xf32, #tpu.memory_space<hbm>>
      tpu.wait_indirect_dma semaphore(%arg25 : memref<!tpu.dma_semaphore, #tpu.memory_space<semaphore_mem>>) src(%dma_wait3A_143 : memref<10240x16xf32, #tpu.memory_space<hbm>>) dst(%arg19 : memref<112x16xf32, #tpu.memory_space<vmem>>)
      %scan3A_144 = arith.constant 0 : i32
      %scan3A_145 = arith.constant 4 : i32
      %scan3A_146 = arith.addi %scan3A_144, %scan3A_145 : i32
      %scan3A_147 = arith.constant 1 : i32
      scf.for %scan3A_179 = %scan3A_144 to %scan3A_146 step %scan3A_147  : i32 {
        %mul3A_180 = arith.constant 1 : i32
        %mul3A_181 = arith.muli %scan3A_179, %mul3A_180 : i32
        %add3A_182 = arith.constant 0 : i32
        %add3A_183 = arith.addi %add3A_182, %mul3A_181 : i32
        %mul3A_184 = arith.constant 16 : i32
        %mul3A_185 = arith.muli %add3A_183, %mul3A_184 : i32
        %add3A_186 = arith.constant 0 : i32
        %add3A_187 = arith.addi %add3A_186, %mul3A_185 : i32
        %get3A = arith.index_cast %add3A_187 : i32 to index
        %get3A_188 = tpu.vector_load %arg15[%get3A] {strides = array<i32>} : memref<112xi32, #tpu.memory_space<vmem>>, vector<16xi32>,
        %mul3A_189 = arith.constant 16 : i32
        %mul3A_190 = arith.muli %add3A_183, %mul3A_189 : i32
        %swap3A = arith.index_cast %mul3A_190 : i32 to index
        %swap3A_191 = tpu.vector_load %arg16[%swap3A] {strides = array<i32>} : memref<64xi32, #tpu.memory_space<vmem>>, vector<16xi32>,
        tpu.vector_store %arg16[%swap3A], %get3A_188 {strides = array<i32>} : memref<64xi32, #tpu.memory_space<vmem>>, vector<16xi32>,
      }
      %scan3A_148 = arith.constant 4 : i32
      %parallel_loop3A_149 = arith.constant 0 : i32
      %parallel_loop3A_150 = arith.constant 64 : i32
      %parallel_loop3A_151 = arith.constant 1 : i32
      scf.for %parallel_loop3A_179 = %parallel_loop3A_149 to %parallel_loop3A_150 step %parallel_loop3A_151  : i32 {
        %parallel_loop3A_180 = arith.index_cast %parallel_loop3A_179 : i32 to index
        %parallel_loop3A_181 = arith.constant 64 : index
        %parallel_loop3A_182 = tpu.vector_load %arg18[%parallel_loop3A_180, %parallel_loop3A_181] {strides = array<i32>} : memref<112x80xf32, #tpu.memory_space<vmem>>, vector<16xf32>,
        %parallel_loop3A_183 = arith.index_cast %parallel_loop3A_179 : i32 to index
        %parallel_loop3A_184 = arith.constant 0 : index
        %parallel_loop3A_185 = tpu.vector_load %arg19[%parallel_loop3A_183, %parallel_loop3A_184] {strides = array<i32>} : memref<112x16xf32, #tpu.memory_space<vmem>>, vector<16xf32>,
        %parallel_loop3A_186 = arith.addf %parallel_loop3A_182, %parallel_loop3A_185 : vector<16xf32>
        %parallel_loop3A_187 = arith.constant 2.000000e-01 : f32
        %parallel_loop3A_188 = vector.broadcast %parallel_loop3A_187 : f32 to vector<16xf32>
        %parallel_loop3A_189 = arith.mulf %parallel_loop3A_186, %parallel_loop3A_188 : vector<16xf32>
        %parallel_loop3A_190 = arith.maximumf %parallel_loop3A_186, %parallel_loop3A_189 : vector<16xf32>
        %parallel_loop3A_191 = math.exp %parallel_loop3A_190 : vector<16xf32>
        %parallel_loop3A_192 = arith.index_cast %parallel_loop3A_179 : i32 to index
        %parallel_loop3A_193 = arith.constant 64 : index
        %parallel_loop3A_194 = tpu.vector_load %arg18[%parallel_loop3A_192, %parallel_loop3A_193] {strides = array<i32>} : memref<112x80xf32, #tpu.memory_space<vmem>>, vector<16xf32>,
        tpu.vector_store %arg18[%parallel_loop3A_192, %parallel_loop3A_193], %parallel_loop3A_191 {strides = array<i32>} : memref<112x80xf32, #tpu.memory_space<vmem>>, vector<16xf32>,
        %parallel_loop3A_195 = arith.index_cast %parallel_loop3A_179 : i32 to index
        %parallel_loop3A_196 = arith.constant 0 : index
        %parallel_loop3A_197 = tpu.vector_load %arg18[%parallel_loop3A_195, %parallel_loop3A_196] {strides = array<i32>} : memref<112x80xf32, #tpu.memory_space<vmem>>, vector<16xf32>,
        %parallel_loop3A_198 = arith.mulf %parallel_loop3A_191, %parallel_loop3A_197 : vector<16xf32>
        %parallel_loop3A_199 = arith.index_cast %parallel_loop3A_179 : i32 to index
        %parallel_loop3A_200 = arith.constant 0 : index
        %parallel_loop3A_201 = tpu.vector_load %arg18[%parallel_loop3A_199, %parallel_loop3A_200] {strides = array<i32>} : memref<112x80xf32, #tpu.memory_space<vmem>>, vector<16xf32>,
        tpu.vector_store %arg18[%parallel_loop3A_199, %parallel_loop3A_200], %parallel_loop3A_198 {strides = array<i32>} : memref<112x80xf32, #tpu.memory_space<vmem>>, vector<16xf32>,
        %parallel_loop3A_202 = arith.index_cast %parallel_loop3A_179 : i32 to index
        %parallel_loop3A_203 = arith.constant 16 : index
        %parallel_loop3A_204 = tpu.vector_load %arg18[%parallel_loop3A_202, %parallel_loop3A_203] {strides = array<i32>} : memref<112x80xf32, #tpu.memory_space<vmem>>, vector<16xf32>,
        %parallel_loop3A_205 = arith.mulf %parallel_loop3A_191, %parallel_loop3A_204 : vector<16xf32>
        %parallel_loop3A_206 = arith.index_cast %parallel_loop3A_179 : i32 to index
        %parallel_loop3A_207 = arith.constant 16 : index
        %parallel_loop3A_208 = tpu.vector_load %arg18[%parallel_loop3A_206, %parallel_loop3A_207] {strides = array<i32>} : memref<112x80xf32, #tpu.memory_space<vmem>>, vector<16xf32>,
        tpu.vector_store %arg18[%parallel_loop3A_206, %parallel_loop3A_207], %parallel_loop3A_205 {strides = array<i32>} : memref<112x80xf32, #tpu.memory_space<vmem>>, vector<16xf32>,
        %parallel_loop3A_209 = arith.index_cast %parallel_loop3A_179 : i32 to index
        %parallel_loop3A_210 = arith.constant 32 : index
        %parallel_loop3A_211 = tpu.vector_load %arg18[%parallel_loop3A_209, %parallel_loop3A_210] {strides = array<i32>} : memref<112x80xf32, #tpu.memory_space<vmem>>, vector<16xf32>,
        %parallel_loop3A_212 = arith.mulf %parallel_loop3A_191, %parallel_loop3A_211 : vector<16xf32>
        %parallel_loop3A_213 = arith.index_cast %parallel_loop3A_179 : i32 to index
        %parallel_loop3A_214 = arith.constant 32 : index
        %parallel_loop3A_215 = tpu.vector_load %arg18[%parallel_loop3A_213, %parallel_loop3A_214] {strides = array<i32>} : memref<112x80xf32, #tpu.memory_space<vmem>>, vector<16xf32>,
        tpu.vector_store %arg18[%parallel_loop3A_213, %parallel_loop3A_214], %parallel_loop3A_212 {strides = array<i32>} : memref<112x80xf32, #tpu.memory_space<vmem>>, vector<16xf32>,
        %parallel_loop3A_216 = arith.index_cast %parallel_loop3A_179 : i32 to index
        %parallel_loop3A_217 = arith.constant 48 : index
        %parallel_loop3A_218 = tpu.vector_load %arg18[%parallel_loop3A_216, %parallel_loop3A_217] {strides = array<i32>} : memref<112x80xf32, #tpu.memory_space<vmem>>, vector<16xf32>,
        %parallel_loop3A_219 = arith.mulf %parallel_loop3A_191, %parallel_loop3A_218 : vector<16xf32>
        %parallel_loop3A_220 = arith.index_cast %parallel_loop3A_179 : i32 to index
        %parallel_loop3A_221 = arith.constant 48 : index
        %parallel_loop3A_222 = tpu.vector_load %arg18[%parallel_loop3A_220, %parallel_loop3A_221] {strides = array<i32>} : memref<112x80xf32, #tpu.memory_space<vmem>>, vector<16xf32>,
        tpu.vector_store %arg18[%parallel_loop3A_220, %parallel_loop3A_221], %parallel_loop3A_219 {strides = array<i32>} : memref<112x80xf32, #tpu.memory_space<vmem>>, vector<16xf32>,
      } {sc.loop_unroll_factor = 2 : i64, sc.parallel_access}
      %dma_start3A_152 = arith.constant 0 : i32
      %dma_start3A_153 = arith.constant 0 : i32
      %dma_start3A_154 = tpu.memref_slice %arg18[%dma_start3A_152, %dma_start3A_153] : memref<112x80xf32, #tpu.memory_space<vmem>> -> memref<64x80xf32, #tpu.memory_space<vmem>>
      %dma_start3A_155 = arith.constant 0 : i32
      %dma_start3A_156 = arith.constant 0 : i32
      %dma_start3A_157 = tpu.memref_slice %arg20[%dma_start3A_155, %dma_start3A_156] : memref<10240x80xf32, #tpu.memory_space<vmem_shared>> -> memref<10240x80xf32, #tpu.memory_space<vmem_shared>>
      tpu.enqueue_indirect_dma source(%dma_start3A_154 : memref<64x80xf32, #tpu.memory_space<vmem>>) target(%dma_start3A_157 : memref<10240x80xf32, #tpu.memory_space<vmem_shared>>) offsets(%arg16 : memref<64xi32, #tpu.memory_space<vmem>>) semaphore(%arg26 : memref<!tpu.dma_semaphore, #tpu.memory_space<semaphore_mem>>) {add = true}
      %scan3A_158 = arith.constant 0 : i32
      %scan3A_159 = arith.constant 3 : i32
      %scan3A_160 = arith.addi %scan3A_158, %scan3A_159 : i32
      %scan3A_161 = arith.constant 1 : i32
      scf.for %scan3A_179 = %scan3A_158 to %scan3A_160 step %scan3A_161  : i32 {
        %mul3A_180 = arith.constant 1 : i32
        %mul3A_181 = arith.muli %scan3A_179, %mul3A_180 : i32
        %add3A_182 = arith.constant 0 : i32
        %add3A_183 = arith.addi %add3A_182, %mul3A_181 : i32
        %mul3A_184 = arith.constant 16 : i32
        %mul3A_185 = arith.muli %add3A_183, %mul3A_184 : i32
        %add3A_186 = arith.constant 64 : i32
        %add3A_187 = arith.addi %add3A_186, %mul3A_185 : i32
        %get3A = arith.index_cast %add3A_187 : i32 to index
        %get3A_188 = tpu.vector_load %arg15[%get3A] {strides = array<i32>} : memref<112xi32, #tpu.memory_space<vmem>>, vector<16xi32>,
        %mul3A_189 = arith.constant 16 : i32
        %mul3A_190 = arith.muli %add3A_183, %mul3A_189 : i32
        %swap3A = arith.index_cast %mul3A_190 : i32 to index
        %swap3A_191 = tpu.vector_load %arg17[%swap3A] {strides = array<i32>} : memref<48xi32, #tpu.memory_space<vmem>>, vector<16xi32>,
        tpu.vector_store %arg17[%swap3A], %get3A_188 {strides = array<i32>} : memref<48xi32, #tpu.memory_space<vmem>>, vector<16xi32>,
      }
      %scan3A_162 = arith.constant 3 : i32
      %parallel_loop3A_163 = arith.constant 64 : i32
      %parallel_loop3A_164 = arith.constant 112 : i32
      %parallel_loop3A_165 = arith.constant 1 : i32
      scf.for %parallel_loop3A_179 = %parallel_loop3A_163 to %parallel_loop3A_164 step %parallel_loop3A_165  : i32 {
        %parallel_loop3A_180 = arith.index_cast %parallel_loop3A_179 : i32 to index
        %parallel_loop3A_181 = arith.constant 64 : index
        %parallel_loop3A_182 = tpu.vector_load %arg18[%parallel_loop3A_180, %parallel_loop3A_181] {strides = array<i32>} : memref<112x80xf32, #tpu.memory_space<vmem>>, vector<16xf32>,
        %parallel_loop3A_183 = arith.index_cast %parallel_loop3A_179 : i32 to index
        %parallel_loop3A_184 = arith.constant 0 : index
        %parallel_loop3A_185 = tpu.vector_load %arg19[%parallel_loop3A_183, %parallel_loop3A_184] {strides = array<i32>} : memref<112x16xf32, #tpu.memory_space<vmem>>, vector<16xf32>,
        %parallel_loop3A_186 = arith.addf %parallel_loop3A_182, %parallel_loop3A_185 : vector<16xf32>
        %parallel_loop3A_187 = arith.constant 2.000000e-01 : f32
        %parallel_loop3A_188 = vector.broadcast %parallel_loop3A_187 : f32 to vector<16xf32>
        %parallel_loop3A_189 = arith.mulf %parallel_loop3A_186, %parallel_loop3A_188 : vector<16xf32>
        %parallel_loop3A_190 = arith.maximumf %parallel_loop3A_186, %parallel_loop3A_189 : vector<16xf32>
        %parallel_loop3A_191 = math.exp %parallel_loop3A_190 : vector<16xf32>
        %parallel_loop3A_192 = arith.index_cast %parallel_loop3A_179 : i32 to index
        %parallel_loop3A_193 = arith.constant 64 : index
        %parallel_loop3A_194 = tpu.vector_load %arg18[%parallel_loop3A_192, %parallel_loop3A_193] {strides = array<i32>} : memref<112x80xf32, #tpu.memory_space<vmem>>, vector<16xf32>,
        tpu.vector_store %arg18[%parallel_loop3A_192, %parallel_loop3A_193], %parallel_loop3A_191 {strides = array<i32>} : memref<112x80xf32, #tpu.memory_space<vmem>>, vector<16xf32>,
        %parallel_loop3A_195 = arith.index_cast %parallel_loop3A_179 : i32 to index
        %parallel_loop3A_196 = arith.constant 0 : index
        %parallel_loop3A_197 = tpu.vector_load %arg18[%parallel_loop3A_195, %parallel_loop3A_196] {strides = array<i32>} : memref<112x80xf32, #tpu.memory_space<vmem>>, vector<16xf32>,
        %parallel_loop3A_198 = arith.mulf %parallel_loop3A_191, %parallel_loop3A_197 : vector<16xf32>
        %parallel_loop3A_199 = arith.index_cast %parallel_loop3A_179 : i32 to index
        %parallel_loop3A_200 = arith.constant 0 : index
        %parallel_loop3A_201 = tpu.vector_load %arg18[%parallel_loop3A_199, %parallel_loop3A_200] {strides = array<i32>} : memref<112x80xf32, #tpu.memory_space<vmem>>, vector<16xf32>,
        tpu.vector_store %arg18[%parallel_loop3A_199, %parallel_loop3A_200], %parallel_loop3A_198 {strides = array<i32>} : memref<112x80xf32, #tpu.memory_space<vmem>>, vector<16xf32>,
        %parallel_loop3A_202 = arith.index_cast %parallel_loop3A_179 : i32 to index
        %parallel_loop3A_203 = arith.constant 16 : index
        %parallel_loop3A_204 = tpu.vector_load %arg18[%parallel_loop3A_202, %parallel_loop3A_203] {strides = array<i32>} : memref<112x80xf32, #tpu.memory_space<vmem>>, vector<16xf32>,
        %parallel_loop3A_205 = arith.mulf %parallel_loop3A_191, %parallel_loop3A_204 : vector<16xf32>
        %parallel_loop3A_206 = arith.index_cast %parallel_loop3A_179 : i32 to index
        %parallel_loop3A_207 = arith.constant 16 : index
        %parallel_loop3A_208 = tpu.vector_load %arg18[%parallel_loop3A_206, %parallel_loop3A_207] {strides = array<i32>} : memref<112x80xf32, #tpu.memory_space<vmem>>, vector<16xf32>,
        tpu.vector_store %arg18[%parallel_loop3A_206, %parallel_loop3A_207], %parallel_loop3A_205 {strides = array<i32>} : memref<112x80xf32, #tpu.memory_space<vmem>>, vector<16xf32>,
        %parallel_loop3A_209 = arith.index_cast %parallel_loop3A_179 : i32 to index
        %parallel_loop3A_210 = arith.constant 32 : index
        %parallel_loop3A_211 = tpu.vector_load %arg18[%parallel_loop3A_209, %parallel_loop3A_210] {strides = array<i32>} : memref<112x80xf32, #tpu.memory_space<vmem>>, vector<16xf32>,
        %parallel_loop3A_212 = arith.mulf %parallel_loop3A_191, %parallel_loop3A_211 : vector<16xf32>
        %parallel_loop3A_213 = arith.index_cast %parallel_loop3A_179 : i32 to index
        %parallel_loop3A_214 = arith.constant 32 : index
        %parallel_loop3A_215 = tpu.vector_load %arg18[%parallel_loop3A_213, %parallel_loop3A_214] {strides = array<i32>} : memref<112x80xf32, #tpu.memory_space<vmem>>, vector<16xf32>,
        tpu.vector_store %arg18[%parallel_loop3A_213, %parallel_loop3A_214], %parallel_loop3A_212 {strides = array<i32>} : memref<112x80xf32, #tpu.memory_space<vmem>>, vector<16xf32>,
        %parallel_loop3A_216 = arith.index_cast %parallel_loop3A_179 : i32 to index
        %parallel_loop3A_217 = arith.constant 48 : index
        %parallel_loop3A_218 = tpu.vector_load %arg18[%parallel_loop3A_216, %parallel_loop3A_217] {strides = array<i32>} : memref<112x80xf32, #tpu.memory_space<vmem>>, vector<16xf32>,
        %parallel_loop3A_219 = arith.mulf %parallel_loop3A_191, %parallel_loop3A_218 : vector<16xf32>
        %parallel_loop3A_220 = arith.index_cast %parallel_loop3A_179 : i32 to index
        %parallel_loop3A_221 = arith.constant 48 : index
        %parallel_loop3A_222 = tpu.vector_load %arg18[%parallel_loop3A_220, %parallel_loop3A_221] {strides = array<i32>} : memref<112x80xf32, #tpu.memory_space<vmem>>, vector<16xf32>,
        tpu.vector_store %arg18[%parallel_loop3A_220, %parallel_loop3A_221], %parallel_loop3A_219 {strides = array<i32>} : memref<112x80xf32, #tpu.memory_space<vmem>>, vector<16xf32>,
      } {sc.loop_unroll_factor = 2 : i64, sc.parallel_access}
      %dma_start3A_166 = arith.constant 64 : i32
      %dma_start3A_167 = arith.constant 0 : i32
      %dma_start3A_168 = tpu.memref_slice %arg18[%dma_start3A_166, %dma_start3A_167] : memref<112x80xf32, #tpu.memory_space<vmem>> -> memref<48x80xf32, #tpu.memory_space<vmem>>
      %dma_start3A_169 = arith.constant 0 : i32
      %dma_start3A_170 = arith.constant 0 : i32
      %dma_start3A_171 = tpu.memref_slice %arg20[%dma_start3A_169, %dma_start3A_170] : memref<10240x80xf32, #tpu.memory_space<vmem_shared>> -> memref<10240x80xf32, #tpu.memory_space<vmem_shared>>
      tpu.enqueue_indirect_dma source(%dma_start3A_168 : memref<48x80xf32, #tpu.memory_space<vmem>>) target(%dma_start3A_171 : memref<10240x80xf32, #tpu.memory_space<vmem_shared>>) offsets(%arg17 : memref<48xi32, #tpu.memory_space<vmem>>) semaphore(%arg26 : memref<!tpu.dma_semaphore, #tpu.memory_space<semaphore_mem>>) {add = true}
      %add3A_172 = arith.constant 2 : i32
      %add3A_173 = arith.addi %add3A_120, %add3A_172 : i32
      %lt3A_174 = arith.constant 90 : i32
      %lt3A_175 = arith.cmpi slt, %add3A_173, %lt3A_174 : i32
      %convert_element_type3A_176 = arith.extui %lt3A_175 : i1 to i32
      %cond3A_177 = arith.constant 0 : i32
      %cond3A_178 = arith.cmpi ne, %convert_element_type3A_176, %cond3A_177 : i32
      scf.if %cond3A_178 {
        %add3A_179 = arith.constant 2 : i32
        %add3A_180 = arith.addi %add3A_120, %add3A_179 : i32
        %mul3A_181 = arith.constant 112 : i32
        %mul3A_182 = arith.muli %add3A_180, %mul3A_181 : i32
        %add3A_183 = arith.addi %mul3A_6, %mul3A_182 : i32
        %dma_start3A_184 = tpu.memref_slice %arg4[%add3A_183] : memref<322560xi32, #tpu.memory_space<hbm>> -> memref<112xi32, #tpu.memory_space<hbm>>
        %dma_start3A_185 = tpu.memref_slice %arg4[%add3A_183] : memref<322560xi32, #tpu.memory_space<hbm>> -> memref<112xi32, #tpu.memory_space<hbm>>
        tpu.enqueue_dma source(%dma_start3A_185 : memref<112xi32, #tpu.memory_space<hbm>>) target(%arg14 : memref<112xi32, #tpu.memory_space<vmem>>) target_semaphore(%arg24 : memref<!tpu.dma_semaphore, #tpu.memory_space<semaphore_mem>>)
        %dma_start3A_186 = tpu.memref_slice %arg5[%add3A_183] : memref<322560xi32, #tpu.memory_space<hbm>> -> memref<112xi32, #tpu.memory_space<hbm>>
        %dma_start3A_187 = tpu.memref_slice %arg5[%add3A_183] : memref<322560xi32, #tpu.memory_space<hbm>> -> memref<112xi32, #tpu.memory_space<hbm>>
        tpu.enqueue_dma source(%dma_start3A_187 : memref<112xi32, #tpu.memory_space<hbm>>) target(%arg15 : memref<112xi32, #tpu.memory_space<vmem>>) target_semaphore(%arg24 : memref<!tpu.dma_semaphore, #tpu.memory_space<semaphore_mem>>)
      } else {
      }
    }
    %scan3A_30 = arith.constant 45 : i32
    %dma_wait3A_31 = arith.constant 0 : i32
    %dma_wait3A_32 = arith.constant 0 : i32
    %dma_wait3A_33 = tpu.memref_slice %arg12[%dma_wait3A_31, %dma_wait3A_32] : memref<112x80xf32, #tpu.memory_space<vmem>> -> memref<64x80xf32, #tpu.memory_space<vmem>>
    %dma_wait3A_34 = arith.constant 0 : i32
    %dma_wait3A_35 = arith.constant 0 : i32
    %dma_wait3A_36 = tpu.memref_slice %arg20[%dma_wait3A_34, %dma_wait3A_35] : memref<10240x80xf32, #tpu.memory_space<vmem_shared>> -> memref<10240x80xf32, #tpu.memory_space<vmem_shared>>
    tpu.wait_indirect_dma semaphore(%arg23 : memref<!tpu.dma_semaphore, #tpu.memory_space<semaphore_mem>>) src(%dma_wait3A_33 : memref<64x80xf32, #tpu.memory_space<vmem>>) dst(%dma_wait3A_36 : memref<10240x80xf32, #tpu.memory_space<vmem_shared>>)
    %dma_wait3A_37 = arith.constant 64 : i32
    %dma_wait3A_38 = arith.constant 0 : i32
    %dma_wait3A_39 = tpu.memref_slice %arg12[%dma_wait3A_37, %dma_wait3A_38] : memref<112x80xf32, #tpu.memory_space<vmem>> -> memref<48x80xf32, #tpu.memory_space<vmem>>
    %dma_wait3A_40 = arith.constant 0 : i32
    %dma_wait3A_41 = arith.constant 0 : i32
    %dma_wait3A_42 = tpu.memref_slice %arg20[%dma_wait3A_40, %dma_wait3A_41] : memref<10240x80xf32, #tpu.memory_space<vmem_shared>> -> memref<10240x80xf32, #tpu.memory_space<vmem_shared>>
    tpu.wait_indirect_dma semaphore(%arg23 : memref<!tpu.dma_semaphore, #tpu.memory_space<semaphore_mem>>) src(%dma_wait3A_39 : memref<48x80xf32, #tpu.memory_space<vmem>>) dst(%dma_wait3A_42 : memref<10240x80xf32, #tpu.memory_space<vmem_shared>>)
    %dma_wait3A_43 = arith.constant 0 : i32
    %dma_wait3A_44 = arith.constant 0 : i32
    %dma_wait3A_45 = tpu.memref_slice %arg18[%dma_wait3A_43, %dma_wait3A_44] : memref<112x80xf32, #tpu.memory_space<vmem>> -> memref<64x80xf32, #tpu.memory_space<vmem>>
    %dma_wait3A_46 = arith.constant 0 : i32
    %dma_wait3A_47 = arith.constant 0 : i32
    %dma_wait3A_48 = tpu.memref_slice %arg20[%dma_wait3A_46, %dma_wait3A_47] : memref<10240x80xf32, #tpu.memory_space<vmem_shared>> -> memref<10240x80xf32, #tpu.memory_space<vmem_shared>>
    tpu.wait_indirect_dma semaphore(%arg26 : memref<!tpu.dma_semaphore, #tpu.memory_space<semaphore_mem>>) src(%dma_wait3A_45 : memref<64x80xf32, #tpu.memory_space<vmem>>) dst(%dma_wait3A_48 : memref<10240x80xf32, #tpu.memory_space<vmem_shared>>)
    %dma_wait3A_49 = arith.constant 64 : i32
    %dma_wait3A_50 = arith.constant 0 : i32
    %dma_wait3A_51 = tpu.memref_slice %arg18[%dma_wait3A_49, %dma_wait3A_50] : memref<112x80xf32, #tpu.memory_space<vmem>> -> memref<48x80xf32, #tpu.memory_space<vmem>>
    %dma_wait3A_52 = arith.constant 0 : i32
    %dma_wait3A_53 = arith.constant 0 : i32
    %dma_wait3A_54 = tpu.memref_slice %arg20[%dma_wait3A_52, %dma_wait3A_53] : memref<10240x80xf32, #tpu.memory_space<vmem_shared>> -> memref<10240x80xf32, #tpu.memory_space<vmem_shared>>
    tpu.wait_indirect_dma semaphore(%arg26 : memref<!tpu.dma_semaphore, #tpu.memory_space<semaphore_mem>>) src(%dma_wait3A_51 : memref<48x80xf32, #tpu.memory_space<vmem>>) dst(%dma_wait3A_54 : memref<10240x80xf32, #tpu.memory_space<vmem_shared>>)
    %barrier3A_55 = arith.constant 0 : index
    tpu.barrier barrier_id(%barrier3A_55)
    %mul3A_56 = arith.constant 640 : i32
    %mul3A_57 = arith.muli %arg1, %mul3A_56 : i32
    %mul3A_58 = arith.constant 640 : i32
    %mul3A_59 = arith.muli %arg1, %mul3A_58 : i32
    "tpu.region"() ({
      %run_scoped3A = tpu.sem_alloc : memref<!tpu.dma_semaphore, #tpu.memory_space<semaphore_mem>>
      %dma_start3A_60 = arith.constant 0 : i32
      %dma_start3A_61 = tpu.memref_slice %arg7[%arg0, %mul3A_59, %dma_start3A_60] : memref<2x10240x80xf32, #tpu.memory_space<hbm>> -> memref<1x640x80xf32, #tpu.memory_space<hbm>>
      %dma_start3A_62 = tpu.memref_squeeze %dma_start3A_61 : memref<1x640x80xf32, #tpu.memory_space<hbm>> -> memref<640x80xf32, #tpu.memory_space<hbm>>
      %dma_start3A_63 = arith.constant 0 : i32
      %dma_start3A_64 = tpu.memref_slice %arg20[%mul3A_57, %dma_start3A_63] : memref<10240x80xf32, #tpu.memory_space<vmem_shared>> -> memref<640x80xf32, #tpu.memory_space<vmem_shared>>
      tpu.enqueue_dma source(%dma_start3A_64 : memref<640x80xf32, #tpu.memory_space<vmem_shared>>) target(%dma_start3A_62 : memref<640x80xf32, #tpu.memory_space<hbm>>) target_semaphore(%run_scoped3A : memref<!tpu.dma_semaphore, #tpu.memory_space<semaphore_mem>>)
      %dma_wait3A_65 = arith.constant 0 : i32
      %dma_wait3A_66 = tpu.memref_slice %arg7[%arg0, %mul3A_59, %dma_wait3A_65] : memref<2x10240x80xf32, #tpu.memory_space<hbm>> -> memref<1x640x80xf32, #tpu.memory_space<hbm>>
      %dma_wait3A_67 = tpu.memref_squeeze %dma_wait3A_66 : memref<1x640x80xf32, #tpu.memory_space<hbm>> -> memref<640x80xf32, #tpu.memory_space<hbm>>
      %dma_wait3A_68 = arith.constant 0 : i32
      %dma_wait3A_69 = tpu.memref_slice %arg20[%mul3A_57, %dma_wait3A_68] : memref<10240x80xf32, #tpu.memory_space<vmem_shared>> -> memref<640x80xf32, #tpu.memory_space<vmem_shared>>
      tpu.wait_dma2 semaphore(%run_scoped3A : memref<!tpu.dma_semaphore, #tpu.memory_space<semaphore_mem>>) src(%dma_wait3A_69 : memref<640x80xf32, #tpu.memory_space<vmem_shared>>) dst(%dma_wait3A_67 : memref<640x80xf32, #tpu.memory_space<hbm>>)
      tpu.yield
    }) : () -> ()
    return
  }
}

module attributes {stable_mosaic.version = 14 : i64} {
  func.func @_stA_body(%arg0: i32, %arg1: memref<1024x128xf32, #tpu.memory_space<vmem>>, %arg2: memref<128x128xf32, #tpu.memory_space<vmem>>, %arg3: memref<128x8xf32, #tpu.memory_space<vmem>>, %arg4: memref<128x8xf32, #tpu.memory_space<vmem>>, %arg5: memref<8x128xf32, #tpu.memory_space<vmem>>, %arg6: memref<1024x144xf32, #tpu.memory_space<vmem>>, %arg7: memref<1024x16xf32, #tpu.memory_space<vmem>>, %arg8: memref<1024x144xf32, #tpu.memory_space<vmem>>) attributes {dimension_semantics = [#tpu.dimension_semantics<arbitrary>], iteration_bounds = array<i64: 10>, scalar_prefetch = 0 : i64, scratch_operands = 0 : i64, tpu.core_type = #tpu.core_type<tc>, window_params = [{transform_indices = @transform_0, window_bounds = array<i64: 1024, 128>}, {pipeline_mode = #tpu.pipeline_mode<synchronous>, transform_indices = @transform_1, window_bounds = array<i64: 128, 128>}, {pipeline_mode = #tpu.pipeline_mode<synchronous>, transform_indices = @transform_2, window_bounds = array<i64: 128, 8>}, {pipeline_mode = #tpu.pipeline_mode<synchronous>, transform_indices = @transform_3, window_bounds = array<i64: 128, 8>}, {pipeline_mode = #tpu.pipeline_mode<synchronous>, transform_indices = @transform_4, window_bounds = array<i64: 8, 128>}, {transform_indices = @transform_5, window_bounds = array<i64: 1024, 144>}, {transform_indices = @transform_6, window_bounds = array<i64: 1024, 16>}, {transform_indices = @transform_7, window_bounds = array<i64: 1024, 144>}]} {
    %get3A = arith.constant 0 : index
    %get3A_0 = arith.constant 0 : index
    %get3A_1 = vector.load %arg1[%get3A, %get3A_0] : memref<1024x128xf32, #tpu.memory_space<vmem>>, vector<1024x128xf32>
    %get3A_2 = arith.constant 0 : index
    %get3A_3 = arith.constant 0 : index
    %get3A_4 = vector.load %arg2[%get3A_2, %get3A_3] : memref<128x128xf32, #tpu.memory_space<vmem>>, vector<128x128xf32>
    %dot_general3A = arith.constant dense<0.000000e+00> : vector<1024x128xf32>
    %dot_general3A_5 = tpu.matmul %get3A_1, %get3A_4, %dot_general3A {dimension_numbers = #tpu.dot_dimension_numbers<[1], [0], [0], [1], [0, 0, 1, 1], [], []>, transpose_lhs_hint = false} : vector<1024x128xf32>, vector<128x128xf32>, vector<1024x128xf32> -> vector<1024x128xf32>
    %get3A_6 = arith.constant 0 : index
    %get3A_7 = arith.constant 0 : index
    %get3A_8 = vector.load %arg3[%get3A_6, %get3A_7] : memref<128x8xf32, #tpu.memory_space<vmem>>, vector<128x8xf32>
    %dot_general3A_9 = arith.constant dense<0.000000e+00> : vector<1024x8xf32>
    %dot_general3A_10 = tpu.matmul %dot_general3A_5, %get3A_8, %dot_general3A_9 {dimension_numbers = #tpu.dot_dimension_numbers<[1], [0], [0], [1], [0, 0, 1, 1], [], []>, transpose_lhs_hint = false} : vector<1024x128xf32>, vector<128x8xf32>, vector<1024x8xf32> -> vector<1024x8xf32>
    %get3A_11 = arith.constant 0 : index
    %get3A_12 = arith.constant 0 : index
    %get3A_13 = vector.load %arg4[%get3A_11, %get3A_12] : memref<128x8xf32, #tpu.memory_space<vmem>>, vector<128x8xf32>
    %dot_general3A_14 = arith.constant dense<0.000000e+00> : vector<1024x8xf32>
    %dot_general3A_15 = tpu.matmul %dot_general3A_5, %get3A_13, %dot_general3A_14 {dimension_numbers = #tpu.dot_dimension_numbers<[1], [0], [0], [1], [0, 0, 1, 1], [], []>, transpose_lhs_hint = false} : vector<1024x128xf32>, vector<128x8xf32>, vector<1024x8xf32> -> vector<1024x8xf32>
    %broadcast_in_dim3A = arith.constant -1.000000e+30 : f32
    %broadcast_in_dim3A_16 = vector.broadcast %broadcast_in_dim3A : f32 to vector<1024x8xf32>
    %concatenate3A = tpu.concatenate %dot_general3A_5, %dot_general3A_10, %broadcast_in_dim3A_16 in 1 : vector<1024x128xf32>, vector<1024x8xf32>, vector<1024x8xf32> -> vector<1024x144xf32>
    %swap3A = arith.constant 0 : index
    %swap3A_17 = arith.constant 0 : index
    %swap3A_18 = vector.load %arg6[%swap3A, %swap3A_17] : memref<1024x144xf32, #tpu.memory_space<vmem>>, vector<1024x144xf32>
    tpu.vector_store %arg6[%swap3A, %swap3A_17], %concatenate3A {strides = array<i32>} : memref<1024x144xf32, #tpu.memory_space<vmem>>, vector<1024x144xf32>,
    %concatenate3A_19 = tpu.concatenate %dot_general3A_15, %broadcast_in_dim3A_16 in 1 : vector<1024x8xf32>, vector<1024x8xf32> -> vector<1024x16xf32>
    %swap3A_20 = arith.constant 0 : index
    %swap3A_21 = arith.constant 0 : index
    %swap3A_22 = vector.load %arg7[%swap3A_20, %swap3A_21] : memref<1024x16xf32, #tpu.memory_space<vmem>>, vector<1024x16xf32>
    tpu.vector_store %arg7[%swap3A_20, %swap3A_21], %concatenate3A_19 {strides = array<i32>} : memref<1024x16xf32, #tpu.memory_space<vmem>>, vector<1024x16xf32>,
    %add3A = arith.addf %dot_general3A_10, %dot_general3A_15 : vector<1024x8xf32>
    %mul3A = arith.constant 2.000000e-01 : f32
    %mul3A_23 = vector.broadcast %mul3A : f32 to vector<1024x8xf32>
    %mul3A_24 = arith.mulf %mul3A_23, %add3A : vector<1024x8xf32>
    %max3A = arith.maximumf %add3A, %mul3A_24 : vector<1024x8xf32>
    %exp3A = math.exp %max3A : vector<1024x8xf32>
    %mul3A_25 = arith.constant 5.000000e-01 : f32
    %mul3A_26 = vector.broadcast %mul3A_25 : f32 to vector<1024x8xf32>
    %mul3A_27 = arith.mulf %mul3A_26, %exp3A : vector<1024x8xf32>
    %get3A_28 = arith.constant 0 : index
    %get3A_29 = arith.constant 0 : index
    %get3A_30 = vector.load %arg5[%get3A_28, %get3A_29] : memref<8x128xf32, #tpu.memory_space<vmem>>, vector<8x128xf32>
    %dot_general3A_31 = arith.constant dense<0.000000e+00> : vector<1024x128xf32>
    %dot_general3A_32 = tpu.matmul %mul3A_27, %get3A_30, %dot_general3A_31 {dimension_numbers = #tpu.dot_dimension_numbers<[1], [0], [0], [1], [0, 0, 1, 1], [], []>, transpose_lhs_hint = false} : vector<1024x8xf32>, vector<8x128xf32>, vector<1024x128xf32> -> vector<1024x128xf32>
    %mul3A_33 = arith.mulf %dot_general3A_32, %dot_general3A_5 : vector<1024x128xf32>
    %broadcast_in_dim3A_34 = arith.constant 0.000000e+00 : f32
    %broadcast_in_dim3A_35 = vector.broadcast %broadcast_in_dim3A_34 : f32 to vector<1024x8xf32>
    %concatenate3A_36 = tpu.concatenate %mul3A_33, %mul3A_27, %broadcast_in_dim3A_35 in 1 : vector<1024x128xf32>, vector<1024x8xf32>, vector<1024x8xf32> -> vector<1024x144xf32>
    %swap3A_37 = arith.constant 0 : index
    %swap3A_38 = arith.constant 0 : index
    %swap3A_39 = vector.load %arg8[%swap3A_37, %swap3A_38] : memref<1024x144xf32, #tpu.memory_space<vmem>>, vector<1024x144xf32>
    tpu.vector_store %arg8[%swap3A_37, %swap3A_38], %concatenate3A_36 {strides = array<i32>} : memref<1024x144xf32, #tpu.memory_space<vmem>>, vector<1024x144xf32>,
    return
  }
  func.func @transform_0(%arg0: i32) -> (i32, i32) {
    %c0_i32 = arith.constant 0 : i32
    %c0_i32_0 = arith.constant 0 : i32
    return %arg0, %c0_i32 : i32, i32
  }
  func.func @transform_1(%arg0: i32) -> (i32, i32) {
    %c0_i32 = arith.constant 0 : i32
    %c0_i32_0 = arith.constant 0 : i32
    %c0_i32_1 = arith.constant 0 : i32
    return %c0_i32, %c0_i32_0 : i32, i32
  }
  func.func @transform_2(%arg0: i32) -> (i32, i32) {
    %c0_i32 = arith.constant 0 : i32
    %c0_i32_0 = arith.constant 0 : i32
    %c0_i32_1 = arith.constant 0 : i32
    return %c0_i32, %c0_i32_0 : i32, i32
  }
  func.func @transform_3(%arg0: i32) -> (i32, i32) {
    %c0_i32 = arith.constant 0 : i32
    %c0_i32_0 = arith.constant 0 : i32
    %c0_i32_1 = arith.constant 0 : i32
    return %c0_i32, %c0_i32_0 : i32, i32
  }
  func.func @transform_4(%arg0: i32) -> (i32, i32) {
    %c0_i32 = arith.constant 0 : i32
    %c0_i32_0 = arith.constant 0 : i32
    %c0_i32_1 = arith.constant 0 : i32
    return %c0_i32, %c0_i32_0 : i32, i32
  }
  func.func @transform_5(%arg0: i32) -> (i32, i32) {
    %c0_i32 = arith.constant 0 : i32
    %c0_i32_0 = arith.constant 0 : i32
    return %arg0, %c0_i32 : i32, i32
  }
  func.func @transform_6(%arg0: i32) -> (i32, i32) {
    %c0_i32 = arith.constant 0 : i32
    %c0_i32_0 = arith.constant 0 : i32
    return %arg0, %c0_i32 : i32, i32
  }
  func.func @transform_7(%arg0: i32) -> (i32, i32) {
    %c0_i32 = arith.constant 0 : i32
    %c0_i32_0 = arith.constant 0 : i32
    return %arg0, %c0_i32 : i32, i32
  }
}

module attributes {stable_mosaic.version = 14 : i64} {
  func.func @_stB_body(%arg0: i32, %arg1: memref<2x1024x144xf32, #tpu.memory_space<vmem>>, %arg2: memref<1x128xf32, #tpu.memory_space<vmem>>, %arg3: memref<128x64xf32, #tpu.memory_space<vmem>>, %arg4: memref<64x16xf32, #tpu.memory_space<vmem>>, %arg5: memref<64x16xf32, #tpu.memory_space<vmem>>, %arg6: memref<8x128xf32, #tpu.memory_space<vmem>>, %arg7: memref<1024x80xf32, #tpu.memory_space<vmem>>, %arg8: memref<1024x16xf32, #tpu.memory_space<vmem>>, %arg9: memref<1024x80xf32, #tpu.memory_space<vmem>>) attributes {dimension_semantics = [#tpu.dimension_semantics<arbitrary>], iteration_bounds = array<i64: 10>, scalar_prefetch = 0 : i64, scratch_operands = 0 : i64, tpu.core_type = #tpu.core_type<tc>, window_params = [{transform_indices = @transform_0, window_bounds = array<i64: 2, 1024, 144>}, {pipeline_mode = #tpu.pipeline_mode<synchronous>, transform_indices = @transform_1, window_bounds = array<i64: 1, 128>}, {pipeline_mode = #tpu.pipeline_mode<synchronous>, transform_indices = @transform_2, window_bounds = array<i64: 128, 64>}, {pipeline_mode = #tpu.pipeline_mode<synchronous>, transform_indices = @transform_3, window_bounds = array<i64: 64, 16>}, {pipeline_mode = #tpu.pipeline_mode<synchronous>, transform_indices = @transform_4, window_bounds = array<i64: 64, 16>}, {pipeline_mode = #tpu.pipeline_mode<synchronous>, transform_indices = @transform_5, window_bounds = array<i64: 8, 128>}, {transform_indices = @transform_6, window_bounds = array<i64: 1024, 80>}, {transform_indices = @transform_7, window_bounds = array<i64: 1024, 16>}, {transform_indices = @transform_8, window_bounds = array<i64: 1024, 80>}]} {
    %get3A = arith.constant 0 : index
    %get3A_0 = arith.constant 0 : index
    %get3A_1 = arith.constant 0 : index
    %get3A_2 = vector.load %arg1[%get3A, %get3A_0, %get3A_1] : memref<2x1024x144xf32, #tpu.memory_space<vmem>>, vector<1x1024x144xf32>
    %get3A_3 = vector.shape_cast %get3A_2 : vector<1x1024x144xf32> to vector<1024x144xf32>
    %get3A_4 = arith.constant 1 : index
    %get3A_5 = arith.constant 0 : index
    %get3A_6 = arith.constant 0 : index
    %get3A_7 = vector.load %arg1[%get3A_4, %get3A_5, %get3A_6] : memref<2x1024x144xf32, #tpu.memory_space<vmem>>, vector<1x1024x144xf32>
    %get3A_8 = vector.shape_cast %get3A_7 : vector<1x1024x144xf32> to vector<1024x144xf32>
    %add3A = arith.addf %get3A_3, %get3A_8 : vector<1024x144xf32>
    %slice3A = vector.extract_strided_slice %add3A {offsets = [0, 0], sizes = [1024, 128], strides = [1, 1]} : vector<1024x144xf32> to vector<1024x128xf32>
    %slice3A_9 = vector.extract_strided_slice %add3A {offsets = [0, 128], sizes = [1024, 8], strides = [1, 1]} : vector<1024x144xf32> to vector<1024x8xf32>
    %get3A_10 = arith.constant 0 : index
    %get3A_11 = arith.constant 0 : index
    %get3A_12 = vector.load %arg6[%get3A_10, %get3A_11] : memref<8x128xf32, #tpu.memory_space<vmem>>, vector<8x128xf32>
    %dot_general3A = arith.constant dense<0.000000e+00> : vector<1024x128xf32>
    %dot_general3A_13 = tpu.matmul %slice3A_9, %get3A_12, %dot_general3A {dimension_numbers = #tpu.dot_dimension_numbers<[1], [0], [0], [1], [0, 0, 1, 1], [], []>, transpose_lhs_hint = false} : vector<1024x8xf32>, vector<8x128xf32>, vector<1024x128xf32> -> vector<1024x128xf32>
    %add3A_14 = arith.constant 1.000000e-16 : f32
    %add3A_15 = vector.broadcast %add3A_14 : f32 to vector<1024x128xf32>
    %add3A_16 = arith.addf %dot_general3A_13, %add3A_15 : vector<1024x128xf32>
    %div3A = arith.divf %slice3A, %add3A_16 : vector<1024x128xf32>
    %get3A_17 = arith.constant 0 : index
    %get3A_18 = arith.constant 0 : index
    %get3A_19 = vector.load %arg2[%get3A_17, %get3A_18] : memref<1x128xf32, #tpu.memory_space<vmem>>, vector<1x128xf32>
    %add3A_20 = vector.broadcast %get3A_19 : vector<1x128xf32> to vector<1024x128xf32>
    %add3A_21 = arith.addf %div3A, %add3A_20 : vector<1024x128xf32>
    %mul3A = arith.constant 0.00999999977 : f32
    %mul3A_22 = vector.broadcast %mul3A : f32 to vector<1024x128xf32>
    %mul3A_23 = arith.mulf %mul3A_22, %add3A_21 : vector<1024x128xf32>
    %max3A = arith.maximumf %add3A_21, %mul3A_23 : vector<1024x128xf32>
    %get3A_24 = arith.constant 0 : index
    %get3A_25 = arith.constant 0 : index
    %get3A_26 = vector.load %arg3[%get3A_24, %get3A_25] : memref<128x64xf32, #tpu.memory_space<vmem>>, vector<128x64xf32>
    %dot_general3A_27 = arith.constant dense<0.000000e+00> : vector<1024x64xf32>
    %dot_general3A_28 = tpu.matmul %max3A, %get3A_26, %dot_general3A_27 {dimension_numbers = #tpu.dot_dimension_numbers<[1], [0], [0], [1], [0, 0, 1, 1], [], []>, transpose_lhs_hint = false} : vector<1024x128xf32>, vector<128x64xf32>, vector<1024x64xf32> -> vector<1024x64xf32>
    %get3A_29 = arith.constant 0 : index
    %get3A_30 = arith.constant 0 : index
    %get3A_31 = vector.load %arg4[%get3A_29, %get3A_30] : memref<64x16xf32, #tpu.memory_space<vmem>>, vector<64x16xf32>
    %dot_general3A_32 = arith.constant dense<0.000000e+00> : vector<1024x16xf32>
    %dot_general3A_33 = tpu.matmul %dot_general3A_28, %get3A_31, %dot_general3A_32 {dimension_numbers = #tpu.dot_dimension_numbers<[1], [0], [0], [1], [0, 0, 1, 1], [], []>, transpose_lhs_hint = false} : vector<1024x64xf32>, vector<64x16xf32>, vector<1024x16xf32> -> vector<1024x16xf32>
    %get3A_34 = arith.constant 0 : index
    %get3A_35 = arith.constant 0 : index
    %get3A_36 = vector.load %arg5[%get3A_34, %get3A_35] : memref<64x16xf32, #tpu.memory_space<vmem>>, vector<64x16xf32>
    %dot_general3A_37 = arith.constant dense<0.000000e+00> : vector<1024x16xf32>
    %dot_general3A_38 = tpu.matmul %dot_general3A_28, %get3A_36, %dot_general3A_37 {dimension_numbers = #tpu.dot_dimension_numbers<[1], [0], [0], [1], [0, 0, 1, 1], [], []>, transpose_lhs_hint = false} : vector<1024x64xf32>, vector<64x16xf32>, vector<1024x16xf32> -> vector<1024x16xf32>
    %concatenate3A = tpu.concatenate %dot_general3A_28, %dot_general3A_33 in 1 : vector<1024x64xf32>, vector<1024x16xf32> -> vector<1024x80xf32>
    %swap3A = arith.constant 0 : index
    %swap3A_39 = arith.constant 0 : index
    %swap3A_40 = vector.load %arg7[%swap3A, %swap3A_39] : memref<1024x80xf32, #tpu.memory_space<vmem>>, vector<1024x80xf32>
    tpu.vector_store %arg7[%swap3A, %swap3A_39], %concatenate3A {strides = array<i32>} : memref<1024x80xf32, #tpu.memory_space<vmem>>, vector<1024x80xf32>,
    %swap3A_41 = arith.constant 0 : index
    %swap3A_42 = arith.constant 0 : index
    %swap3A_43 = vector.load %arg8[%swap3A_41, %swap3A_42] : memref<1024x16xf32, #tpu.memory_space<vmem>>, vector<1024x16xf32>
    tpu.vector_store %arg8[%swap3A_41, %swap3A_42], %dot_general3A_38 {strides = array<i32>} : memref<1024x16xf32, #tpu.memory_space<vmem>>, vector<1024x16xf32>,
    %add3A_44 = arith.addf %dot_general3A_33, %dot_general3A_38 : vector<1024x16xf32>
    %mul3A_45 = arith.constant 2.000000e-01 : f32
    %mul3A_46 = vector.broadcast %mul3A_45 : f32 to vector<1024x16xf32>
    %mul3A_47 = arith.mulf %mul3A_46, %add3A_44 : vector<1024x16xf32>
    %max3A_48 = arith.maximumf %add3A_44, %mul3A_47 : vector<1024x16xf32>
    %exp3A = math.exp %max3A_48 : vector<1024x16xf32>
    %mul3A_49 = arith.constant 5.000000e-01 : f32
    %mul3A_50 = vector.broadcast %mul3A_49 : f32 to vector<1024x16xf32>
    %mul3A_51 = arith.mulf %mul3A_50, %exp3A : vector<1024x16xf32>
    %slice3A_52 = vector.extract_strided_slice %mul3A_51 {offsets = [0, 0], sizes = [1024, 1], strides = [1, 1]} : vector<1024x16xf32> to vector<1024x1xf32>
    %mul3A_53 = vector.broadcast %slice3A_52 : vector<1024x1xf32> to vector<1024x64xf32>
    %mul3A_54 = arith.mulf %mul3A_53, %dot_general3A_28 : vector<1024x64xf32>
    %concatenate3A_55 = tpu.concatenate %mul3A_54, %mul3A_51 in 1 : vector<1024x64xf32>, vector<1024x16xf32> -> vector<1024x80xf32>
    %swap3A_56 = arith.constant 0 : index
    %swap3A_57 = arith.constant 0 : index
    %swap3A_58 = vector.load %arg9[%swap3A_56, %swap3A_57] : memref<1024x80xf32, #tpu.memory_space<vmem>>, vector<1024x80xf32>
    tpu.vector_store %arg9[%swap3A_56, %swap3A_57], %concatenate3A_55 {strides = array<i32>} : memref<1024x80xf32, #tpu.memory_space<vmem>>, vector<1024x80xf32>,
    return
  }
  func.func @transform_0(%arg0: i32) -> (i32, i32, i32) {
    %c0_i32 = arith.constant 0 : i32
    %c0_i32_0 = arith.constant 0 : i32
    %c0_i32_1 = arith.constant 0 : i32
    return %c0_i32, %arg0, %c0_i32_0 : i32, i32, i32
  }
  func.func @transform_1(%arg0: i32) -> (i32, i32) {
    %c0_i32 = arith.constant 0 : i32
    %c0_i32_0 = arith.constant 0 : i32
    %c0_i32_1 = arith.constant 0 : i32
    return %c0_i32, %c0_i32_0 : i32, i32
  }
  func.func @transform_2(%arg0: i32) -> (i32, i32) {
    %c0_i32 = arith.constant 0 : i32
    %c0_i32_0 = arith.constant 0 : i32
    %c0_i32_1 = arith.constant 0 : i32
    return %c0_i32, %c0_i32_0 : i32, i32
  }
  func.func @transform_3(%arg0: i32) -> (i32, i32) {
    %c0_i32 = arith.constant 0 : i32
    %c0_i32_0 = arith.constant 0 : i32
    %c0_i32_1 = arith.constant 0 : i32
    return %c0_i32, %c0_i32_0 : i32, i32
  }
  func.func @transform_4(%arg0: i32) -> (i32, i32) {
    %c0_i32 = arith.constant 0 : i32
    %c0_i32_0 = arith.constant 0 : i32
    %c0_i32_1 = arith.constant 0 : i32
    return %c0_i32, %c0_i32_0 : i32, i32
  }
  func.func @transform_5(%arg0: i32) -> (i32, i32) {
    %c0_i32 = arith.constant 0 : i32
    %c0_i32_0 = arith.constant 0 : i32
    %c0_i32_1 = arith.constant 0 : i32
    return %c0_i32, %c0_i32_0 : i32, i32
  }
  func.func @transform_6(%arg0: i32) -> (i32, i32) {
    %c0_i32 = arith.constant 0 : i32
    %c0_i32_0 = arith.constant 0 : i32
    return %arg0, %c0_i32 : i32, i32
  }
  func.func @transform_7(%arg0: i32) -> (i32, i32) {
    %c0_i32 = arith.constant 0 : i32
    %c0_i32_0 = arith.constant 0 : i32
    return %arg0, %c0_i32 : i32, i32
  }
  func.func @transform_8(%arg0: i32) -> (i32, i32) {
    %c0_i32 = arith.constant 0 : i32
    %c0_i32_0 = arith.constant 0 : i32
    return %arg0, %c0_i32 : i32, i32
  }
}

module attributes {stable_mosaic.version = 14 : i64} {
  func.func @_stC_body(%arg0: i32, %arg1: memref<2x1024x80xf32, #tpu.memory_space<vmem>>, %arg2: memref<1x64xf32, #tpu.memory_space<vmem>>, %arg3: memref<1024x64xf32, #tpu.memory_space<vmem>>) attributes {dimension_semantics = [#tpu.dimension_semantics<arbitrary>], iteration_bounds = array<i64: 10>, scalar_prefetch = 0 : i64, scratch_operands = 0 : i64, tpu.core_type = #tpu.core_type<tc>, window_params = [{transform_indices = @transform_0, window_bounds = array<i64: 2, 1024, 80>}, {pipeline_mode = #tpu.pipeline_mode<synchronous>, transform_indices = @transform_1, window_bounds = array<i64: 1, 64>}, {transform_indices = @transform_2, window_bounds = array<i64: 1024, 64>}]} {
    %get3A = arith.constant 0 : index
    %get3A_0 = arith.constant 0 : index
    %get3A_1 = arith.constant 0 : index
    %get3A_2 = vector.load %arg1[%get3A, %get3A_0, %get3A_1] : memref<2x1024x80xf32, #tpu.memory_space<vmem>>, vector<1x1024x80xf32>
    %get3A_3 = vector.shape_cast %get3A_2 : vector<1x1024x80xf32> to vector<1024x80xf32>
    %get3A_4 = arith.constant 1 : index
    %get3A_5 = arith.constant 0 : index
    %get3A_6 = arith.constant 0 : index
    %get3A_7 = vector.load %arg1[%get3A_4, %get3A_5, %get3A_6] : memref<2x1024x80xf32, #tpu.memory_space<vmem>>, vector<1x1024x80xf32>
    %get3A_8 = vector.shape_cast %get3A_7 : vector<1x1024x80xf32> to vector<1024x80xf32>
    %add3A = arith.addf %get3A_3, %get3A_8 : vector<1024x80xf32>
    %slice3A = vector.extract_strided_slice %add3A {offsets = [0, 0], sizes = [1024, 64], strides = [1, 1]} : vector<1024x80xf32> to vector<1024x64xf32>
    %slice3A_9 = vector.extract_strided_slice %add3A {offsets = [0, 64], sizes = [1024, 1], strides = [1, 1]} : vector<1024x80xf32> to vector<1024x1xf32>
    %add3A_10 = arith.constant 1.000000e-16 : f32
    %add3A_11 = vector.broadcast %add3A_10 : f32 to vector<1024x1xf32>
    %add3A_12 = arith.addf %slice3A_9, %add3A_11 : vector<1024x1xf32>
    %div3A = vector.broadcast %add3A_12 : vector<1024x1xf32> to vector<1024x64xf32>
    %div3A_13 = arith.divf %slice3A, %div3A : vector<1024x64xf32>
    %get3A_14 = arith.constant 0 : index
    %get3A_15 = arith.constant 0 : index
    %get3A_16 = vector.load %arg2[%get3A_14, %get3A_15] : memref<1x64xf32, #tpu.memory_space<vmem>>, vector<1x64xf32>
    %add3A_17 = vector.broadcast %get3A_16 : vector<1x64xf32> to vector<1024x64xf32>
    %add3A_18 = arith.addf %div3A_13, %add3A_17 : vector<1024x64xf32>
    %reduce_max3A = arith.constant dense<0xFF800000> : vector<1024xf32>
    %reduce_max3A_19 = vector.multi_reduction <maximumf>, %add3A_18, %reduce_max3A [1] : vector<1024x64xf32> to vector<1024xf32>
    %broadcast_in_dim3A = vector.shape_cast %reduce_max3A_19 : vector<1024xf32> to vector<1024x1xf32>
    %sub3A = vector.broadcast %broadcast_in_dim3A : vector<1024x1xf32> to vector<1024x64xf32>
    %sub3A_20 = arith.subf %add3A_18, %sub3A : vector<1024x64xf32>
    %exp3A = math.exp %sub3A_20 : vector<1024x64xf32>
    %reduce_sum3A = arith.constant dense<0.000000e+00> : vector<1024xf32>
    %reduce_sum3A_21 = vector.multi_reduction <add>, %exp3A, %reduce_sum3A [1] : vector<1024x64xf32> to vector<1024xf32>
    %broadcast_in_dim3A_22 = vector.shape_cast %reduce_sum3A_21 : vector<1024xf32> to vector<1024x1xf32>
    %div3A_23 = vector.broadcast %broadcast_in_dim3A_22 : vector<1024x1xf32> to vector<1024x64xf32>
    %div3A_24 = arith.divf %exp3A, %div3A_23 : vector<1024x64xf32>
    %swap3A = arith.constant 0 : index
    %swap3A_25 = arith.constant 0 : index
    %swap3A_26 = vector.load %arg3[%swap3A, %swap3A_25] : memref<1024x64xf32, #tpu.memory_space<vmem>>, vector<1024x64xf32>
    tpu.vector_store %arg3[%swap3A, %swap3A_25], %div3A_24 {strides = array<i32>} : memref<1024x64xf32, #tpu.memory_space<vmem>>, vector<1024x64xf32>,
    return
  }
  func.func @transform_0(%arg0: i32) -> (i32, i32, i32) {
    %c0_i32 = arith.constant 0 : i32
    %c0_i32_0 = arith.constant 0 : i32
    %c0_i32_1 = arith.constant 0 : i32
    return %c0_i32, %arg0, %c0_i32_0 : i32, i32, i32
  }
  func.func @transform_1(%arg0: i32) -> (i32, i32) {
    %c0_i32 = arith.constant 0 : i32
    %c0_i32_0 = arith.constant 0 : i32
    %c0_i32_1 = arith.constant 0 : i32
    return %c0_i32, %c0_i32_0 : i32, i32
  }
  func.func @transform_2(%arg0: i32) -> (i32, i32) {
    %c0_i32 = arith.constant 0 : i32
    %c0_i32_0 = arith.constant 0 : i32
    return %arg0, %c0_i32 : i32, i32
  }
}

</mosaic_0001>

<sc_bundles>
// kernel: kernel.10.cloned.1.call-start
scs
__scs_entry_jumppad:
0x0: {  	(pc) =	sbr.rel $0x88, $3  }
0x1: {  	(tag) =	ssettag $0x0;
	lr =	simm.s32 $0x1  }
0x2: {  	[smem:$0x3F97] =	sst lr;
	_ =	strace $0xD0000000  }
0x3: {  	_ = 	snop  }
0x4: {  	_ = 	snop  }
0x5: {  	_ = 	snop  }
0x6: {  	_ = 	snop  }
0x7: {  	_ = 	snop  }
__scs_overlays_trampoline_lowered:
0x8: {  	[smem:$0x3FA6] =	sst s0  }
0x9: {  	[smem:$0x3FA7] =	sst s1  }
0xa: {  	[smem:$0x3FA8] =	sst s2  }
0xb: {  	[smem:$0x3FA9] =	sst s3  }
0xc: {  	[smem:$0x3FAA] =	sst s4  }
0xd: {  	[smem:$0x3FAB] =	sst s5  }
0xe: {  	[smem:$0x3FAC] =	sst s6  }
0xf: {  	[smem:$0x3FAD] =	sst s7  }
0x10: {  	[smem:$0x3FAE] =	sst s8  }
0x11: {  	[smem:$0x3FAF] =	sst s9;
	s0 =	simm.s32 @!p0 $0x0  }
0x12: {  	s1 =	sld [smem:$0x3F95];
	s0 =	simm.s32 @p0 $0x1  }
0x13: {  	[smem:$0x3FB0] =	sst s0;
	s0 =	simm.s32 @!p1 $0x0  }
0x14: {  	s2 =	sld [smem:$0x3F94];
	s0 =	simm.s32 @p1 $0x1  }
0x15: {  	[smem:$0x3FB1] =	sst s0;
	s0 =	simm.s32 @!p2 $0x0  }
0x16: {  	s3 =	sld [smem:$0x3FDB];
	s0 =	simm.s32 @p2 $0x1  }
0x17: {  	s4 =	simm.s32 $0x1BF5;
	[smem:$0x3FB3] =	sst s0  }
0x18: {  	s0 =	sld [smem:$0x3F96];
	_ =	swait.ge [sflag:s4], $0x0  }
0x19: {  	s7 =	sld [smem:$0x3F97]  }
0x1a: {  	s8 =	sadd.s32 $0xFFFFE003, lr  }
0x1b: {  	s9 =	sadd.s32 $0xFFFFFEF7, lr;
	s5 =	simm.s32 $0xFFFFFFFF;
	p2 =	slt.u32 s8, $0xFFFFF086  }
0x1c: {  	p1 =	slt.u32 s9, $0xF7A;
	s5 =	simm.s32 @!p2 $0x0  }
0x1d: {  	s5 =	simm.s32 @p1 $0x1;
	p0 =	seq.s32 s7, s2  }
0x1e: {  	s7 =	smul.u32 @!p0 $0xF7A, s2;
	p2 =	seq.s32 @!p0 s5, $0x0  }
0x1f: {  	s9 =	smul.u32 $0xF7A, s1;
	s8 =	simm.s32 @!p0 $0x1BF5;
	p2 =	por !p2, p0  }
0x20: {  	[sflag:s8] =	ssyncset.s32 @!p0 $0xFFFFF086;
	s6 =	sadd.s32 @!p0 s3, s7;
	s7 =	simm.s32 @!p0 $0x108  }
0x21: {  	s3 =	sadd.s32 s3, s9;
	s6 =	sadd.s32 @!p0 $0x88, s6;
	s7 =	simm.s32 @p2 $0x1082  }
0x22: {  	[simem:s7], [sflag:s8] =	dma.local @!p0 [hbm:s6], $0xF7A  }
0x23: {  	s9 =	sor.u32 $0xD0000000, s2;
	s6 =	simm.s32 $0x108;
	_ =	swait.ge @!p0 [sflag:s8], $0x0  }
0x24: {  	s3 =	sadd.s32 $0x88, s3;
	s6 =	simm.s32 @!p1 $0x1082;
	[sflag:s4] =	ssyncset.s32 $0xFFFFF086  }
0x25: {  	[simem:s6], [sflag:s4] =	dma.local [hbm:s3], $0xF7A  }
0x26: {  	[smem:$0x3F97] =	sst s1;
	(tag) =	ssettag s2;
	_ =	strace s9  }
0x27: {  	s1 =	sld [smem:$0x3FA7]  }
0x28: {  	s2 =	sld [smem:$0x3FA8]  }
0x29: {  	s4 =	sld [smem:$0x3FAA]  }
0x2a: {  	p0 =	seq.s32 s5, $0x0;
	s5 =	sld [smem:$0x3FAB]  }
0x2b: {  	s6 =	sld [smem:$0x3FAC]  }
0x2c: {  	s7 =	sld [smem:$0x3FAD]  }
0x2d: {  	s3 =	simm.s32 $0x108;
	s8 =	sld [smem:$0x3FAE]  }
0x2e: {  	s3 =	simm.s32 @!p0 $0x1082;
	s9 =	sld [smem:$0x3FAF]  }
0x2f: {  	lr =	sadd.s32 s0, s3;
	s0 =	sld [smem:$0x3FA6]  }
0x30: {  	s3 =	sld [smem:$0x3FA9]  }
0x31: {  	[smem:$0x3FB2] =	sst s10  }
0x32: {  	s10 =	sld [smem:$0x3FB0];
	_ =	sdelay $0x3  }
0x33: {  	p0 =	seq.s32 s10, $0x1;
	s10 =	sld [smem:$0x3FB2];
	_ =	sdelay $0x3  }
0x34: {  	[smem:$0x3FB2] =	sst s10  }
0x35: {  	s10 =	sld [smem:$0x3FB1];
	_ =	sdelay $0x3  }
0x36: {  	p1 =	seq.s32 s10, $0x1;
	s10 =	sld [smem:$0x3FB2];
	_ =	sdelay $0x3  }
0x37: {  	[smem:$0x3FB2] =	sst s10  }
0x38: {  	s10 =	sld [smem:$0x3FB3]  }
0x39: {  	_ = 	snop;
	(pc) =	sbr.ind lr, $3  }
0x3a: {  	_ = 	snop  }
0x3b: {  	_ = 	snop  }
0x3c: {  	p2 =	seq.s32 s10, $0x1;
	s10 =	sld [smem:$0x3FB2]  }
0x3d: {  	_ =	shalt  }
0x3e: {  	_ =	shalt  }
0x3f: {  	_ =	shalt  }
0x40: {  	_ =	shalt  }
0x41: {  	_ =	shalt  }
0x42: {  	_ =	shalt  }
0x43: {  	_ =	shalt  }
0x44: {  	_ =	shalt  }
0x45: {  	_ =	shalt  }
0x46: {  	_ =	shalt  }
0x47: {  	_ =	shalt  }
0x48: {  	_ =	shalt  }
0x49: {  	_ =	shalt  }
0x4a: {  	_ =	shalt  }
0x4b: {  	_ =	shalt  }
0x4c: {  	_ =	shalt  }
0x4d: {  	_ =	shalt  }
0x4e: {  	_ =	shalt  }
0x4f: {  	_ =	shalt  }
0x50: {  	_ =	shalt  }
0x51: {  	_ =	shalt  }
0x52: {  	_ =	shalt  }
0x53: {  	_ =	shalt  }
0x54: {  	_ =	shalt  }
0x55: {  	_ =	shalt  }
0x56: {  	_ =	shalt  }
0x57: {  	_ =	shalt  }
0x58: {  	_ =	shalt  }
0x59: {  	_ =	shalt  }
0x5a: {  	_ =	shalt  }
0x5b: {  	_ =	shalt  }
0x5c: {  	_ =	shalt  }
0x5d: {  	_ =	shalt  }
0x5e: {  	_ =	shalt  }
0x5f: {  	_ =	shalt  }
0x60: {  	_ =	shalt  }
0x61: {  	_ =	shalt  }
0x62: {  	_ =	shalt  }
0x63: {  	_ =	shalt  }
0x64: {  	_ =	shalt  }
0x65: {  	_ =	shalt  }
0x66: {  	_ =	shalt  }
0x67: {  	_ =	shalt  }
0x68: {  	_ =	shalt  }
0x69: {  	_ =	shalt  }
0x6a: {  	_ =	shalt  }
0x6b: {  	_ =	shalt  }
0x6c: {  	_ =	shalt  }
0x6d: {  	_ =	shalt  }
0x6e: {  	_ =	shalt  }
0x6f: {  	_ =	shalt  }
0x70: {  	_ =	shalt  }
0x71: {  	_ =	shalt  }
0x72: {  	_ =	shalt  }
0x73: {  	_ =	shalt  }
0x74: {  	_ =	shalt  }
0x75: {  	_ =	shalt  }
0x76: {  	_ =	shalt  }
0x77: {  	_ =	shalt  }
0x78: {  	_ =	shalt  }
0x79: {  	_ =	shalt  }
0x7a: {  	_ =	shalt  }
0x7b: {  	_ =	shalt  }
0x7c: {  	_ =	shalt  }
0x7d: {  	_ =	shalt  }
0x7e: {  	_ =	shalt  }
0x7f: {  	_ =	shalt  }
0x80: {  	_ =	shalt  }
0x81: {  	_ =	shalt  }
0x82: {  	_ =	shalt  }
0x83: {  	_ =	shalt  }
0x84: {  	_ =	shalt  }
0x85: {  	_ =	shalt  }
0x86: {  	_ =	shalt  }
0x87: {  	_ =	shalt  }
.Lfunc_end0:
.L_simem_size_0:
called_computation.1_lowered:
.L_overlay_start_0:
0x88: {  	s2 =	sld [smem:$0x3FD9]  }
0x89: {  	s3 =	sld [smem:$0x3FFE];
	_ =	sdelay $0x1  }
0x8a: {  	s1 =	srdreg.scid  }
0x8b: {  	s0 =	sand.u32 $0x1, s1  }
0x8c: {  	s17 =	sshll.u32 s0, $0xA;
	s2 =	sadd.s32 s3, s2  }
0x8d: {  	s2 =	sadd.s32 s2, s17  }
0x8e: {  	[smem:$0x3FBE] =	sst s2  }
0x8f: {  	_ = 	snop  }
0x90: {  	s2 =	sld [smem:$0x3FD0];
	(tm) =	ssettm $0x1  }
0x91: {  	s18 =	sld [smem:$0x3FFB];
	_ =	sdelay $0x3  }
0x92: {  	_ =	strace s18  }
0x93: {  	s3 =	sld [smem:$0x3FFC];
	_ =	sdelay $0x3  }
0x94: {  	_ =	strace s3  }
0x95: {  	s3 =	sld [smem:$0x3FFD];
	_ =	sdelay $0x3  }
0x96: {  	_ =	strace s3  }
0x97: {  	_ =	strace $0x8FFFFFFF  }
0x98: {  	s19 =	sld [smem:$0x3FDB];
	_ =	sdelay $0x1  }
0x99: {  	s4 =	simm.s32 $_scs_section_size  }
0x9a: {  	s5 =	simm.s32 $_size__tile_overlayer_lowered;
	s6 =	simm.s32 $_tile_overlayer_lowered  }
0x9b: {  	s22 =	simm.s32 $0x1BFF;
	s21 =	sshll.u32 s6, $0x1;
	s3 =	sadd.s32 s4, s19  }
0x9c: {  	s7 =	simm.s32 $0x0;
	s20 =	sshll.u32 s5, $0x1;
	s5 =	sadd.s32 s21, s3  }
0x9d: {  	[timem:s7], [sflag:s22] =	dma.local [hbm:s5], s20  }
0x9e: {  	_ =	swait.ge [sflag:s22], s20  }
0x9f: {  	s4 =	ssub.s32 $0x0, s20;
	[sflag:s22] =	ssyncset.done $0x0  }
0xa0: {  	[sflag:s22] =	ssyncadd.s32 s4;
	_ =	sdelay $0x1  }
0xa1: {  	s23 =	simm.s32 $0x1B8B  }
0xa2: {  	_ =	swait.ge [sflag:s23], $0x1  }
0xa3: {  	[sflag:s23] =	ssyncset.done $0x0  }
0xa4: {  	s25 =	simm.s32 $0x1B8E;
	s24 =	sld [smem:$0x3FFE];
	[sflag:s23] =	ssyncadd.s32 $0xFFFFFFFF  }
0xa5: {  	s26 =	simm.s32 $execute0_lowered;
	[smem:$0x3FD2] =	sst s25  }
0xa6: {  	s5 =	sshll.u32 s26, $0x1;
	_ =	strace $0x80000049;
	[dreg:$0x1] =	wrdreg $0xFFFFFFFF  }
0xa7: {  	s28 =	simm.s32 $_size_execute0_lowered;
	s3 =	sadd.s32 s3, s5;
	[dreg:$0x0] =	wrdreg $0x0  }
0xa8: {  	s5 =	sshll.u32 s28, $0x1;
	[dreg:$0x2] =	wrdreg s3  }
0xa9: {  	[dreg:$0x3] =	wrdreg s5  }
0xaa: {  	[dreg:$0x4] =	wrdreg $0xC0  }
0xab: {  	_ =	task [dreg:s7], $0x5FFFF  }
0xac: {  	[dreg:$0x1] =	wrdreg $0xFFFFFFFF  }
0xad: {  	[dreg:$0x0] =	wrdreg $0x60  }
0xae: {  	[dreg:$0x2] =	wrdreg s24  }
0xaf: {  	[dreg:$0x3] =	wrdreg s2  }
0xb0: {  	[dreg:$0x4] =	wrdreg $0x56A00  }
0xb1: {  	[dreg:$0x5] =	wrdreg $0x9  }
0xb2: {  	_ =	task.clear_ibuf [dreg:s7], $0x6FFFF;
	_ =	strace $0x90000049  }
0xb3: {  	s29 =	simm.s32 $0x9;
	_ =	strace $0x8000004B  }
0xb4: {  	_ =	swait.ge [sflag:s29], $0x1  }
0xb5: {  	[sflag:s29] =	ssyncadd.s32 $0xFFFFFFFF  }
0xb6: {  	_ =	strace $0x9000004B  }
0xb7: {  	_ =	sfence  }
0xb8: {  	s30 =	sld [smem:$0x0];
	_ =	sdelay $0x2  }
0xb9: {  	s31 =	sshll.u32 s1, $0xD;
	s1 =	sshrl.u32 s1, $0x2  }
0xba: {  	s3 =	sand.u32 $0x4000, s31;
	s1 =	sadd.s32 s1, s30  }
0xbb: {  	s0 =	sor.u32 s3, s0;
	s1 =	sshll.u32 s1, $0x11  }
0xbc: {  	s0 =	sor.u32 s1, s0  }
0xbd: {  	s0 =	sadd.s32 $0x8F2B, s0  }
0xbe: {  	[sflag:s0] =	ssyncadd.remote.s32 $0x1  }
0xbf: {  	_ =	sfence.sel $0xFFFF  }
0xc0: {  	[dreg:$0x0] =	wrdreg $0xFFFFFFFF;
	(pc) =	sbr.abs _section_cstart, $3  }
0xc1: {  	[dreg:$0x1] =	wrdreg $0xFFFFFFFF  }
0xc2: {  	_ =	task.clear_ibuf [dreg:s7], $0x2FFFF;
	_ =	strace $0x9FFFFFFF  }
0xc3: {  	(tm) =	ssettm $0x7FFFFFFF  }
tec
execute0_lowered:
.L_overlay_start_1:
0x0: {  	(tag) =	ssettag $0x1  }
0x1: {  	s0 =	rddreg [dreg:$0x0]  }
0x2: {  	s2 =	rddreg [dreg:$0x1]  }
0x3: {  	s3 =	rddreg [dreg:$0x2]  }
0x4: {  	s4 =	simm.s32 $0x0;
	s12 =	stileid.u32;
	s1 =	srdreg.scid  }
0x5: {  	s18 =	simm.s32 $0x7;
	s28 =	simm.s32 $0x2CA0;
	s29 =	simm.s32 $0x4FA0  }
0x6: {  	s30 =	simm.s32 $0x2;
	s31 =	simm.s32 $0x40;
	s13 =	simm.s32 $0x40A0  }
0x7: {  	s19 =	simm.s32 $0x0;
	[smem:$0x7FF] =	sst s4;
	s8 =	smul.u32 $0xC800, s12  }
0x8: {  	s1 =	sand.u32 $0x1, s1;
	s5 =	sadd.s32 $0x2400, s0;
	s6 =	sadd.s32 $0x1B400, s0  }
0x9: {  	s7 =	sadd.s32 $0x2F400, s0;
	s21 =	sshll.u32 s12, $0x6;
	_ =	strace $0x8000004A  }
0xa: {  	s9 =	smul.u32 $0xC8000, s1;
	s11 =	sshll.u32 s1, $0x4;
	s1 =	ssub.s32 $0x2, s1  }
0xb: {  	s16 =	sor.u32 $0x1C07, s21;
	s21 =	simm.s32 $0x2B50;
	s10 =	sshrl.u32 s8, $0x3  }
0xc: {  	s11 =	sor.u32 s12, s11;
	s20 =	sshrl.u32 s1, $0x1;
	s12 =	simm.s32 $0x2C70  }
0xd: {  	[dreg:$0x5] =	wrdreg s16;
	s10 =	sadd.s32 s10, s0;
	s9 =	sadd.s32 s8, s9  }
0xe: {  	s11 =	smul.u32 $0x2760, s11;
	s1 =	ssub.s32 s1, s20;
	s8 =	sadd.s32 s8, s3  }
0xf: {  	s20 =	simm.s32 $0x70;
	s9 =	sshrl.u32 s9, $0x3;
	s10 =	sadd.s32 $0x39200, s10  }
0x10: {  	s26 =	smax.u32 s1, $0x1;
	s17 =	sshrl.u32 s8, $0x3;
	s1 =	simm.s32 $0x30  }
0x11: {  	s8 =	simm.s32 $0x1550;
	s0 =	sadd.s32 s9, s0;
	[dreg:$0x4] =	wrdreg s10  }
0x12: {  	s22 =	sshrl.u32 s11, $0x3;
	s14 =	sadd.s32 $0xE0, s11;
	s15 =	sadd.s32 $0x150, s11  }
0x13: {  	[dreg:$0xb] =	wrdreg s26;
	s26 =	simm.s32 $0x4;
	s10 =	simm.s32 $0x5  }
0x14: {  	s11 =	simm.s32 $0x2C30;
	[dreg:$0xc] =	wrdreg s17;
	s23 =	sadd.s32 s7, s22  }
.Ltmp0:
0x15: {  	s24 =	sadd.s32 s2, s22;
	[dreg:$0x6] =	wrdreg s23;
	(pc) =	sbr.rel .LBB2_1-.Ltmp0, $4  }
0x16: {  	s9 =	sadd.s32 $0xE, s22;
	s0 =	sadd.s32 $0x52200, s0;
	[dreg:$0x7] =	wrdreg s24  }
0x17: {  	s22 =	simm.s32 $0x2BC0;
	s25 =	sadd.s32 s7, s9;
	[dreg:$0xa] =	wrdreg s0  }
0x18: {  	s9 =	sadd.s32 s2, s9;
	s24 =	simm.s32 $0x150;
	[dreg:$0x8] =	wrdreg s25  }
0x19: {  	s0 =	simm.s32 $0xE0;
	[dreg:$0x9] =	wrdreg s9;
	s25 =	simm.s32 $0x120  }
.LBB2_12:
0x1a: {  	s9 =	simm.s32 $0x3  }
0x1b: {  	_ =	swait.ge [sflag:s9], $0x1400  }
0x1c: {  	[sflag:s9] =	ssyncset.done $0x0  }
0x1d: {  	[sflag:s9] =	ssyncadd.s32 $0xFFFFEC00  }
0x1e: {  	_ =	swait.ge [sflag:s9], $0xF00  }
0x1f: {  	[sflag:s9] =	ssyncset.done $0x0  }
0x20: {  	s18 =	simm.s32 $0x6;
	[sflag:s9] =	ssyncadd.s32 $0xFFFFF100  }
0x21: {  	_ =	swait.ge [sflag:s18], $0x1400  }
0x22: {  	[sflag:s18] =	ssyncset.done $0x0  }
0x23: {  	[sflag:s18] =	ssyncadd.s32 $0xFFFFEC00  }
0x24: {  	_ =	swait.ge [sflag:s18], $0xF00  }
0x25: {  	[sflag:s18] =	ssyncset.done $0x0  }
0x26: {  	[sflag:s18] =	ssyncadd.s32 $0xFFFFF100  }
0x27: {  	[bflag:$0x0] =	sbarrier.arrive $0xFFFF  }
0x28: {  	s16 =	rddreg [dreg:$0x5]  }
0x29: {  	s19 =	rddreg [dreg:$0xa]  }
0x2a: {  	s18 =	simm.s32 $0x7;
	s17 =	rddreg [dreg:$0xc]  }
0x2b: {  	[hbm:s19], [sflag:s16] =	dma.local [spmem:s17], $0x1900  }
0x2c: {  	_ =	swait.ge [sflag:s18], $0x1900  }
0x2d: {  	s19 =	rddreg [dreg:$0xd]  }
0x2e: {  	s23 =	rddreg [dreg:$0xb];
	s19 =	sadd.s32 $0x1, s19  }
0x2f: {  	p0 =	sne.s32 s19, s23  }
.Ltmp1:
0x30: {  	_ = 	snop;
	(pc) =	sbr.rel @!p0 .LBB2_13-.Ltmp1, $3  }
0x31: {  	_ =	sdelay $0x1  }
0x32: {  	[sflag:s18] =	ssyncset.done $0x0  }
0x33: {  	[sflag:s18] =	ssyncadd.s32 $0xFFFFE700  }
.LBB2_1:
0x34: {  	[dreg:$0xd] =	wrdreg s19  }
0x35: {  	s9 =	rddreg [dreg:$0x4]  }
0x36: {  	[spmem:s17], [sflag:s16] =	dma.local [hbm:s9], $0x1900  }
0x37: {  	_ =	swait.ge [sflag:s18], $0x1900  }
0x38: {  	[sflag:s18] =	ssyncset.done $0x0  }
0x39: {  	[sflag:s18] =	ssyncadd.s32 $0xFFFFE700  }
0x3a: {  	[bflag:$0x0] =	sbarrier.arrive $0xFFFF  }
0x3b: {  	s23 =	rddreg [dreg:$0x6]  }
0x3c: {  	[tilespmem:s4], [sflag:$0x1] =	stream.linear.gather [hbm4b:s23+s4], $0x70, $0x38;
	[tilespmem:$0x11EA0] =	vst v63  }
0x3d: {  	s16 =	rddreg [dreg:$0x7]  }
0x3e: {  	[tilespmem:s20], [sflag:$0x1] =	stream.linear.gather [hbm4b:s16+s4], $0x70, $0x38;
	[tilespmem:$0x11EA0] =	vst v63  }
0x3f: {  	s17 =	rddreg [dreg:$0x8]  }
0x40: {  	[tilespmem:s21], [sflag:$0x4] =	stream.linear.gather [hbm4b:s17+s4], $0x70, $0x38;
	[tilespmem:$0x11EA0] =	vst v63  }
0x41: {  	s19 =	simm.s32 $0x1;
	s18 =	rddreg [dreg:$0x9]  }
0x42: {  	[tilespmem:s22], [sflag:$0x4] =	stream.linear.gather [hbm4b:s18+s4], $0x70, $0x38;
	[tilespmem:$0x11EA0] =	vst v63  }
0x43: {  	_ =	swait.ge [sflag:s19], $0x70  }
0x44: {  	[sflag:s19] =	ssyncset.done $0x0  }
0x45: {  	[sflag:s19] =	ssyncadd.s32 $0xFFFFFF90  }
0x46: {  	_ =	swait.ge [sflag:s19], $0x70  }
0x47: {  	[sflag:s19] =	ssyncset.done $0x0  }
0x48: {  	[sflag:s19] =	ssyncadd.s32 $0xFFFFFF90  }
0x49: {  	[tilespmem:s24], [sflag:$0x2] =	stream.indirect.gather [hbm4b:s5+s20], $0x50, s4, s20, $0xb8;
	[tilespmem:$0x11EA0] =	vst v63  }
0x4a: {  	s23 =	simm.s32 $0x2450;
	s18 =	simm.s32 $0x0  }
0x4b: {  	[tilespmem:s23], [sflag:$0x2] =	stream.indirect.gather [hbm4b:s6+s20], $0x10, s20, s20, $0xb8;
	[tilespmem:$0x11EA0] =	vst v63  }
.LBB2_2:
0x4c: {  	p0 =	seq.s32 s18, $0x0  }
0x4d: {  	s9 =	simm.s32 @!p0 $0x6  }
0x4e: {  	_ =	swait.ge @!p0 [sflag:s9], $0x1400  }
0x4f: {  	[sflag:s9] =	ssyncset.done @!p0 $0x0  }
0x50: {  	[sflag:s9] =	ssyncadd.s32 @!p0 $0xFFFFEC00  }
0x51: {  	_ =	swait.ge @!p0 [sflag:s9], $0xF00  }
0x52: {  	[sflag:s9] =	ssyncset.done @!p0 $0x0  }
0x53: {  	[sflag:s9] =	ssyncadd.s32 @!p0 $0xFFFFF100  }
0x54: {  	_ =	swait.ge [sflag:s26], $0x70  }
0x55: {  	[sflag:s26] =	ssyncset.done $0x0  }
0x56: {  	[sflag:s26] =	ssyncadd.s32 $0xFFFFFF90  }
0x57: {  	_ =	swait.ge [sflag:s26], $0x70  }
0x58: {  	[sflag:s26] =	ssyncset.done $0x0  }
0x59: {  	[sflag:s26] =	ssyncadd.s32 $0xFFFFFF90  }
0x5a: {  	[tilespmem:s28], [sflag:$0x5] =	stream.indirect.gather [hbm4b:s5+s20], $0x50, s21, s20, $0xb8;
	[tilespmem:$0x11EA0] =	vst v63  }
0x5b: {  	_ = 	snop  }
0x5c: {  	[tilespmem:s29], [sflag:$0x5] =	stream.indirect.gather [hbm4b:s6+s20], $0x10, s22, s20, $0xb8;
	[tilespmem:$0x11EA0] =	vst v63  }
0x5d: {  	_ =	swait.ge [sflag:s30], $0x2300  }
0x5e: {  	[sflag:s30] =	ssyncset.done $0x0  }
0x5f: {  	[sflag:s30] =	ssyncadd.s32 $0xFFFFDD00  }
0x60: {  	_ =	swait.ge [sflag:s30], $0x700  }
0x61: {  	[sflag:s30] =	ssyncset.done $0x0  }
0x62: {  	[sflag:s30] =	ssyncadd.s32 $0xFFFFF900  }
0x63: {  	v0 =	vld [tilespmem:$0x70]  }
0x64: {  	v1 =	vld [tilespmem:$0x80]  }
0x65: {  	v2 =	vld [tilespmem:$0x90]  }
0x66: {  	v3 =	vld [tilespmem:$0xA0];
	_ =	sdelay $0x1  }
0x67: {  	[tilespmem:$0xE0] =	vst v0  }
0x68: {  	[tilespmem:$0xF0] =	vst v1  }
0x69: {  	[tilespmem:$0x100] =	vst v2  }
0x6a: {  	s23 =	simm.s32 $0x1A0;
	[tilespmem:$0x110] =	vst v3  }
0x6b: {  	s19 =	simm.s32 $0x2460;
	v0 =	vld [tilespmem:s23+$0x40]  }
0x6c: {  	v1 =	vld [tilespmem:s19+$0x0]  }
0x6d: {  	v5 =	vld [tilespmem:s19+$0xFFFFFFF0]  }
0x6e: {  	v6 =	vld [tilespmem:s23+$0xFFFFFFF0];
	_ =	sdelay $0x1  }
0x6f: {  	v4 =	vld [tilespmem:s23+$0xFFFFFFB0]  }
0x70: {  	v2 =	vld [tilespmem:s23+$0xFFFFFFC0];
	v3 =	vadd.f32 v1, v0  }
0x71: {  	v9 =	vld [tilespmem:s23+$0x0]  }
0x72: {  	s16 =	simm.s32 $0x2480;
	v10 =	vld [tilespmem:s23+$0x10];
	v12 =	vadd.f32 v5, v6;
	v7 =	vmul.f32 $2.000000030e-01, v3  }
0x73: {  	v11 =	vld [tilespmem:s16+$0x0]  }
0x74: {  	s19 =	simm.s32 $0x240;
	v18 =	vld [tilespmem:s23+$0x30];
	v14 =	vmul.f32 $2.000000030e-01, v12;
	v3 =	vmax.f32 v3, v7  }
0x75: {  	v8 =	vld [tilespmem:s19+$0x40];
	v7 =	vmul.f32 $1.442695020e+00, v3  }
0x76: {  	v13 =	vld [tilespmem:s19+$0xFFFFFFF0];
	v12 =	vmax.f32 v12, v14  }
0x77: {  	v1 =	vld [tilespmem:s23+$0xFFFFFFD0];
	v14 =	vmul.f32 $1.442695020e+00, v12;
	(erf) = vpow2.f32 v7  }
0x78: {  	v0 =	vld [tilespmem:s23+$0xFFFFFFE0]  }
0x79: {  	v7 =	vld [tilespmem:s16+$0xFFFFFFF0];
	(erf) = vpow2.f32 v14  }
0x7a: {  	v5 =	vld [tilespmem:s19+$0xFFFFFFB0]  }
0x7b: {  	v6 =	vld [tilespmem:s19+$0xFFFFFFC0]  }
0x7c: {  	v11 =	vadd.f32 v11, v8;
	v8 =	vld [tilespmem:s19+$0xFFFFFFD0]  }
0x7d: {  	v3 =	vld [tilespmem:s23+$0x20]  }
0x7e: {  	v12 =	vld [tilespmem:s19+$0x0];
	v15 =	vadd.f32 v7, v13;
	v13 =	vmul.f32 $2.000000030e-01, v11  }
0x7f: {  	v7 =	vld [tilespmem:s19+$0xFFFFFFE0]  }
0x80: {  	v16 =	vmul.f32 $2.000000030e-01, v15;
	v11 =	vmax.f32 v11, v13;
	v13 =	vld [tilespmem:s19+$0x10];
	v14 =	vpop (erf)  }
0x81: {  	s17 =	simm.s32 $0x2;
	s9 =	simm.s32 $0x2E0;
	v17 =	vmul.f32 $1.442695020e+00, v11;
	v11 =	vld [tilespmem:s19+$0x20];
	[tilespmem:s23+$0x40] =	vst v14;
	v18 =	vmul.f32 v18, v14  }
.LBB2_3:
0x82: {  	v19 =	vld [tilespmem:s9+$0x40];
	v15 =	vmax.f32 v15, v16;
	s16 =	sadd.s32 $0x20, s16;
	v23 =	vmul.f32 v14, v9;
	v24 =	vmul.f32 v14, v10;
	v16 =	vpop (erf)  }
0x83: {  	s17 =	sadd.s32 $0x2, s17;
	v20 =	vld [tilespmem:s16+$0x0];
	v15 =	vmul.f32 $1.442695020e+00, v15;
	(erf) = vpow2.f32 v17;
	[tilespmem:s23+$0x30] =	vst v18  }
0x84: {  	p0 =	slt.u32 s17, $0x3E;
	v18 =	vmul.f32 v16, v4;
	v21 =	vmul.f32 v16, v2;
	v4 =	vmovc v5;
	v2 =	vmov v6;
	v17 =	vld [tilespmem:s16+$0xFFFFFFF0];
	[tilespmem:s23+$0x0] =	vst v23  }
0x85: {  	v9 =	vmovc v12;
	v22 =	vld [tilespmem:s9+$0xFFFFFFF0];
	(erf) = vpow2.f32 v15;
	v15 =	vmul.f32 v1, v16;
	[tilespmem:s23+$0x10] =	vst v24;
	v1 =	vmovc v8;
	v10 =	vmov v13  }
0x86: {  	v12 =	vmul.f32 v0, v16;
	v0 =	vmovc v7;
	v13 =	vmul.f32 v3, v14;
	v5 =	vld [tilespmem:s9+$0xFFFFFFB0];
	[tilespmem:s23+$0xFFFFFFB0] =	vst v18;
	v3 =	vmov v11  }
0x87: {  	v6 =	vld [tilespmem:s9+$0xFFFFFFC0];
	[tilespmem:s23+$0xFFFFFFC0] =	vst v21  }
0x88: {  	v11 =	vadd.f32 v20, v19;
	v18 =	vld [tilespmem:s19+$0x30];
	[tilespmem:s23+$0xFFFFFFD0] =	vst v15  }
.Ltmp2:
0x89: {  	v8 =	vld [tilespmem:s9+$0xFFFFFFD0];
	[tilespmem:s23+$0xFFFFFFE0] =	vst v12;
	(pc) =	sbr.rel @p0 .LBB2_3-.Ltmp2, $4  }
0x8a: {  	v15 =	vadd.f32 v17, v22;
	v7 =	vld [tilespmem:s9+$0xFFFFFFE0];
	v17 =	vmul.f32 $2.000000030e-01, v11;
	[tilespmem:s23+$0x20] =	vst v13  }
0x8b: {  	v12 =	vld [tilespmem:s9+$0x0];
	[tilespmem:s23+$0xFFFFFFF0] =	vst v16;
	s23 =	smov.u32 s19;
	s19 =	smov.u32 s9  }
0x8c: {  	v16 =	vmul.f32 $2.000000030e-01, v15;
	v11 =	vmax.f32 v11, v17;
	v13 =	vld [tilespmem:s9+$0x10];
	v14 =	vpop (erf)  }
0x8d: {  	s9 =	sadd.s32 $0xA0, s9;
	v17 =	vmul.f32 $1.442695020e+00, v11;
	v11 =	vld [tilespmem:s19+$0x20];
	[tilespmem:s23+$0x40] =	vst v14;
	v18 =	vmul.f32 v18, v14  }
0x8e: {  	_ = 	snop  }
0x8f: {  	(erf) = vpow2.f32 v17;
	_ =	sdelay $0x1  }
0x90: {  	v15 =	vmax.f32 v15, v16;
	v9 =	vmul.f32 v14, v9;
	v16 =	vpop (erf);
	[tilespmem:s23+$0x30] =	vst v18  }
0x91: {  	v15 =	vmul.f32 $1.442695020e+00, v15;
	v4 =	vmul.f32 v16, v4;
	[tilespmem:s23+$0xFFFFFFF0] =	vst v16  }
0x92: {  	v10 =	vmul.f32 v14, v10;
	v2 =	vmul.f32 v16, v2;
	[tilespmem:s23+$0x0] =	vst v9  }
0x93: {  	v0 =	vmul.f32 v0, v16;
	(erf) = vpow2.f32 v15;
	[tilespmem:s23+$0xFFFFFFB0] =	vst v4;
	v4 =	vld [tilespmem:s19+$0x30]  }
0x94: {  	v1 =	vmul.f32 v1, v16;
	[tilespmem:s23+$0x10] =	vst v10  }
0x95: {  	[tilespmem:s23+$0xFFFFFFC0] =	vst v2  }
0x96: {  	v2 =	vmul.f32 v3, v14;
	[tilespmem:s23+$0xFFFFFFD0] =	vst v1  }
0x97: {  	[tilespmem:s23+$0xFFFFFFE0] =	vst v0;
	v0 =	vpop (erf)  }
0x98: {  	[tilespmem:s23+$0x20] =	vst v2;
	v1 =	vmul.f32 v4, v0  }
0x99: {  	[tilespmem:s19+$0x40] =	vst v0;
	v2 =	vmul.f32 v0, v12  }
0x9a: {  	v3 =	vmul.f32 v0, v13;
	[tilespmem:s19+$0x30] =	vst v1  }
0x9b: {  	v0 =	vmul.f32 v11, v0;
	[tilespmem:s19+$0x0] =	vst v2  }
0x9c: {  	v4 =	vpop (erf);
	[tilespmem:s19+$0x10] =	vst v3  }
0x9d: {  	v1 =	vmul.f32 v4, v5;
	[tilespmem:s19+$0x20] =	vst v0  }
0x9e: {  	v2 =	vmul.f32 v4, v6;
	[tilespmem:s19+$0xFFFFFFF0] =	vst v4  }
0x9f: {  	v3 =	vmul.f32 v8, v4;
	[tilespmem:s19+$0xFFFFFFB0] =	vst v1  }
0xa0: {  	v1 =	vmul.f32 v7, v4;
	[tilespmem:s19+$0xFFFFFFC0] =	vst v2  }
0xa1: {  	[tilespmem:s19+$0xFFFFFFD0] =	vst v3  }
0xa2: {  	[tilespmem:s19+$0xFFFFFFE0] =	vst v1  }
0xa3: {  	[spmem:s3] =	stream.indirect.scatter.add.f32 [tilespmem:s24], [sflag:$0x3], $0x50, s0, s31, $0xb8;
	[tilespmem:$0x11EA0] =	vst v63  }
0xa4: {  	v0 =	vld [tilespmem:$0xB0]  }
0xa5: {  	v1 =	vld [tilespmem:$0xC0]  }
0xa6: {  	v2 =	vld [tilespmem:$0xD0];
	_ =	sdelay $0x2  }
0xa7: {  	[tilespmem:$0x120] =	vst v0  }
0xa8: {  	[tilespmem:$0x130] =	vst v1  }
0xa9: {  	s23 =	simm.s32 $0x15E0;
	[tilespmem:$0x140] =	vst v2  }
0xaa: {  	s9 =	simm.s32 $0x2860;
	v0 =	vld [tilespmem:s23+$0x0]  }
0xab: {  	v1 =	vld [tilespmem:s9+$0x0]  }
0xac: {  	v5 =	vld [tilespmem:s9+$0xFFFFFFF0]  }
0xad: {  	v6 =	vld [tilespmem:s23+$0xFFFFFFB0];
	_ =	sdelay $0x1  }
0xae: {  	v4 =	vld [tilespmem:s23+$0xFFFFFF70]  }
0xaf: {  	v2 =	vld [tilespmem:s23+$0xFFFFFF80];
	v3 =	vadd.f32 v1, v0  }
0xb0: {  	v9 =	vld [tilespmem:s23+$0xFFFFFFC0]  }
0xb1: {  	s19 =	simm.s32 $0x1680;
	v10 =	vld [tilespmem:s23+$0xFFFFFFD0];
	v12 =	vadd.f32 v5, v6;
	v7 =	vmul.f32 $2.000000030e-01, v3  }
0xb2: {  	s16 =	simm.s32 $0x2880;
	v8 =	vld [tilespmem:s19+$0x0]  }
0xb3: {  	v11 =	vld [tilespmem:s16+$0x0];
	v14 =	vmul.f32 $2.000000030e-01, v12;
	v3 =	vmax.f32 v3, v7  }
0xb4: {  	v13 =	vld [tilespmem:s19+$0xFFFFFFB0];
	v7 =	vmul.f32 $1.442695020e+00, v3  }
0xb5: {  	v18 =	vld [tilespmem:s23+$0xFFFFFFF0];
	v12 =	vmax.f32 v12, v14  }
0xb6: {  	v1 =	vld [tilespmem:s23+$0xFFFFFF90];
	v14 =	vmul.f32 $1.442695020e+00, v12;
	(erf) = vpow2.f32 v7  }
0xb7: {  	v0 =	vld [tilespmem:s23+$0xFFFFFFA0]  }
0xb8: {  	v7 =	vld [tilespmem:s16+$0xFFFFFFF0];
	(erf) = vpow2.f32 v14  }
0xb9: {  	v5 =	vld [tilespmem:s19+$0xFFFFFF70]  }
0xba: {  	v6 =	vld [tilespmem:s19+$0xFFFFFF80]  }
0xbb: {  	v11 =	vadd.f32 v11, v8;
	v8 =	vld [tilespmem:s19+$0xFFFFFF90]  }
0xbc: {  	v3 =	vld [tilespmem:s23+$0xFFFFFFE0]  }
0xbd: {  	v12 =	vld [tilespmem:s19+$0xFFFFFFC0];
	v15 =	vadd.f32 v7, v13;
	v13 =	vmul.f32 $2.000000030e-01, v11  }
0xbe: {  	v7 =	vld [tilespmem:s19+$0xFFFFFFA0]  }
0xbf: {  	v16 =	vmul.f32 $2.000000030e-01, v15;
	v11 =	vmax.f32 v11, v13;
	v13 =	vld [tilespmem:s19+$0xFFFFFFD0];
	v14 =	vpop (erf)  }
0xc0: {  	s17 =	simm.s32 $0x42;
	s9 =	simm.s32 $0x1720;
	v17 =	vmul.f32 $1.442695020e+00, v11;
	v11 =	vld [tilespmem:s19+$0xFFFFFFE0];
	[tilespmem:s23+$0x0] =	vst v14;
	v18 =	vmul.f32 v18, v14  }
.LBB2_5:
0xc1: {  	v19 =	vld [tilespmem:s9+$0x0];
	v15 =	vmax.f32 v15, v16;
	s16 =	sadd.s32 $0x20, s16;
	v23 =	vmul.f32 v14, v9;
	v24 =	vmul.f32 v14, v10;
	v16 =	vpop (erf)  }
0xc2: {  	s17 =	sadd.s32 $0x2, s17;
	v20 =	vld [tilespmem:s16+$0x0];
	v15 =	vmul.f32 $1.442695020e+00, v15;
	(erf) = vpow2.f32 v17;
	[tilespmem:s23+$0xFFFFFFF0] =	vst v18  }
0xc3: {  	p0 =	slt.u32 s17, $0x6E;
	v18 =	vmul.f32 v16, v4;
	v21 =	vmul.f32 v16, v2;
	v4 =	vmovc v5;
	v2 =	vmov v6;
	v17 =	vld [tilespmem:s16+$0xFFFFFFF0];
	[tilespmem:s23+$0xFFFFFFC0] =	vst v23  }
0xc4: {  	v9 =	vmovc v12;
	v22 =	vld [tilespmem:s9+$0xFFFFFFB0];
	(erf) = vpow2.f32 v15;
	v15 =	vmul.f32 v1, v16;
	[tilespmem:s23+$0xFFFFFFD0] =	vst v24;
	v1 =	vmovc v8;
	v10 =	vmov v13  }
0xc5: {  	v12 =	vmul.f32 v0, v16;
	v0 =	vmovc v7;
	v13 =	vmul.f32 v3, v14;
	v5 =	vld [tilespmem:s9+$0xFFFFFF70];
	[tilespmem:s23+$0xFFFFFF70] =	vst v18;
	v3 =	vmov v11  }
0xc6: {  	v6 =	vld [tilespmem:s9+$0xFFFFFF80];
	[tilespmem:s23+$0xFFFFFF80] =	vst v21  }
0xc7: {  	v11 =	vadd.f32 v20, v19;
	v18 =	vld [tilespmem:s19+$0xFFFFFFF0];
	[tilespmem:s23+$0xFFFFFF90] =	vst v15  }
.Ltmp3:
0xc8: {  	v8 =	vld [tilespmem:s9+$0xFFFFFF90];
	[tilespmem:s23+$0xFFFFFFA0] =	vst v12;
	(pc) =	sbr.rel @p0 .LBB2_5-.Ltmp3, $4  }
0xc9: {  	v15 =	vadd.f32 v17, v22;
	v7 =	vld [tilespmem:s9+$0xFFFFFFA0];
	v17 =	vmul.f32 $2.000000030e-01, v11;
	[tilespmem:s23+$0xFFFFFFE0] =	vst v13  }
0xca: {  	v12 =	vld [tilespmem:s9+$0xFFFFFFC0];
	[tilespmem:s23+$0xFFFFFFB0] =	vst v16;
	s23 =	smov.u32 s19;
	s19 =	smov.u32 s9  }
0xcb: {  	v16 =	vmul.f32 $2.000000030e-01, v15;
	v11 =	vmax.f32 v11, v17;
	v13 =	vld [tilespmem:s9+$0xFFFFFFD0];
	v14 =	vpop (erf)  }
0xcc: {  	s9 =	sadd.s32 $0xA0, s9;
	v17 =	vmul.f32 $1.442695020e+00, v11;
	v11 =	vld [tilespmem:s19+$0xFFFFFFE0];
	[tilespmem:s23+$0x0] =	vst v14;
	v18 =	vmul.f32 v18, v14  }
0xcd: {  	_ = 	snop  }
0xce: {  	(erf) = vpow2.f32 v17;
	_ =	sdelay $0x1  }
0xcf: {  	v15 =	vmax.f32 v15, v16;
	v9 =	vmul.f32 v14, v9;
	v16 =	vpop (erf);
	[tilespmem:s23+$0xFFFFFFF0] =	vst v18  }
0xd0: {  	v15 =	vmul.f32 $1.442695020e+00, v15;
	v4 =	vmul.f32 v16, v4;
	[tilespmem:s23+$0xFFFFFFB0] =	vst v16  }
0xd1: {  	v10 =	vmul.f32 v14, v10;
	v2 =	vmul.f32 v16, v2;
	[tilespmem:s23+$0xFFFFFFC0] =	vst v9  }
0xd2: {  	v0 =	vmul.f32 v0, v16;
	(erf) = vpow2.f32 v15;
	[tilespmem:s23+$0xFFFFFF70] =	vst v4;
	v4 =	vld [tilespmem:s19+$0xFFFFFFF0]  }
0xd3: {  	v1 =	vmul.f32 v1, v16;
	[tilespmem:s23+$0xFFFFFFD0] =	vst v10  }
0xd4: {  	[tilespmem:s23+$0xFFFFFF80] =	vst v2  }
0xd5: {  	v2 =	vmul.f32 v3, v14;
	[tilespmem:s23+$0xFFFFFF90] =	vst v1  }
0xd6: {  	[tilespmem:s23+$0xFFFFFFA0] =	vst v0;
	v0 =	vpop (erf)  }
0xd7: {  	[tilespmem:s23+$0xFFFFFFE0] =	vst v2;
	v1 =	vmul.f32 v4, v0  }
0xd8: {  	[tilespmem:s19+$0x0] =	vst v0;
	v2 =	vmul.f32 v0, v12  }
0xd9: {  	v3 =	vmul.f32 v0, v13;
	[tilespmem:s19+$0xFFFFFFF0] =	vst v1  }
0xda: {  	v0 =	vmul.f32 v11, v0;
	[tilespmem:s19+$0xFFFFFFC0] =	vst v2  }
0xdb: {  	v4 =	vpop (erf);
	[tilespmem:s19+$0xFFFFFFD0] =	vst v3  }
0xdc: {  	v1 =	vmul.f32 v4, v5;
	[tilespmem:s19+$0xFFFFFFE0] =	vst v0  }
0xdd: {  	p0 =	seq.s32 s18, $0x2C;
	v2 =	vmul.f32 v4, v6;
	[tilespmem:s19+$0xFFFFFFB0] =	vst v4  }
0xde: {  	s9 =	smul.u32 @!p0 $0xE0, s18;
	v3 =	vmul.f32 v8, v4;
	[tilespmem:s19+$0xFFFFFF70] =	vst v1  }
0xdf: {  	v1 =	vmul.f32 v7, v4;
	[tilespmem:s19+$0xFFFFFF80] =	vst v2  }
0xe0: {  	s9 =	sadd.s32 @!p0 s9, s14;
	[tilespmem:s19+$0xFFFFFF90] =	vst v3  }
0xe1: {  	s9 =	sshrl.u32 @!p0 s9, $0x3;
	[tilespmem:s19+$0xFFFFFFA0] =	vst v1  }
0xe2: {  	[spmem:s3] =	stream.indirect.scatter.add.f32 [tilespmem:s8], [sflag:$0x3], $0x50, s25, s1, $0xb8;
	[tilespmem:$0x11EA0] =	vst v63  }
0xe3: {  	s17 =	simm.s32 @!p0 $0x0;
	s16 =	sadd.s32 @!p0 s7, s9  }
0xe4: {  	[tilespmem:s17], [sflag:$0x1] =	stream.linear.gather @!p0 [hbm4b:s16+s17], $0x70, $0x38;
	[tilespmem:$0x11EA0] =	vst v63  }
0xe5: {  	s9 =	sadd.s32 @!p0 s2, s9;
	s16 =	simm.s32 @!p0 $0x70  }
0xe6: {  	[tilespmem:s16], [sflag:$0x1] =	stream.linear.gather @!p0 [hbm4b:s9+s17], $0x70, $0x38;
	[tilespmem:$0x11EA0] =	vst v63  }
0xe7: {  	s9 =	simm.s32 @!p0 $0x3  }
0xe8: {  	_ =	swait.ge @!p0 [sflag:s9], $0x1400  }
0xe9: {  	[sflag:s9] =	ssyncset.done @!p0 $0x0  }
0xea: {  	[sflag:s9] =	ssyncadd.s32 @!p0 $0xFFFFEC00  }
0xeb: {  	_ =	swait.ge @!p0 [sflag:s9], $0xF00  }
0xec: {  	[sflag:s9] =	ssyncset.done @!p0 $0x0  }
0xed: {  	[sflag:s9] =	ssyncadd.s32 @!p0 $0xFFFFF100;
	s9 =	simm.s32 @!p0 $0x1  }
0xee: {  	_ =	swait.ge @!p0 [sflag:s9], $0x70  }
0xef: {  	[sflag:s9] =	ssyncset.done @!p0 $0x0  }
0xf0: {  	[sflag:s9] =	ssyncadd.s32 @!p0 $0xFFFFFF90  }
0xf1: {  	_ =	swait.ge @!p0 [sflag:s9], $0x70  }
0xf2: {  	[sflag:s9] =	ssyncset.done @!p0 $0x0  }
0xf3: {  	[sflag:s9] =	ssyncadd.s32 @!p0 $0xFFFFFF90;
	s9 =	simm.s32 @!p0 $0x150  }
0xf4: {  	[tilespmem:s9], [sflag:$0x2] =	stream.indirect.gather @!p0 [hbm4b:s5+s16], $0x50, s17, s16, $0xb8;
	[tilespmem:$0x11EA0] =	vst v63  }
0xf5: {  	s9 =	simm.s32 @!p0 $0x2450  }
0xf6: {  	[tilespmem:s9], [sflag:$0x2] =	stream.indirect.gather @!p0 [hbm4b:s6+s16], $0x10, s16, s16, $0xb8;
	[tilespmem:$0x11EA0] =	vst v63  }
0xf7: {  	_ =	swait.ge [sflag:s10], $0x2300  }
0xf8: {  	[sflag:s10] =	ssyncset.done $0x0  }
0xf9: {  	[sflag:s10] =	ssyncadd.s32 $0xFFFFDD00  }
0xfa: {  	_ =	swait.ge [sflag:s10], $0x700  }
0xfb: {  	[sflag:s10] =	ssyncset.done $0x0  }
0xfc: {  	[sflag:s10] =	ssyncadd.s32 $0xFFFFF900  }
0xfd: {  	v0 =	vld [tilespmem:$0x2BC0]  }
0xfe: {  	v1 =	vld [tilespmem:$0x2BD0]  }
0xff: {  	v2 =	vld [tilespmem:$0x2BE0]  }
0x100: {  	v3 =	vld [tilespmem:$0x2BF0];
	_ =	sdelay $0x1  }
0x101: {  	[tilespmem:$0x2C30] =	vst v0  }
0x102: {  	[tilespmem:$0x2C40] =	vst v1  }
0x103: {  	[tilespmem:$0x2C50] =	vst v2  }
0x104: {  	s23 =	simm.s32 $0x2CF0;
	[tilespmem:$0x2C60] =	vst v3  }
0x105: {  	s19 =	simm.s32 $0x4FB0;
	v0 =	vld [tilespmem:s23+$0x40]  }
0x106: {  	v1 =	vld [tilespmem:s19+$0x0]  }
0x107: {  	v5 =	vld [tilespmem:s19+$0xFFFFFFF0]  }
0x108: {  	v6 =	vld [tilespmem:s23+$0xFFFFFFF0];
	_ =	sdelay $0x1  }
0x109: {  	v4 =	vld [tilespmem:s23+$0xFFFFFFB0]  }
0x10a: {  	v2 =	vld [tilespmem:s23+$0xFFFFFFC0];
	v3 =	vadd.f32 v1, v0  }
0x10b: {  	v9 =	vld [tilespmem:s23+$0x0]  }
0x10c: {  	s16 =	simm.s32 $0x4FD0;
	v10 =	vld [tilespmem:s23+$0x10];
	v12 =	vadd.f32 v5, v6;
	v7 =	vmul.f32 $2.000000030e-01, v3  }
0x10d: {  	v11 =	vld [tilespmem:s16+$0x0]  }
0x10e: {  	s19 =	simm.s32 $0x2D90;
	v18 =	vld [tilespmem:s23+$0x30];
	v14 =	vmul.f32 $2.000000030e-01, v12;
	v3 =	vmax.f32 v3, v7  }
0x10f: {  	v8 =	vld [tilespmem:s19+$0x40];
	v7 =	vmul.f32 $1.442695020e+00, v3  }
0x110: {  	v13 =	vld [tilespmem:s19+$0xFFFFFFF0];
	v12 =	vmax.f32 v12, v14  }
0x111: {  	v1 =	vld [tilespmem:s23+$0xFFFFFFD0];
	v14 =	vmul.f32 $1.442695020e+00, v12;
	(erf) = vpow2.f32 v7  }
0x112: {  	v0 =	vld [tilespmem:s23+$0xFFFFFFE0]  }
0x113: {  	v7 =	vld [tilespmem:s16+$0xFFFFFFF0];
	(erf) = vpow2.f32 v14  }
0x114: {  	v5 =	vld [tilespmem:s19+$0xFFFFFFB0]  }
0x115: {  	v6 =	vld [tilespmem:s19+$0xFFFFFFC0]  }
0x116: {  	v11 =	vadd.f32 v11, v8;
	v8 =	vld [tilespmem:s19+$0xFFFFFFD0]  }
0x117: {  	v3 =	vld [tilespmem:s23+$0x20]  }
0x118: {  	v12 =	vld [tilespmem:s19+$0x0];
	v15 =	vadd.f32 v7, v13;
	v13 =	vmul.f32 $2.000000030e-01, v11  }
0x119: {  	v7 =	vld [tilespmem:s19+$0xFFFFFFE0]  }
0x11a: {  	v16 =	vmul.f32 $2.000000030e-01, v15;
	v11 =	vmax.f32 v11, v13;
	v13 =	vld [tilespmem:s19+$0x10];
	v14 =	vpop (erf)  }
0x11b: {  	s17 =	simm.s32 $0x2;
	s9 =	simm.s32 $0x2E30;
	v17 =	vmul.f32 $1.442695020e+00, v11;
	v11 =	vld [tilespmem:s19+$0x20];
	[tilespmem:s23+$0x40] =	vst v14;
	v18 =	vmul.f32 v18, v14  }
.LBB2_7:
0x11c: {  	v19 =	vld [tilespmem:s9+$0x40];
	v15 =	vmax.f32 v15, v16;
	s16 =	sadd.s32 $0x20, s16;
	v23 =	vmul.f32 v14, v9;
	v24 =	vmul.f32 v14, v10;
	v16 =	vpop (erf)  }
0x11d: {  	s17 =	sadd.s32 $0x2, s17;
	v20 =	vld [tilespmem:s16+$0x0];
	v15 =	vmul.f32 $1.442695020e+00, v15;
	(erf) = vpow2.f32 v17;
	[tilespmem:s23+$0x30] =	vst v18  }
0x11e: {  	p1 =	slt.u32 s17, $0x3E;
	v18 =	vmul.f32 v16, v4;
	v21 =	vmul.f32 v16, v2;
	v4 =	vmovc v5;
	v2 =	vmov v6;
	v17 =	vld [tilespmem:s16+$0xFFFFFFF0];
	[tilespmem:s23+$0x0] =	vst v23  }
0x11f: {  	v9 =	vmovc v12;
	v22 =	vld [tilespmem:s9+$0xFFFFFFF0];
	(erf) = vpow2.f32 v15;
	v15 =	vmul.f32 v1, v16;
	[tilespmem:s23+$0x10] =	vst v24;
	v1 =	vmovc v8;
	v10 =	vmov v13  }
0x120: {  	v12 =	vmul.f32 v0, v16;
	v0 =	vmovc v7;
	v13 =	vmul.f32 v3, v14;
	v5 =	vld [tilespmem:s9+$0xFFFFFFB0];
	[tilespmem:s23+$0xFFFFFFB0] =	vst v18;
	v3 =	vmov v11  }
0x121: {  	v6 =	vld [tilespmem:s9+$0xFFFFFFC0];
	[tilespmem:s23+$0xFFFFFFC0] =	vst v21  }
0x122: {  	v11 =	vadd.f32 v20, v19;
	v18 =	vld [tilespmem:s19+$0x30];
	[tilespmem:s23+$0xFFFFFFD0] =	vst v15  }
.Ltmp4:
0x123: {  	v8 =	vld [tilespmem:s9+$0xFFFFFFD0];
	[tilespmem:s23+$0xFFFFFFE0] =	vst v12;
	(pc) =	sbr.rel @p1 .LBB2_7-.Ltmp4, $4  }
0x124: {  	v15 =	vadd.f32 v17, v22;
	v7 =	vld [tilespmem:s9+$0xFFFFFFE0];
	v17 =	vmul.f32 $2.000000030e-01, v11;
	[tilespmem:s23+$0x20] =	vst v13  }
0x125: {  	v12 =	vld [tilespmem:s9+$0x0];
	[tilespmem:s23+$0xFFFFFFF0] =	vst v16;
	s23 =	smov.u32 s19;
	s19 =	smov.u32 s9  }
0x126: {  	v16 =	vmul.f32 $2.000000030e-01, v15;
	v11 =	vmax.f32 v11, v17;
	v13 =	vld [tilespmem:s9+$0x10];
	v14 =	vpop (erf)  }
0x127: {  	s9 =	sadd.s32 $0xA0, s9;
	v17 =	vmul.f32 $1.442695020e+00, v11;
	v11 =	vld [tilespmem:s19+$0x20];
	[tilespmem:s23+$0x40] =	vst v14;
	v18 =	vmul.f32 v18, v14  }
0x128: {  	_ = 	snop  }
0x129: {  	(erf) = vpow2.f32 v17;
	_ =	sdelay $0x1  }
0x12a: {  	v15 =	vmax.f32 v15, v16;
	v9 =	vmul.f32 v14, v9;
	v16 =	vpop (erf);
	[tilespmem:s23+$0x30] =	vst v18  }
0x12b: {  	v15 =	vmul.f32 $1.442695020e+00, v15;
	v4 =	vmul.f32 v16, v4;
	[tilespmem:s23+$0xFFFFFFF0] =	vst v16  }
0x12c: {  	v10 =	vmul.f32 v14, v10;
	v2 =	vmul.f32 v16, v2;
	[tilespmem:s23+$0x0] =	vst v9  }
0x12d: {  	v0 =	vmul.f32 v0, v16;
	(erf) = vpow2.f32 v15;
	[tilespmem:s23+$0xFFFFFFB0] =	vst v4;
	v4 =	vld [tilespmem:s19+$0x30]  }
0x12e: {  	v1 =	vmul.f32 v1, v16;
	[tilespmem:s23+$0x10] =	vst v10  }
0x12f: {  	[tilespmem:s23+$0xFFFFFFC0] =	vst v2  }
0x130: {  	v2 =	vmul.f32 v3, v14;
	[tilespmem:s23+$0xFFFFFFD0] =	vst v1  }
0x131: {  	[tilespmem:s23+$0xFFFFFFE0] =	vst v0;
	v0 =	vpop (erf)  }
0x132: {  	[tilespmem:s23+$0x20] =	vst v2;
	v1 =	vmul.f32 v4, v0  }
0x133: {  	[tilespmem:s19+$0x40] =	vst v0;
	v2 =	vmul.f32 v0, v12  }
0x134: {  	v3 =	vmul.f32 v0, v13;
	[tilespmem:s19+$0x30] =	vst v1  }
0x135: {  	v0 =	vmul.f32 v11, v0;
	[tilespmem:s19+$0x0] =	vst v2  }
0x136: {  	v4 =	vpop (erf);
	[tilespmem:s19+$0x10] =	vst v3  }
0x137: {  	v1 =	vmul.f32 v4, v5;
	[tilespmem:s19+$0x20] =	vst v0  }
0x138: {  	v2 =	vmul.f32 v4, v6;
	[tilespmem:s19+$0xFFFFFFF0] =	vst v4  }
0x139: {  	v3 =	vmul.f32 v8, v4;
	[tilespmem:s19+$0xFFFFFFB0] =	vst v1  }
0x13a: {  	v1 =	vmul.f32 v7, v4;
	[tilespmem:s19+$0xFFFFFFC0] =	vst v2  }
0x13b: {  	[tilespmem:s19+$0xFFFFFFD0] =	vst v3  }
0x13c: {  	[tilespmem:s19+$0xFFFFFFE0] =	vst v1  }
0x13d: {  	[spmem:s3] =	stream.indirect.scatter.add.f32 [tilespmem:s28], [sflag:$0x6], $0x50, s11, s31, $0xb8;
	[tilespmem:$0x11EA0] =	vst v63  }
0x13e: {  	v0 =	vld [tilespmem:$0x2C00]  }
0x13f: {  	v1 =	vld [tilespmem:$0x2C10]  }
0x140: {  	v2 =	vld [tilespmem:$0x2C20];
	_ =	sdelay $0x2  }
0x141: {  	[tilespmem:$0x2C70] =	vst v0  }
0x142: {  	[tilespmem:$0x2C80] =	vst v1  }
0x143: {  	s23 =	simm.s32 $0x4130;
	[tilespmem:$0x2C90] =	vst v2  }
0x144: {  	s9 =	simm.s32 $0x53B0;
	v0 =	vld [tilespmem:s23+$0x0]  }
0x145: {  	v1 =	vld [tilespmem:s9+$0x0]  }
0x146: {  	v5 =	vld [tilespmem:s9+$0xFFFFFFF0]  }
0x147: {  	v6 =	vld [tilespmem:s23+$0xFFFFFFB0];
	_ =	sdelay $0x1  }
0x148: {  	v4 =	vld [tilespmem:s23+$0xFFFFFF70]  }
0x149: {  	v2 =	vld [tilespmem:s23+$0xFFFFFF80];
	v3 =	vadd.f32 v1, v0  }
0x14a: {  	v9 =	vld [tilespmem:s23+$0xFFFFFFC0]  }
0x14b: {  	s19 =	simm.s32 $0x41D0;
	v10 =	vld [tilespmem:s23+$0xFFFFFFD0];
	v12 =	vadd.f32 v5, v6;
	v7 =	vmul.f32 $2.000000030e-01, v3  }
0x14c: {  	s16 =	simm.s32 $0x53D0;
	v8 =	vld [tilespmem:s19+$0x0]  }
0x14d: {  	v11 =	vld [tilespmem:s16+$0x0];
	v14 =	vmul.f32 $2.000000030e-01, v12;
	v3 =	vmax.f32 v3, v7  }
0x14e: {  	v13 =	vld [tilespmem:s19+$0xFFFFFFB0];
	v7 =	vmul.f32 $1.442695020e+00, v3  }
0x14f: {  	v18 =	vld [tilespmem:s23+$0xFFFFFFF0];
	v12 =	vmax.f32 v12, v14  }
0x150: {  	v1 =	vld [tilespmem:s23+$0xFFFFFF90];
	v14 =	vmul.f32 $1.442695020e+00, v12;
	(erf) = vpow2.f32 v7  }
0x151: {  	v0 =	vld [tilespmem:s23+$0xFFFFFFA0]  }
0x152: {  	v7 =	vld [tilespmem:s16+$0xFFFFFFF0];
	(erf) = vpow2.f32 v14  }
0x153: {  	v5 =	vld [tilespmem:s19+$0xFFFFFF70]  }
0x154: {  	v6 =	vld [tilespmem:s19+$0xFFFFFF80]  }
0x155: {  	v11 =	vadd.f32 v11, v8;
	v8 =	vld [tilespmem:s19+$0xFFFFFF90]  }
0x156: {  	v3 =	vld [tilespmem:s23+$0xFFFFFFE0]  }
0x157: {  	v12 =	vld [tilespmem:s19+$0xFFFFFFC0];
	v15 =	vadd.f32 v7, v13;
	v13 =	vmul.f32 $2.000000030e-01, v11  }
0x158: {  	v7 =	vld [tilespmem:s19+$0xFFFFFFA0]  }
0x159: {  	v16 =	vmul.f32 $2.000000030e-01, v15;
	v11 =	vmax.f32 v11, v13;
	v13 =	vld [tilespmem:s19+$0xFFFFFFD0];
	v14 =	vpop (erf)  }
0x15a: {  	s17 =	simm.s32 $0x42;
	s9 =	simm.s32 $0x4270;
	v17 =	vmul.f32 $1.442695020e+00, v11;
	v11 =	vld [tilespmem:s19+$0xFFFFFFE0];
	[tilespmem:s23+$0x0] =	vst v14;
	v18 =	vmul.f32 v18, v14  }
.LBB2_9:
0x15b: {  	v19 =	vld [tilespmem:s9+$0x0];
	v15 =	vmax.f32 v15, v16;
	s16 =	sadd.s32 $0x20, s16;
	v23 =	vmul.f32 v14, v9;
	v24 =	vmul.f32 v14, v10;
	v16 =	vpop (erf)  }
0x15c: {  	s17 =	sadd.s32 $0x2, s17;
	v20 =	vld [tilespmem:s16+$0x0];
	v15 =	vmul.f32 $1.442695020e+00, v15;
	(erf) = vpow2.f32 v17;
	[tilespmem:s23+$0xFFFFFFF0] =	vst v18  }
0x15d: {  	p1 =	slt.u32 s17, $0x6E;
	v18 =	vmul.f32 v16, v4;
	v21 =	vmul.f32 v16, v2;
	v4 =	vmovc v5;
	v2 =	vmov v6;
	v17 =	vld [tilespmem:s16+$0xFFFFFFF0];
	[tilespmem:s23+$0xFFFFFFC0] =	vst v23  }
0x15e: {  	v9 =	vmovc v12;
	v22 =	vld [tilespmem:s9+$0xFFFFFFB0];
	(erf) = vpow2.f32 v15;
	v15 =	vmul.f32 v1, v16;
	[tilespmem:s23+$0xFFFFFFD0] =	vst v24;
	v1 =	vmovc v8;
	v10 =	vmov v13  }
0x15f: {  	v12 =	vmul.f32 v0, v16;
	v0 =	vmovc v7;
	v13 =	vmul.f32 v3, v14;
	v5 =	vld [tilespmem:s9+$0xFFFFFF70];
	[tilespmem:s23+$0xFFFFFF70] =	vst v18;
	v3 =	vmov v11  }
0x160: {  	v6 =	vld [tilespmem:s9+$0xFFFFFF80];
	[tilespmem:s23+$0xFFFFFF80] =	vst v21  }
0x161: {  	v11 =	vadd.f32 v20, v19;
	v18 =	vld [tilespmem:s19+$0xFFFFFFF0];
	[tilespmem:s23+$0xFFFFFF90] =	vst v15  }
.Ltmp5:
0x162: {  	v8 =	vld [tilespmem:s9+$0xFFFFFF90];
	[tilespmem:s23+$0xFFFFFFA0] =	vst v12;
	(pc) =	sbr.rel @p1 .LBB2_9-.Ltmp5, $4  }
0x163: {  	v15 =	vadd.f32 v17, v22;
	v7 =	vld [tilespmem:s9+$0xFFFFFFA0];
	v17 =	vmul.f32 $2.000000030e-01, v11;
	[tilespmem:s23+$0xFFFFFFE0] =	vst v13  }
0x164: {  	v12 =	vld [tilespmem:s9+$0xFFFFFFC0];
	[tilespmem:s23+$0xFFFFFFB0] =	vst v16;
	s23 =	smov.u32 s19;
	s19 =	smov.u32 s9  }
0x165: {  	v16 =	vmul.f32 $2.000000030e-01, v15;
	v11 =	vmax.f32 v11, v17;
	v13 =	vld [tilespmem:s9+$0xFFFFFFD0];
	v14 =	vpop (erf)  }
0x166: {  	s9 =	sadd.s32 $0xA0, s9;
	v17 =	vmul.f32 $1.442695020e+00, v11;
	v11 =	vld [tilespmem:s19+$0xFFFFFFE0];
	[tilespmem:s23+$0x0] =	vst v14;
	v18 =	vmul.f32 v18, v14  }
0x167: {  	_ = 	snop  }
0x168: {  	(erf) = vpow2.f32 v17;
	_ =	sdelay $0x1  }
0x169: {  	v15 =	vmax.f32 v15, v16;
	v9 =	vmul.f32 v14, v9;
	v52 =	vpop (erf);
	[tilespmem:s23+$0xFFFFFFF0] =	vst v18  }
0x16a: {  	v10 =	vmul.f32 v14, v10;
	v15 =	vmul.f32 $1.442695020e+00, v15;
	[tilespmem:s23+$0xFFFFFFB0] =	vst v52  }
0x16b: {  	v54 =	vmul.f32 v3, v14;
	[tilespmem:s23+$0xFFFFFFC0] =	vst v9  }
0x16c: {  	v53 =	vld [tilespmem:s19+$0xFFFFFFF0];
	v4 =	vmul.f32 v52, v4;
	[tilespmem:s23+$0xFFFFFFD0] =	vst v10;
	(erf) = vpow2.f32 v15  }
0x16d: {  	v2 =	vmul.f32 v52, v2;
	[tilespmem:s23+$0xFFFFFFE0] =	vst v54  }
0x16e: {  	v1 =	vmul.f32 v1, v52;
	[tilespmem:s23+$0xFFFFFF70] =	vst v4  }
0x16f: {  	v0 =	vmul.f32 v0, v52;
	[tilespmem:s23+$0xFFFFFF80] =	vst v2  }
0x170: {  	[tilespmem:s23+$0xFFFFFF90] =	vst v1;
	v55 =	vpop (erf)  }
0x171: {  	[tilespmem:s23+$0xFFFFFFA0] =	vst v0;
	v56 =	vmul.f32 v53, v55  }
0x172: {  	[tilespmem:s19+$0x0] =	vst v55;
	v57 =	vmul.f32 v55, v12  }
0x173: {  	v58 =	vmul.f32 v55, v13;
	[tilespmem:s19+$0xFFFFFFF0] =	vst v56  }
0x174: {  	v0 =	vmul.f32 v11, v55;
	[tilespmem:s19+$0xFFFFFFC0] =	vst v57  }
0x175: {  	v59 =	vpop (erf);
	[tilespmem:s19+$0xFFFFFFD0] =	vst v58  }
0x176: {  	v60 =	vmul.f32 v59, v5;
	[tilespmem:s19+$0xFFFFFFE0] =	vst v0  }
0x177: {  	v61 =	vmul.f32 v59, v6;
	[tilespmem:s19+$0xFFFFFFB0] =	vst v59  }
.Ltmp6:
0x178: {  	v62 =	vmul.f32 v8, v59;
	[tilespmem:s19+$0xFFFFFF70] =	vst v60;
	(pc) =	sbr.rel @p0 .LBB2_12-.Ltmp6, $4  }
0x179: {  	v63 =	vmul.f32 v7, v59;
	[tilespmem:s19+$0xFFFFFF80] =	vst v61  }
0x17a: {  	[tilespmem:s19+$0xFFFFFF90] =	vst v62  }
0x17b: {  	[tilespmem:s19+$0xFFFFFFA0] =	vst v63  }
0x17c: {  	[spmem:s3] =	stream.indirect.scatter.add.f32 [tilespmem:s13], [sflag:$0x6], $0x50, s12, s1, $0xb8;
	[tilespmem:$0x11EA0] =	vst v63  }
0x17d: {  	s9 =	smul.u32 $0xE0, s18;
	_ =	sdelay $0x1  }
0x17e: {  	s9 =	sadd.s32 s9, s15  }
.Ltmp7:
0x17f: {  	s9 =	sshrl.u32 s9, $0x3;
	(pc) =	sbr.rel .LBB2_2-.Ltmp7, $4  }
0x180: {  	s16 =	sadd.s32 s7, s9  }
0x181: {  	[tilespmem:s21], [sflag:$0x4] =	stream.linear.gather [hbm4b:s16+s4], $0x70, $0x38;
	[tilespmem:$0x11EA0] =	vst v63  }
0x182: {  	s18 =	sadd.s32 $0x1, s18;
	s9 =	sadd.s32 s2, s9  }
0x183: {  	[tilespmem:s22], [sflag:$0x4] =	stream.linear.gather [hbm4b:s9+s4], $0x70, $0x38;
	[tilespmem:$0x11EA0] =	vst v63  }
.LBB2_13:
0x184: {  	_ =	sfence.sel $0x180000  }
0x185: {  	[bflag:$0x0] =	sbarrier.arrive $0xFFFF  }
0x186: {  	_ =	strace $0x9000004A  }
0x187: {  	s0 =	stileid.u32;
	[bflag:$0x2] =	sbarrier.arrive $0xFFFF  }
0x188: {  	p0 =	sne.s32 s0, $0x0;
	s0 =	rddreg [dreg:$0x3]  }
0x189: {  	s0 =	sadd.s32 @!p0 $0x100000, s0  }
0x18a: {  	[sflag:s0] =	ssyncadd.tile.s32 @!p0 $0x1;
	_ =	shalt  }
.Lfunc_end2:
_tile_overlayer_lowered:
.L_overlay_start_2:
0x18b: {  	(tag) =	ssettag $0x2  }
0x18c: {  	s0 =	rddreg [dreg:$0x0];
	s2 =	stileid.u32  }
0x18d: {  	s1 =	rddreg [dreg:$0x1];
	p0 =	sne.s32 s2, $0x0  }
0x18e: {  	s3 =	rddreg [dreg:$0x2];
	[bflag:$0x3] =	sbarrier.arrive $0xFFFF;
	s2 =	simm.s32 @!p0 $0x1C07  }
0x18f: {  	[timem:s3], [sflag:s2] =	dma.local @!p0 [hbm:s0], s1  }
0x190: {  	s0 =	simm.s32 @!p0 $0x7  }
0x191: {  	_ =	swait.ge @!p0 [sflag:s0], s1  }
0x192: {  	s1 =	ssub.s32 @!p0 $0x0, s1;
	[sflag:s0] =	ssyncset.done @!p0 $0x0  }
0x193: {  	[sflag:s0] =	ssyncadd.s32 @!p0 s1  }
0x194: {  	[bflag:$0x3] =	sbarrier.arrive $0xFFFF  }
0x195: {  	_ =	shalt  }

// kernel: kernel.7.cloned.1.call-start
scs
__scs_entry_jumppad:
0x0: {  	(pc) =	sbr.rel $0x88, $3  }
0x1: {  	(tag) =	ssettag $0x0;
	lr =	simm.s32 $0x1  }
0x2: {  	[smem:$0x3F97] =	sst lr;
	_ =	strace $0xD0000000  }
0x3: {  	_ = 	snop  }
0x4: {  	_ = 	snop  }
0x5: {  	_ = 	snop  }
0x6: {  	_ = 	snop  }
0x7: {  	_ = 	snop  }
__scs_overlays_trampoline_lowered:
0x8: {  	[smem:$0x3FA6] =	sst s0  }
0x9: {  	[smem:$0x3FA7] =	sst s1  }
0xa: {  	[smem:$0x3FA8] =	sst s2  }
0xb: {  	[smem:$0x3FA9] =	sst s3  }
0xc: {  	[smem:$0x3FAA] =	sst s4  }
0xd: {  	[smem:$0x3FAB] =	sst s5  }
0xe: {  	[smem:$0x3FAC] =	sst s6  }
0xf: {  	[smem:$0x3FAD] =	sst s7  }
0x10: {  	[smem:$0x3FAE] =	sst s8  }
0x11: {  	[smem:$0x3FAF] =	sst s9;
	s0 =	simm.s32 @!p0 $0x0  }
0x12: {  	s1 =	sld [smem:$0x3F95];
	s0 =	simm.s32 @p0 $0x1  }
0x13: {  	[smem:$0x3FB0] =	sst s0;
	s0 =	simm.s32 @!p1 $0x0  }
0x14: {  	s2 =	sld [smem:$0x3F94];
	s0 =	simm.s32 @p1 $0x1  }
0x15: {  	[smem:$0x3FB1] =	sst s0;
	s0 =	simm.s32 @!p2 $0x0  }
0x16: {  	s3 =	sld [smem:$0x3FDB];
	s0 =	simm.s32 @p2 $0x1  }
0x17: {  	s4 =	simm.s32 $0x1BF5;
	[smem:$0x3FB3] =	sst s0  }
0x18: {  	s0 =	sld [smem:$0x3F96];
	_ =	swait.ge [sflag:s4], $0x0  }
0x19: {  	s7 =	sld [smem:$0x3F97]  }
0x1a: {  	s8 =	sadd.s32 $0xFFFFE003, lr  }
0x1b: {  	s9 =	sadd.s32 $0xFFFFFEF7, lr;
	s5 =	simm.s32 $0xFFFFFFFF;
	p2 =	slt.u32 s8, $0xFFFFF086  }
0x1c: {  	p1 =	slt.u32 s9, $0xF7A;
	s5 =	simm.s32 @!p2 $0x0  }
0x1d: {  	s5 =	simm.s32 @p1 $0x1;
	p0 =	seq.s32 s7, s2  }
0x1e: {  	s7 =	smul.u32 @!p0 $0xF7A, s2;
	p2 =	seq.s32 @!p0 s5, $0x0  }
0x1f: {  	s9 =	smul.u32 $0xF7A, s1;
	s8 =	simm.s32 @!p0 $0x1BF5;
	p2 =	por !p2, p0  }
0x20: {  	[sflag:s8] =	ssyncset.s32 @!p0 $0xFFFFF086;
	s6 =	sadd.s32 @!p0 s3, s7;
	s7 =	simm.s32 @!p0 $0x108  }
0x21: {  	s3 =	sadd.s32 s3, s9;
	s6 =	sadd.s32 @!p0 $0x88, s6;
	s7 =	simm.s32 @p2 $0x1082  }
0x22: {  	[simem:s7], [sflag:s8] =	dma.local @!p0 [hbm:s6], $0xF7A  }
0x23: {  	s9 =	sor.u32 $0xD0000000, s2;
	s6 =	simm.s32 $0x108;
	_ =	swait.ge @!p0 [sflag:s8], $0x0  }
0x24: {  	s3 =	sadd.s32 $0x88, s3;
	s6 =	simm.s32 @!p1 $0x1082;
	[sflag:s4] =	ssyncset.s32 $0xFFFFF086  }
0x25: {  	[simem:s6], [sflag:s4] =	dma.local [hbm:s3], $0xF7A  }
0x26: {  	[smem:$0x3F97] =	sst s1;
	(tag) =	ssettag s2;
	_ =	strace s9  }
0x27: {  	s1 =	sld [smem:$0x3FA7]  }
0x28: {  	s2 =	sld [smem:$0x3FA8]  }
0x29: {  	s4 =	sld [smem:$0x3FAA]  }
0x2a: {  	p0 =	seq.s32 s5, $0x0;
	s5 =	sld [smem:$0x3FAB]  }
0x2b: {  	s6 =	sld [smem:$0x3FAC]  }
0x2c: {  	s7 =	sld [smem:$0x3FAD]  }
0x2d: {  	s3 =	simm.s32 $0x108;
	s8 =	sld [smem:$0x3FAE]  }
0x2e: {  	s3 =	simm.s32 @!p0 $0x1082;
	s9 =	sld [smem:$0x3FAF]  }
0x2f: {  	lr =	sadd.s32 s0, s3;
	s0 =	sld [smem:$0x3FA6]  }
0x30: {  	s3 =	sld [smem:$0x3FA9]  }
0x31: {  	[smem:$0x3FB2] =	sst s10  }
0x32: {  	s10 =	sld [smem:$0x3FB0];
	_ =	sdelay $0x3  }
0x33: {  	p0 =	seq.s32 s10, $0x1;
	s10 =	sld [smem:$0x3FB2];
	_ =	sdelay $0x3  }
0x34: {  	[smem:$0x3FB2] =	sst s10  }
0x35: {  	s10 =	sld [smem:$0x3FB1];
	_ =	sdelay $0x3  }
0x36: {  	p1 =	seq.s32 s10, $0x1;
	s10 =	sld [smem:$0x3FB2];
	_ =	sdelay $0x3  }
0x37: {  	[smem:$0x3FB2] =	sst s10  }
0x38: {  	s10 =	sld [smem:$0x3FB3]  }
0x39: {  	_ = 	snop;
	(pc) =	sbr.ind lr, $3  }
0x3a: {  	_ = 	snop  }
0x3b: {  	_ = 	snop  }
0x3c: {  	p2 =	seq.s32 s10, $0x1;
	s10 =	sld [smem:$0x3FB2]  }
0x3d: {  	_ =	shalt  }
0x3e: {  	_ =	shalt  }
0x3f: {  	_ =	shalt  }
0x40: {  	_ =	shalt  }
0x41: {  	_ =	shalt  }
0x42: {  	_ =	shalt  }
0x43: {  	_ =	shalt  }
0x44: {  	_ =	shalt  }
0x45: {  	_ =	shalt  }
0x46: {  	_ =	shalt  }
0x47: {  	_ =	shalt  }
0x48: {  	_ =	shalt  }
0x49: {  	_ =	shalt  }
0x4a: {  	_ =	shalt  }
0x4b: {  	_ =	shalt  }
0x4c: {  	_ =	shalt  }
0x4d: {  	_ =	shalt  }
0x4e: {  	_ =	shalt  }
0x4f: {  	_ =	shalt  }
0x50: {  	_ =	shalt  }
0x51: {  	_ =	shalt  }
0x52: {  	_ =	shalt  }
0x53: {  	_ =	shalt  }
0x54: {  	_ =	shalt  }
0x55: {  	_ =	shalt  }
0x56: {  	_ =	shalt  }
0x57: {  	_ =	shalt  }
0x58: {  	_ =	shalt  }
0x59: {  	_ =	shalt  }
0x5a: {  	_ =	shalt  }
0x5b: {  	_ =	shalt  }
0x5c: {  	_ =	shalt  }
0x5d: {  	_ =	shalt  }
0x5e: {  	_ =	shalt  }
0x5f: {  	_ =	shalt  }
0x60: {  	_ =	shalt  }
0x61: {  	_ =	shalt  }
0x62: {  	_ =	shalt  }
0x63: {  	_ =	shalt  }
0x64: {  	_ =	shalt  }
0x65: {  	_ =	shalt  }
0x66: {  	_ =	shalt  }
0x67: {  	_ =	shalt  }
0x68: {  	_ =	shalt  }
0x69: {  	_ =	shalt  }
0x6a: {  	_ =	shalt  }
0x6b: {  	_ =	shalt  }
0x6c: {  	_ =	shalt  }
0x6d: {  	_ =	shalt  }
0x6e: {  	_ =	shalt  }
0x6f: {  	_ =	shalt  }
0x70: {  	_ =	shalt  }
0x71: {  	_ =	shalt  }
0x72: {  	_ =	shalt  }
0x73: {  	_ =	shalt  }
0x74: {  	_ =	shalt  }
0x75: {  	_ =	shalt  }
0x76: {  	_ =	shalt  }
0x77: {  	_ =	shalt  }
0x78: {  	_ =	shalt  }
0x79: {  	_ =	shalt  }
0x7a: {  	_ =	shalt  }
0x7b: {  	_ =	shalt  }
0x7c: {  	_ =	shalt  }
0x7d: {  	_ =	shalt  }
0x7e: {  	_ =	shalt  }
0x7f: {  	_ =	shalt  }
0x80: {  	_ =	shalt  }
0x81: {  	_ =	shalt  }
0x82: {  	_ =	shalt  }
0x83: {  	_ =	shalt  }
0x84: {  	_ =	shalt  }
0x85: {  	_ =	shalt  }
0x86: {  	_ =	shalt  }
0x87: {  	_ =	shalt  }
.Lfunc_end0:
.L_simem_size_0:
called_computation_lowered:
.L_overlay_start_0:
0x88: {  	s2 =	sld [smem:$0x3FD9]  }
0x89: {  	s3 =	sld [smem:$0x3FFE];
	_ =	sdelay $0x1  }
0x8a: {  	s1 =	srdreg.scid  }
0x8b: {  	s0 =	sand.u32 $0x1, s1  }
0x8c: {  	s17 =	sshll.u32 s0, $0xA;
	s2 =	sadd.s32 s3, s2  }
0x8d: {  	s2 =	sadd.s32 s2, s17  }
0x8e: {  	[smem:$0x3FBE] =	sst s2  }
0x8f: {  	_ = 	snop  }
0x90: {  	s2 =	sld [smem:$0x3FD0];
	(tm) =	ssettm $0x1  }
0x91: {  	s18 =	sld [smem:$0x3FFB];
	_ =	sdelay $0x3  }
0x92: {  	_ =	strace s18  }
0x93: {  	s3 =	sld [smem:$0x3FFC];
	_ =	sdelay $0x3  }
0x94: {  	_ =	strace s3  }
0x95: {  	s3 =	sld [smem:$0x3FFD];
	_ =	sdelay $0x3  }
0x96: {  	_ =	strace s3  }
0x97: {  	_ =	strace $0x8FFFFFFF  }
0x98: {  	s19 =	sld [smem:$0x3FDB];
	_ =	sdelay $0x1  }
0x99: {  	s4 =	simm.s32 $_scs_section_size  }
0x9a: {  	s5 =	simm.s32 $_size__tile_overlayer_lowered;
	s6 =	simm.s32 $_tile_overlayer_lowered  }
0x9b: {  	s22 =	simm.s32 $0x1BFF;
	s21 =	sshll.u32 s6, $0x1;
	s3 =	sadd.s32 s4, s19  }
0x9c: {  	s7 =	simm.s32 $0x0;
	s20 =	sshll.u32 s5, $0x1;
	s5 =	sadd.s32 s21, s3  }
0x9d: {  	[timem:s7], [sflag:s22] =	dma.local [hbm:s5], s20  }
0x9e: {  	_ =	swait.ge [sflag:s22], s20  }
0x9f: {  	s4 =	ssub.s32 $0x0, s20;
	[sflag:s22] =	ssyncset.done $0x0  }
0xa0: {  	[sflag:s22] =	ssyncadd.s32 s4;
	_ =	sdelay $0x1  }
0xa1: {  	s23 =	simm.s32 $0x1B8B  }
0xa2: {  	_ =	swait.ge [sflag:s23], $0x1  }
0xa3: {  	[sflag:s23] =	ssyncset.done $0x0  }
0xa4: {  	s25 =	simm.s32 $0x1B8E;
	s24 =	sld [smem:$0x3FFE];
	[sflag:s23] =	ssyncadd.s32 $0xFFFFFFFF  }
0xa5: {  	s26 =	simm.s32 $execute0_lowered;
	[smem:$0x3FD2] =	sst s25  }
0xa6: {  	s5 =	sshll.u32 s26, $0x1;
	_ =	strace $0x80000046;
	[dreg:$0x1] =	wrdreg $0xFFFFFFFF  }
0xa7: {  	s28 =	simm.s32 $_size_execute0_lowered;
	s3 =	sadd.s32 s3, s5;
	[dreg:$0x0] =	wrdreg $0x0  }
0xa8: {  	s5 =	sshll.u32 s28, $0x1;
	[dreg:$0x2] =	wrdreg s3  }
0xa9: {  	[dreg:$0x3] =	wrdreg s5  }
0xaa: {  	[dreg:$0x4] =	wrdreg $0xC0  }
0xab: {  	_ =	task [dreg:s7], $0x5FFFF  }
0xac: {  	[dreg:$0x1] =	wrdreg $0xFFFFFFFF  }
0xad: {  	[dreg:$0x0] =	wrdreg $0x60  }
0xae: {  	[dreg:$0x2] =	wrdreg s24  }
0xaf: {  	[dreg:$0x3] =	wrdreg s2  }
0xb0: {  	[dreg:$0x4] =	wrdreg $0x8EA00  }
0xb1: {  	[dreg:$0x5] =	wrdreg $0x9  }
0xb2: {  	_ =	task.clear_ibuf [dreg:s7], $0x6FFFF;
	_ =	strace $0x90000046  }
0xb3: {  	s29 =	simm.s32 $0x9;
	_ =	strace $0x80000048  }
0xb4: {  	_ =	swait.ge [sflag:s29], $0x1  }
0xb5: {  	[sflag:s29] =	ssyncadd.s32 $0xFFFFFFFF  }
0xb6: {  	_ =	strace $0x90000048  }
0xb7: {  	_ =	sfence  }
0xb8: {  	s30 =	sld [smem:$0x0];
	_ =	sdelay $0x2  }
0xb9: {  	s31 =	sshll.u32 s1, $0xD;
	s1 =	sshrl.u32 s1, $0x2  }
0xba: {  	s3 =	sand.u32 $0x4000, s31;
	s1 =	sadd.s32 s1, s30  }
0xbb: {  	s0 =	sor.u32 s3, s0;
	s1 =	sshll.u32 s1, $0x11  }
0xbc: {  	s0 =	sor.u32 s1, s0  }
0xbd: {  	s0 =	sadd.s32 $0x8F2B, s0  }
0xbe: {  	[sflag:s0] =	ssyncadd.remote.s32 $0x1  }
0xbf: {  	_ =	sfence.sel $0xFFFF  }
0xc0: {  	[dreg:$0x0] =	wrdreg $0xFFFFFFFF;
	(pc) =	sbr.abs _section_cstart, $3  }
0xc1: {  	[dreg:$0x1] =	wrdreg $0xFFFFFFFF  }
0xc2: {  	_ =	task.clear_ibuf [dreg:s7], $0x2FFFF;
	_ =	strace $0x9FFFFFFF  }
0xc3: {  	(tm) =	ssettm $0x7FFFFFFF  }
tec
execute0_lowered:
.L_overlay_start_1:
0x0: {  	(tag) =	ssettag $0x1  }
0x1: {  	s0 =	rddreg [dreg:$0x0]  }
0x2: {  	s2 =	rddreg [dreg:$0x1]  }
0x3: {  	s3 =	rddreg [dreg:$0x2]  }
0x4: {  	s4 =	simm.s32 $0x0;
	s12 =	stileid.u32;
	s1 =	srdreg.scid  }
0x5: {  	s18 =	simm.s32 $0x7;
	s28 =	simm.s32 $0x48A0;
	s29 =	simm.s32 $0x87A0  }
0x6: {  	s30 =	simm.s32 $0x2;
	s31 =	simm.s32 $0x40;
	s13 =	simm.s32 $0x6CA0  }
0x7: {  	s19 =	simm.s32 $0x0;
	[smem:$0x7FF] =	sst s4;
	s8 =	smul.u32 $0x16800, s12  }
0x8: {  	s1 =	sand.u32 $0x1, s1;
	s5 =	sadd.s32 $0x52400, s0;
	s6 =	sadd.s32 $0x7F400, s0  }
0x9: {  	s7 =	sadd.s32 $0x2F400, s0;
	s21 =	sshll.u32 s12, $0x6;
	_ =	strace $0x80000047  }
0xa: {  	s9 =	smul.u32 $0x168000, s1;
	s11 =	sshll.u32 s1, $0x4;
	s1 =	ssub.s32 $0x2, s1  }
0xb: {  	s16 =	sor.u32 $0x1C07, s21;
	s21 =	simm.s32 $0x4750;
	s10 =	sshrl.u32 s8, $0x3  }
0xc: {  	s11 =	sor.u32 s12, s11;
	s20 =	sshrl.u32 s1, $0x1;
	s12 =	simm.s32 $0x4870  }
0xd: {  	[dreg:$0x5] =	wrdreg s16;
	s10 =	sadd.s32 s10, s0;
	s9 =	sadd.s32 s8, s9  }
0xe: {  	s11 =	smul.u32 $0x2760, s11;
	s1 =	ssub.s32 s1, s20;
	s8 =	sadd.s32 s8, s3  }
0xf: {  	s20 =	simm.s32 $0x70;
	s9 =	sshrl.u32 s9, $0x3;
	s10 =	sadd.s32 $0x2400, s10  }
0x10: {  	s26 =	smax.u32 s1, $0x1;
	s17 =	sshrl.u32 s8, $0x3;
	s1 =	simm.s32 $0x30  }
0x11: {  	s8 =	simm.s32 $0x2550;
	s0 =	sadd.s32 s9, s0;
	[dreg:$0x4] =	wrdreg s10  }
0x12: {  	s22 =	sshrl.u32 s11, $0x3;
	s14 =	sadd.s32 $0xE0, s11;
	s15 =	sadd.s32 $0x150, s11  }
0x13: {  	[dreg:$0xb] =	wrdreg s26;
	s26 =	simm.s32 $0x4;
	s10 =	simm.s32 $0x5  }
0x14: {  	s11 =	simm.s32 $0x4830;
	[dreg:$0xc] =	wrdreg s17;
	s23 =	sadd.s32 s7, s22  }
.Ltmp0:
0x15: {  	s24 =	sadd.s32 s2, s22;
	[dreg:$0x6] =	wrdreg s23;
	(pc) =	sbr.rel .LBB2_1-.Ltmp0, $4  }
0x16: {  	s9 =	sadd.s32 $0xE, s22;
	s0 =	sadd.s32 $0x84400, s0;
	[dreg:$0x7] =	wrdreg s24  }
0x17: {  	v0 =	vimm.s32 $0x0;
	v1 =	vimm.s32 $0x1;
	s22 =	simm.s32 $0x47C0;
	s25 =	sadd.s32 s7, s9;
	[dreg:$0xa] =	wrdreg s0  }
0x18: {  	v2 =	vimm.s32 $0x2;
	v3 =	vimm.s32 $0x3;
	v4 =	vimm.s32 $0x4;
	s9 =	sadd.s32 s2, s9;
	s24 =	simm.s32 $0x150;
	[dreg:$0x8] =	wrdreg s25  }
0x19: {  	v5 =	vimm.s32 $0x5;
	v6 =	vimm.s32 $0x6;
	v7 =	vimm.s32 $0x7;
	s0 =	simm.s32 $0xE0;
	[dreg:$0x9] =	wrdreg s9;
	s25 =	simm.s32 $0x120  }
.LBB2_12:
0x1a: {  	s9 =	simm.s32 $0x3  }
0x1b: {  	_ =	swait.ge [sflag:s9], $0x2400  }
0x1c: {  	[sflag:s9] =	ssyncset.done $0x0  }
0x1d: {  	[sflag:s9] =	ssyncadd.s32 $0xFFFFDC00  }
0x1e: {  	_ =	swait.ge [sflag:s9], $0x1B00  }
0x1f: {  	[sflag:s9] =	ssyncset.done $0x0  }
0x20: {  	s18 =	simm.s32 $0x6;
	[sflag:s9] =	ssyncadd.s32 $0xFFFFE500  }
0x21: {  	_ =	swait.ge [sflag:s18], $0x2400  }
0x22: {  	[sflag:s18] =	ssyncset.done $0x0  }
0x23: {  	[sflag:s18] =	ssyncadd.s32 $0xFFFFDC00  }
0x24: {  	_ =	swait.ge [sflag:s18], $0x1B00  }
0x25: {  	[sflag:s18] =	ssyncset.done $0x0  }
0x26: {  	[sflag:s18] =	ssyncadd.s32 $0xFFFFE500  }
0x27: {  	[bflag:$0x0] =	sbarrier.arrive $0xFFFF  }
0x28: {  	s16 =	rddreg [dreg:$0x5]  }
0x29: {  	s19 =	rddreg [dreg:$0xa]  }
0x2a: {  	s18 =	simm.s32 $0x7;
	s17 =	rddreg [dreg:$0xc]  }
0x2b: {  	[hbm:s19], [sflag:s16] =	dma.local [spmem:s17], $0x2D00  }
0x2c: {  	_ =	swait.ge [sflag:s18], $0x2D00  }
0x2d: {  	s19 =	rddreg [dreg:$0xd]  }
0x2e: {  	s23 =	rddreg [dreg:$0xb];
	s19 =	sadd.s32 $0x1, s19  }
0x2f: {  	p0 =	sne.s32 s19, s23  }
.Ltmp1:
0x30: {  	_ = 	snop;
	(pc) =	sbr.rel @!p0 .LBB2_13-.Ltmp1, $3  }
0x31: {  	_ =	sdelay $0x1  }
0x32: {  	[sflag:s18] =	ssyncset.done $0x0  }
0x33: {  	[sflag:s18] =	ssyncadd.s32 $0xFFFFD300  }
.LBB2_1:
0x34: {  	[dreg:$0xd] =	wrdreg s19  }
0x35: {  	s9 =	rddreg [dreg:$0x4]  }
0x36: {  	[spmem:s17], [sflag:s16] =	dma.local [hbm:s9], $0x2D00  }
0x37: {  	_ =	swait.ge [sflag:s18], $0x2D00  }
0x38: {  	[sflag:s18] =	ssyncset.done $0x0  }
0x39: {  	[sflag:s18] =	ssyncadd.s32 $0xFFFFD300  }
0x3a: {  	[bflag:$0x0] =	sbarrier.arrive $0xFFFF  }
0x3b: {  	s23 =	rddreg [dreg:$0x6]  }
0x3c: {  	[tilespmem:s4], [sflag:$0x1] =	stream.linear.gather [hbm4b:s23+s4], $0x70, $0x38;
	[tilespmem:$0x1F6A0] =	vst v63  }
0x3d: {  	s16 =	rddreg [dreg:$0x7]  }
0x3e: {  	[tilespmem:s20], [sflag:$0x1] =	stream.linear.gather [hbm4b:s16+s4], $0x70, $0x38;
	[tilespmem:$0x1F6A0] =	vst v63  }
0x3f: {  	s17 =	rddreg [dreg:$0x8]  }
0x40: {  	[tilespmem:s21], [sflag:$0x4] =	stream.linear.gather [hbm4b:s17+s4], $0x70, $0x38;
	[tilespmem:$0x1F6A0] =	vst v63  }
0x41: {  	s19 =	simm.s32 $0x1;
	s18 =	rddreg [dreg:$0x9]  }
0x42: {  	[tilespmem:s22], [sflag:$0x4] =	stream.linear.gather [hbm4b:s18+s4], $0x70, $0x38;
	[tilespmem:$0x1F6A0] =	vst v63  }
0x43: {  	_ =	swait.ge [sflag:s19], $0x70  }
0x44: {  	[sflag:s19] =	ssyncset.done $0x0  }
0x45: {  	[sflag:s19] =	ssyncadd.s32 $0xFFFFFF90  }
0x46: {  	_ =	swait.ge [sflag:s19], $0x70  }
0x47: {  	[sflag:s19] =	ssyncset.done $0x0  }
0x48: {  	[sflag:s19] =	ssyncadd.s32 $0xFFFFFF90  }
0x49: {  	[tilespmem:s24], [sflag:$0x2] =	stream.indirect.gather [hbm4b:s5+s20], $0x90, s4, s20, $0xb8;
	[tilespmem:$0x1F6A0] =	vst v63  }
0x4a: {  	s23 =	simm.s32 $0x4050;
	s18 =	simm.s32 $0x0  }
0x4b: {  	[tilespmem:s23], [sflag:$0x2] =	stream.indirect.gather [hbm4b:s6+s20], $0x10, s20, s20, $0xb8;
	[tilespmem:$0x1F6A0] =	vst v63  }
.LBB2_2:
0x4c: {  	p0 =	seq.s32 s18, $0x0  }
0x4d: {  	s9 =	simm.s32 @!p0 $0x6  }
0x4e: {  	_ =	swait.ge @!p0 [sflag:s9], $0x2400  }
0x4f: {  	[sflag:s9] =	ssyncset.done @!p0 $0x0  }
0x50: {  	[sflag:s9] =	ssyncadd.s32 @!p0 $0xFFFFDC00  }
0x51: {  	_ =	swait.ge @!p0 [sflag:s9], $0x1B00  }
0x52: {  	[sflag:s9] =	ssyncset.done @!p0 $0x0  }
0x53: {  	[sflag:s9] =	ssyncadd.s32 @!p0 $0xFFFFE500  }
0x54: {  	_ =	swait.ge [sflag:s26], $0x70  }
0x55: {  	[sflag:s26] =	ssyncset.done $0x0  }
0x56: {  	[sflag:s26] =	ssyncadd.s32 $0xFFFFFF90  }
0x57: {  	_ =	swait.ge [sflag:s26], $0x70  }
0x58: {  	[sflag:s26] =	ssyncset.done $0x0  }
0x59: {  	[sflag:s26] =	ssyncadd.s32 $0xFFFFFF90  }
0x5a: {  	[tilespmem:s28], [sflag:$0x5] =	stream.indirect.gather [hbm4b:s5+s20], $0x90, s21, s20, $0xb8;
	[tilespmem:$0x1F6A0] =	vst v63  }
0x5b: {  	_ = 	snop  }
0x5c: {  	[tilespmem:s29], [sflag:$0x5] =	stream.indirect.gather [hbm4b:s6+s20], $0x10, s22, s20, $0xb8;
	[tilespmem:$0x1F6A0] =	vst v63  }
0x5d: {  	_ =	swait.ge [sflag:s30], $0x3F00  }
0x5e: {  	[sflag:s30] =	ssyncset.done $0x0  }
0x5f: {  	[sflag:s30] =	ssyncadd.s32 $0xFFFFC100  }
0x60: {  	_ =	swait.ge [sflag:s30], $0x700  }
0x61: {  	[sflag:s30] =	ssyncset.done $0x0  }
0x62: {  	[sflag:s30] =	ssyncadd.s32 $0xFFFFF900  }
0x63: {  	v8 =	vld [tilespmem:$0x70]  }
0x64: {  	v9 =	vld [tilespmem:$0x80]  }
0x65: {  	v10 =	vld [tilespmem:$0x90]  }
0x66: {  	v11 =	vld [tilespmem:$0xA0];
	_ =	sdelay $0x1  }
0x67: {  	[tilespmem:$0xE0] =	vst v8  }
0x68: {  	[tilespmem:$0xF0] =	vst v9  }
0x69: {  	[tilespmem:$0x100] =	vst v10  }
0x6a: {  	s23 =	simm.s32 $0x1E0;
	[tilespmem:$0x110] =	vst v11  }
0x6b: {  	s19 =	simm.s32 $0x4060;
	v8 =	vld [tilespmem:s23+$0x80]  }
0x6c: {  	v9 =	vld [tilespmem:s19+$0x0]  }
0x6d: {  	v10 =	vld [tilespmem:s19+$0xFFFFFFF0]  }
0x6e: {  	v11 =	vld [tilespmem:s23+$0xFFFFFFF0]  }
0x6f: {  	v23 =	vld [tilespmem:s23+$0xFFFFFF70]  }
0x70: {  	v24 =	vld [tilespmem:s23+$0xFFFFFF80]  }
0x71: {  	v25 =	vld [tilespmem:s23+$0xFFFFFF90]  }
0x72: {  	v26 =	vld [tilespmem:s23+$0xFFFFFFA0];
	v8 =	vadd.f32 v9, v8  }
0x73: {  	v31 =	vld [tilespmem:s23+$0xFFFFFFB0];
	v9 =	vadd.f32 v10, v11  }
0x74: {  	v32 =	vld [tilespmem:s23+$0xFFFFFFC0];
	v10 =	vmul.f32 $2.000000030e-01, v8  }
0x75: {  	v33 =	vld [tilespmem:s23+$0xFFFFFFD0];
	v11 =	vmul.f32 $2.000000030e-01, v9  }
0x76: {  	s16 =	simm.s32 $0x4080;
	v35 =	vld [tilespmem:s23+$0xFFFFFFE0];
	v8 =	vmax.f32 v8, v10  }
0x77: {  	s19 =	simm.s32 $0x300;
	v14 =	vld [tilespmem:s16+$0xFFFFFFF0];
	v9 =	vmax.f32 v9, v11;
	v8 =	vmul.f32 $1.442695020e+00, v8  }
0x78: {  	v16 =	vld [tilespmem:s19+$0xFFFFFFF0];
	v9 =	vmul.f32 $1.442695020e+00, v9  }
0x79: {  	v39 =	vld [tilespmem:s23+$0x0];
	(erf) = vpow2.f32 v8  }
0x7a: {  	v40 =	vld [tilespmem:s23+$0x10];
	(erf) = vpow2.f32 v9  }
0x7b: {  	v41 =	vld [tilespmem:s23+$0x20]  }
0x7c: {  	v18 =	vld [tilespmem:s23+$0x40]  }
0x7d: {  	v15 =	vld [tilespmem:s23+$0x50];
	v19 =	vadd.f32 v14, v16  }
0x7e: {  	v13 =	vld [tilespmem:s16+$0x0]  }
0x7f: {  	v12 =	vld [tilespmem:s19+$0x80];
	v29 =	vmul.f32 $2.000000030e-01, v19  }
0x80: {  	v11 =	vld [tilespmem:s23+$0x70]  }
0x81: {  	v21 =	vld [tilespmem:s23+$0x60];
	v51 =	vmax.f32 v19, v29  }
0x82: {  	v14 =	vld [tilespmem:s19+$0xFFFFFFC0];
	v51 =	vmul.f32 $1.442695020e+00, v51;
	v34 =	vpop (erf)  }
0x83: {  	v16 =	vld [tilespmem:s19+$0xFFFFFFD0];
	v42 =	vperm.xlane v34, v0;
	v17 =	vperm.xlane v34, v7;
	v20 =	vpop (erf)  }
0x84: {  	v10 =	vld [tilespmem:s19+$0xFFFFFF80];
	v36 =	vperm.xlane v20, v0;
	v37 =	vperm.xlane v20, v1  }
0x85: {  	v19 =	vld [tilespmem:s19+$0x0];
	v38 =	vperm.xlane v20, v2;
	v22 =	vmul.f32 v11, v17;
	v17 =	vadd.f32 v13, v12  }
0x86: {  	v8 =	vld [tilespmem:s23+$0x30];
	v45 =	vperm.xlane v20, v3;
	v46 =	vperm.xlane v20, v4  }
0x87: {  	v9 =	vld [tilespmem:s19+$0xFFFFFF70];
	v47 =	vperm.xlane v20, v5;
	v27 =	vmul.f32 $2.000000030e-01, v17  }
0x88: {  	v48 =	vperm.xlane v20, v6;
	v49 =	vperm.xlane v20, v7;
	[tilespmem:s23+$0xFFFFFFF0] =	vst v20;
	v20 =	vld [tilespmem:s19+$0x20]  }
0x89: {  	v43 =	vperm.xlane v34, v1;
	v44 =	vperm.xlane v34, v2;
	v11 =	vld [tilespmem:s19+$0xFFFFFF90];
	v28 =	vmax.f32 v17, v27  }
0x8a: {  	v30 =	vperm.xlane v34, v5;
	v12 =	vld [tilespmem:s19+$0xFFFFFFA0];
	v50 =	vmul.f32 $1.442695020e+00, v28  }
0x8b: {  	v29 =	vperm.xlane v34, v6;
	v13 =	vld [tilespmem:s19+$0xFFFFFFB0];
	v36 =	vmul.f32 v23, v36  }
0x8c: {  	v62 =	vmul.f32 v24, v37;
	v24 =	vld [tilespmem:s19+$0x30];
	(erf) = vpow2.f32 v50  }
0x8d: {  	[tilespmem:s23+$0x80] =	vst v34;
	v63 =	vmul.f32 v25, v38;
	v23 =	vld [tilespmem:s19+$0x40];
	v45 =	vmul.f32 v26, v45  }
0x8e: {  	v37 =	vmul.f32 v31, v46;
	v25 =	vld [tilespmem:s19+$0x50];
	[tilespmem:s23+$0x70] =	vst v22;
	(erf) = vpow2.f32 v51  }
0x8f: {  	v38 =	vmul.f32 v32, v47;
	v26 =	vld [tilespmem:s19+$0x60];
	v32 =	vmul.f32 v39, v42;
	[tilespmem:s23+$0xFFFFFF70] =	vst v36  }
0x90: {  	v31 =	vmul.f32 v41, v44;
	v22 =	vld [tilespmem:s19+$0x10];
	[tilespmem:s23+$0xFFFFFF80] =	vst v62;
	v36 =	vmul.f32 v35, v49  }
0x91: {  	[tilespmem:s23+$0xFFFFFF90] =	vst v63;
	v27 =	vperm.xlane v34, v3;
	v17 =	vld [tilespmem:s19+$0xFFFFFFE0];
	v28 =	vperm.xlane v34, v4  }
0x92: {  	s17 =	simm.s32 $0x2;
	s9 =	simm.s32 $0x420;
	[tilespmem:s23+$0xFFFFFFA0] =	vst v45;
	v35 =	vmul.f32 v40, v43;
	v34 =	vmul.f32 v33, v48;
	v33 =	vld [tilespmem:s19+$0x70]  }
.LBB2_3:
0x93: {  	v39 =	vld [tilespmem:s9+$0x80];
	s16 =	sadd.s32 $0x20, s16;
	[tilespmem:s23+$0xFFFFFFB0] =	vst v37;
	v27 =	vmul.f32 v8, v27;
	v28 =	vmul.f32 v18, v28;
	v8 =	vmov v24  }
0x94: {  	s17 =	sadd.s32 $0x2, s17;
	v30 =	vmul.f32 v15, v30;
	v29 =	vmul.f32 v21, v29;
	v24 =	vld [tilespmem:s16+$0x0];
	[tilespmem:s23+$0xFFFFFFC0] =	vst v38;
	v18 =	vmov v23  }
0x95: {  	p0 =	slt.u32 s17, $0x3E;
	v23 =	vld [tilespmem:s16+$0xFFFFFFF0];
	v37 =	vpop (erf);
	[tilespmem:s23+$0xFFFFFFD0] =	vst v34;
	v15 =	vmov v25  }
0x96: {  	v25 =	vld [tilespmem:s9+$0xFFFFFFF0];
	v40 =	vperm.xlane v37, v0;
	v34 =	vperm.xlane v37, v7;
	[tilespmem:s23+$0xFFFFFFE0] =	vst v36;
	v21 =	vmov v26  }
0x97: {  	v41 =	vperm.xlane v37, v1;
	v42 =	vperm.xlane v37, v2;
	v26 =	vld [tilespmem:s9+$0xFFFFFF70];
	v36 =	vpop (erf);
	[tilespmem:s23+$0x0] =	vst v32  }
0x98: {  	v32 =	vld [tilespmem:s9+$0xFFFFFF80];
	v38 =	vperm.xlane v36, v0;
	v33 =	vmul.f32 v33, v34;
	[tilespmem:s23+$0x10] =	vst v35  }
0x99: {  	v35 =	vperm.xlane v36, v1;
	v34 =	vld [tilespmem:s9+$0xFFFFFF90];
	v24 =	vadd.f32 v24, v39;
	v39 =	vperm.xlane v36, v2;
	[tilespmem:s23+$0x20] =	vst v31  }
0x9a: {  	v43 =	vperm.xlane v36, v3;
	v44 =	vperm.xlane v36, v4;
	v31 =	vld [tilespmem:s9+$0xFFFFFFA0];
	[tilespmem:s19+$0x70] =	vst v33  }
0x9b: {  	v45 =	vperm.xlane v36, v5;
	v23 =	vadd.f32 v23, v25;
	v25 =	vld [tilespmem:s9+$0xFFFFFFB0];
	v33 =	vmul.f32 $2.000000030e-01, v24;
	[tilespmem:s23+$0x30] =	vst v27  }
0x9c: {  	v47 =	vperm.xlane v36, v6;
	v48 =	vperm.xlane v36, v7;
	v46 =	vld [tilespmem:s9+$0xFFFFFFC0];
	[tilespmem:s23+$0x40] =	vst v28  }
0x9d: {  	v27 =	vperm.xlane v37, v3;
	v49 =	vmul.f32 $2.000000030e-01, v23;
	v50 =	vld [tilespmem:s9+$0xFFFFFFD0];
	v24 =	vmax.f32 v24, v33;
	[tilespmem:s23+$0x50] =	vst v30  }
0x9e: {  	v28 =	vperm.xlane v37, v4;
	v33 =	vld [tilespmem:s9+$0xFFFFFFE0];
	v24 =	vmul.f32 $1.442695020e+00, v24;
	[tilespmem:s23+$0x60] =	vst v29;
	s23 =	smov.u32 s19;
	s19 =	smov.u32 s9  }
0x9f: {  	v30 =	vperm.xlane v37, v5;
	v29 =	vperm.xlane v37, v6;
	v23 =	vmax.f32 v23, v49;
	v49 =	vld [tilespmem:s9+$0x0];
	[tilespmem:s23+$0xFFFFFFF0] =	vst v36  }
0xa0: {  	v23 =	vmul.f32 $1.442695020e+00, v23;
	v51 =	vld [tilespmem:s9+$0x10];
	(erf) = vpow2.f32 v24;
	[tilespmem:s23+$0x80] =	vst v37  }
0xa1: {  	v35 =	vmul.f32 v10, v35;
	v10 =	vmovc v32;
	v36 =	vmul.f32 v9, v38;
	v9 =	vmov v26;
	v52 =	vld [tilespmem:s9+$0x20]  }
.Ltmp2:
0xa2: {  	v32 =	vmul.f32 v11, v39;
	v11 =	vmov v34;
	v24 =	vld [tilespmem:s9+$0x30];
	(erf) = vpow2.f32 v23;
	(pc) =	sbr.rel @p0 .LBB2_3-.Ltmp2, $4  }
0xa3: {  	v39 =	vmul.f32 v12, v43;
	v12 =	vmovc v31;
	v37 =	vmul.f32 v13, v44;
	v13 =	vmov v25;
	v23 =	vld [tilespmem:s9+$0x40];
	[tilespmem:s23+$0xFFFFFF70] =	vst v36  }
0xa4: {  	v34 =	vmul.f32 v16, v47;
	v38 =	vmul.f32 v14, v45;
	v14 =	vmovc v46;
	v16 =	vmov v50;
	v25 =	vld [tilespmem:s9+$0x50];
	[tilespmem:s23+$0xFFFFFF80] =	vst v35  }
0xa5: {  	v36 =	vmul.f32 v17, v48;
	v17 =	vmovc v33;
	v26 =	vld [tilespmem:s9+$0x60];
	[tilespmem:s23+$0xFFFFFF90] =	vst v32;
	v32 =	vmul.f32 v19, v40;
	v19 =	vmov v49  }
0xa6: {  	v31 =	vmul.f32 v20, v42;
	v35 =	vmul.f32 v22, v41;
	s9 =	sadd.s32 $0x120, s9;
	v22 =	vmovc v51;
	v33 =	vld [tilespmem:s19+$0x70];
	[tilespmem:s23+$0xFFFFFFA0] =	vst v39;
	v20 =	vmov v52  }
0xa7: {  	[tilespmem:s23+$0xFFFFFFB0] =	vst v37  }
0xa8: {  	[tilespmem:s23+$0xFFFFFFC0] =	vst v38  }
0xa9: {  	[tilespmem:s23+$0xFFFFFFD0] =	vst v34  }
0xaa: {  	[tilespmem:s23+$0xFFFFFFE0] =	vst v36  }
0xab: {  	[tilespmem:s23+$0x0] =	vst v32  }
0xac: {  	v8 =	vmul.f32 v8, v27;
	[tilespmem:s23+$0x10] =	vst v35  }
0xad: {  	v18 =	vmul.f32 v18, v28;
	[tilespmem:s23+$0x20] =	vst v31  }
0xae: {  	v15 =	vmul.f32 v15, v30;
	[tilespmem:s23+$0x30] =	vst v8  }
0xaf: {  	v54 =	vpop (erf);
	[tilespmem:s23+$0x40] =	vst v18  }
0xb0: {  	v8 =	vmul.f32 v21, v29;
	[tilespmem:s23+$0x50] =	vst v15;
	v55 =	vperm.xlane v54, v7;
	v21 =	vpop (erf)  }
0xb1: {  	[tilespmem:s19+$0x80] =	vst v54;
	v18 =	vperm.xlane v21, v0  }
0xb2: {  	[tilespmem:s23+$0x60] =	vst v8;
	v56 =	vmul.f32 v33, v55;
	v15 =	vperm.xlane v21, v1  }
0xb3: {  	v8 =	vperm.xlane v21, v2;
	[tilespmem:s19+$0xFFFFFFF0] =	vst v21;
	v9 =	vmul.f32 v9, v18  }
0xb4: {  	[tilespmem:s19+$0x70] =	vst v56;
	v18 =	vperm.xlane v21, v3;
	v10 =	vmul.f32 v10, v15  }
0xb5: {  	v15 =	vperm.xlane v21, v4;
	v8 =	vmul.f32 v11, v8;
	[tilespmem:s19+$0xFFFFFF70] =	vst v9  }
0xb6: {  	v9 =	vperm.xlane v21, v5;
	v11 =	vmul.f32 v12, v18;
	[tilespmem:s19+$0xFFFFFF80] =	vst v10  }
0xb7: {  	v10 =	vperm.xlane v21, v6;
	v12 =	vmul.f32 v13, v15;
	[tilespmem:s19+$0xFFFFFF90] =	vst v8  }
0xb8: {  	v8 =	vperm.xlane v21, v7;
	v9 =	vmul.f32 v14, v9;
	[tilespmem:s19+$0xFFFFFFA0] =	vst v11  }
0xb9: {  	v11 =	vperm.xlane v54, v0;
	v10 =	vmul.f32 v16, v10;
	[tilespmem:s19+$0xFFFFFFB0] =	vst v12  }
0xba: {  	v12 =	vperm.xlane v54, v1;
	v8 =	vmul.f32 v17, v8;
	[tilespmem:s19+$0xFFFFFFC0] =	vst v9  }
0xbb: {  	v9 =	vperm.xlane v54, v2;
	v11 =	vmul.f32 v19, v11;
	[tilespmem:s19+$0xFFFFFFD0] =	vst v10  }
0xbc: {  	v10 =	vperm.xlane v54, v3;
	v12 =	vmul.f32 v22, v12;
	[tilespmem:s19+$0xFFFFFFE0] =	vst v8  }
0xbd: {  	v8 =	vperm.xlane v54, v4;
	v9 =	vmul.f32 v20, v9;
	[tilespmem:s19+$0x0] =	vst v11  }
0xbe: {  	v11 =	vperm.xlane v54, v5;
	v10 =	vmul.f32 v24, v10;
	[tilespmem:s19+$0x10] =	vst v12  }
0xbf: {  	v12 =	vperm.xlane v54, v6;
	v8 =	vmul.f32 v23, v8;
	[tilespmem:s19+$0x20] =	vst v9  }
0xc0: {  	v9 =	vmul.f32 v25, v11;
	[tilespmem:s19+$0x30] =	vst v10  }
0xc1: {  	v10 =	vmul.f32 v26, v12;
	[tilespmem:s19+$0x40] =	vst v8  }
0xc2: {  	[tilespmem:s19+$0x50] =	vst v9  }
0xc3: {  	[tilespmem:s19+$0x60] =	vst v10  }
0xc4: {  	[spmem:s3] =	stream.indirect.scatter.add.f32 [tilespmem:s24], [sflag:$0x3], $0x90, s0, s31, $0xb8;
	[tilespmem:$0x1F6A0] =	vst v63  }
0xc5: {  	v8 =	vld [tilespmem:$0xB0]  }
0xc6: {  	v9 =	vld [tilespmem:$0xC0]  }
0xc7: {  	v10 =	vld [tilespmem:$0xD0];
	_ =	sdelay $0x2  }
0xc8: {  	[tilespmem:$0x120] =	vst v8  }
0xc9: {  	[tilespmem:$0x130] =	vst v9  }
0xca: {  	s23 =	simm.s32 $0x2660;
	[tilespmem:$0x140] =	vst v10  }
0xcb: {  	s9 =	simm.s32 $0x4460;
	v8 =	vld [tilespmem:s23+$0x0]  }
0xcc: {  	v9 =	vld [tilespmem:s9+$0x0]  }
0xcd: {  	v10 =	vld [tilespmem:s9+$0xFFFFFFF0]  }
0xce: {  	v11 =	vld [tilespmem:s23+$0xFFFFFF70]  }
0xcf: {  	v23 =	vld [tilespmem:s23+$0xFFFFFEF0]  }
0xd0: {  	v24 =	vld [tilespmem:s23+$0xFFFFFF00]  }
0xd1: {  	v25 =	vld [tilespmem:s23+$0xFFFFFF10]  }
0xd2: {  	v26 =	vld [tilespmem:s23+$0xFFFFFF20];
	v8 =	vadd.f32 v9, v8  }
0xd3: {  	v31 =	vld [tilespmem:s23+$0xFFFFFF30]  }
0xd4: {  	v32 =	vld [tilespmem:s23+$0xFFFFFF40];
	v9 =	vadd.f32 v10, v11;
	v10 =	vmul.f32 $2.000000030e-01, v8  }
0xd5: {  	v57 =	vld [tilespmem:s23+$0xFFFFFF50]  }
0xd6: {  	s16 =	simm.s32 $0x4480;
	v35 =	vld [tilespmem:s23+$0xFFFFFF60];
	v11 =	vmul.f32 $2.000000030e-01, v9;
	v8 =	vmax.f32 v8, v10  }
0xd7: {  	s19 =	simm.s32 $0x2780;
	v14 =	vld [tilespmem:s16+$0xFFFFFFF0];
	v8 =	vmul.f32 $1.442695020e+00, v8  }
0xd8: {  	v16 =	vld [tilespmem:s19+$0xFFFFFF70];
	v9 =	vmax.f32 v9, v11  }
0xd9: {  	v39 =	vld [tilespmem:s23+$0xFFFFFF80];
	v9 =	vmul.f32 $1.442695020e+00, v9;
	(erf) = vpow2.f32 v8  }
0xda: {  	v40 =	vld [tilespmem:s23+$0xFFFFFF90]  }
0xdb: {  	v41 =	vld [tilespmem:s23+$0xFFFFFFA0];
	(erf) = vpow2.f32 v9  }
0xdc: {  	v18 =	vld [tilespmem:s23+$0xFFFFFFC0]  }
0xdd: {  	v15 =	vld [tilespmem:s23+$0xFFFFFFD0];
	v19 =	vadd.f32 v14, v16  }
0xde: {  	v12 =	vld [tilespmem:s19+$0x0]  }
0xdf: {  	v13 =	vld [tilespmem:s16+$0x0];
	v29 =	vmul.f32 $2.000000030e-01, v19  }
0xe0: {  	v11 =	vld [tilespmem:s23+$0xFFFFFFF0]  }
0xe1: {  	v21 =	vld [tilespmem:s23+$0xFFFFFFE0];
	v51 =	vmax.f32 v19, v29  }
0xe2: {  	v33 =	vld [tilespmem:s19+$0xFFFFFFF0];
	v51 =	vmul.f32 $1.442695020e+00, v51;
	v58 =	vpop (erf)  }
0xe3: {  	v14 =	vld [tilespmem:s19+$0xFFFFFF40];
	v42 =	vperm.xlane v58, v0;
	v17 =	vperm.xlane v58, v7  }
0xe4: {  	v16 =	vld [tilespmem:s19+$0xFFFFFF50];
	v43 =	vperm.xlane v58, v1;
	v44 =	vperm.xlane v58, v2;
	v20 =	vpop (erf)  }
0xe5: {  	v10 =	vld [tilespmem:s19+$0xFFFFFF00];
	v59 =	vperm.xlane v20, v0;
	v22 =	vmul.f32 v11, v17;
	v17 =	vadd.f32 v13, v12  }
0xe6: {  	v19 =	vld [tilespmem:s19+$0xFFFFFF80];
	v60 =	vperm.xlane v20, v1;
	v61 =	vperm.xlane v20, v2  }
0xe7: {  	v8 =	vld [tilespmem:s23+$0xFFFFFFB0];
	v45 =	vperm.xlane v20, v3;
	v27 =	vmul.f32 $2.000000030e-01, v17  }
0xe8: {  	v9 =	vld [tilespmem:s19+$0xFFFFFEF0];
	v46 =	vperm.xlane v20, v4;
	v47 =	vperm.xlane v20, v5  }
0xe9: {  	v48 =	vperm.xlane v20, v6;
	v49 =	vperm.xlane v20, v7;
	[tilespmem:s23+$0xFFFFFF70] =	vst v20;
	v20 =	vld [tilespmem:s19+$0xFFFFFFA0];
	v28 =	vmax.f32 v17, v27  }
0xea: {  	v30 =	vperm.xlane v58, v5;
	v11 =	vld [tilespmem:s19+$0xFFFFFF10];
	v50 =	vmul.f32 $1.442695020e+00, v28  }
0xeb: {  	v29 =	vperm.xlane v58, v6;
	v12 =	vld [tilespmem:s19+$0xFFFFFF20];
	v36 =	vmul.f32 v23, v59  }
0xec: {  	v13 =	vld [tilespmem:s19+$0xFFFFFF30];
	v62 =	vmul.f32 v24, v60;
	(erf) = vpow2.f32 v50  }
0xed: {  	[tilespmem:s23+$0x0] =	vst v58;
	v24 =	vld [tilespmem:s19+$0xFFFFFFB0];
	v63 =	vmul.f32 v25, v61;
	v45 =	vmul.f32 v26, v45  }
0xee: {  	v23 =	vld [tilespmem:s19+$0xFFFFFFC0];
	v37 =	vmul.f32 v31, v46;
	[tilespmem:s23+$0xFFFFFFF0] =	vst v22;
	(erf) = vpow2.f32 v51  }
0xef: {  	v25 =	vld [tilespmem:s19+$0xFFFFFFD0];
	v38 =	vmul.f32 v32, v47;
	v34 =	vmul.f32 v57, v48;
	[tilespmem:s23+$0xFFFFFEF0] =	vst v36  }
0xf0: {  	v26 =	vld [tilespmem:s19+$0xFFFFFFE0];
	v32 =	vmul.f32 v39, v42;
	v31 =	vmul.f32 v41, v44;
	[tilespmem:s23+$0xFFFFFF00] =	vst v62  }
0xf1: {  	v22 =	vld [tilespmem:s19+$0xFFFFFF90];
	[tilespmem:s23+$0xFFFFFF10] =	vst v63;
	v27 =	vperm.xlane v58, v3;
	v28 =	vperm.xlane v58, v4  }
0xf2: {  	s17 =	simm.s32 $0x42;
	s9 =	simm.s32 $0x28A0;
	v36 =	vmul.f32 v35, v49;
	[tilespmem:s23+$0xFFFFFF20] =	vst v45;
	v35 =	vmul.f32 v40, v43;
	v17 =	vld [tilespmem:s19+$0xFFFFFF60]  }
.LBB2_5:
0xf3: {  	v39 =	vld [tilespmem:s9+$0x0];
	s16 =	sadd.s32 $0x20, s16;
	[tilespmem:s23+$0xFFFFFF30] =	vst v37;
	v27 =	vmul.f32 v8, v27;
	v28 =	vmul.f32 v18, v28;
	v8 =	vmov v24  }
0xf4: {  	s17 =	sadd.s32 $0x2, s17;
	v30 =	vmul.f32 v15, v30;
	v29 =	vmul.f32 v21, v29;
	v24 =	vld [tilespmem:s16+$0x0];
	[tilespmem:s23+$0xFFFFFF40] =	vst v38;
	v18 =	vmov v23  }
0xf5: {  	p0 =	slt.u32 s17, $0x6E;
	v23 =	vld [tilespmem:s16+$0xFFFFFFF0];
	v37 =	vpop (erf);
	[tilespmem:s23+$0xFFFFFF50] =	vst v34;
	v15 =	vmov v25  }
0xf6: {  	v25 =	vld [tilespmem:s9+$0xFFFFFF70];
	v40 =	vperm.xlane v37, v0;
	v34 =	vperm.xlane v37, v7;
	[tilespmem:s23+$0xFFFFFF60] =	vst v36;
	v21 =	vmov v26  }
0xf7: {  	v41 =	vperm.xlane v37, v1;
	v42 =	vperm.xlane v37, v2;
	v26 =	vld [tilespmem:s9+$0xFFFFFEF0];
	v36 =	vpop (erf);
	[tilespmem:s23+$0xFFFFFF80] =	vst v32  }
0xf8: {  	v32 =	vld [tilespmem:s9+$0xFFFFFF00];
	v38 =	vperm.xlane v36, v0;
	v33 =	vmul.f32 v33, v34;
	[tilespmem:s23+$0xFFFFFF90] =	vst v35  }
0xf9: {  	v35 =	vperm.xlane v36, v1;
	v34 =	vld [tilespmem:s9+$0xFFFFFF10];
	v24 =	vadd.f32 v24, v39;
	v39 =	vperm.xlane v36, v2;
	[tilespmem:s23+$0xFFFFFFA0] =	vst v31  }
0xfa: {  	v43 =	vperm.xlane v36, v3;
	v44 =	vperm.xlane v36, v4;
	v31 =	vld [tilespmem:s9+$0xFFFFFF20];
	[tilespmem:s19+$0xFFFFFFF0] =	vst v33  }
0xfb: {  	v45 =	vperm.xlane v36, v5;
	v23 =	vadd.f32 v23, v25;
	v25 =	vld [tilespmem:s9+$0xFFFFFF30];
	v33 =	vmul.f32 $2.000000030e-01, v24;
	[tilespmem:s23+$0xFFFFFFB0] =	vst v27  }
0xfc: {  	v47 =	vperm.xlane v36, v6;
	v48 =	vperm.xlane v36, v7;
	v46 =	vld [tilespmem:s9+$0xFFFFFF40];
	[tilespmem:s23+$0xFFFFFFC0] =	vst v28  }
0xfd: {  	v27 =	vperm.xlane v37, v3;
	v49 =	vmul.f32 $2.000000030e-01, v23;
	v50 =	vld [tilespmem:s9+$0xFFFFFF50];
	v24 =	vmax.f32 v24, v33;
	[tilespmem:s23+$0xFFFFFFD0] =	vst v30  }
0xfe: {  	v28 =	vperm.xlane v37, v4;
	v33 =	vld [tilespmem:s9+$0xFFFFFF60];
	v24 =	vmul.f32 $1.442695020e+00, v24;
	[tilespmem:s23+$0xFFFFFFE0] =	vst v29;
	s23 =	smov.u32 s19;
	s19 =	smov.u32 s9  }
0xff: {  	v30 =	vperm.xlane v37, v5;
	v29 =	vperm.xlane v37, v6;
	v23 =	vmax.f32 v23, v49;
	v49 =	vld [tilespmem:s9+$0xFFFFFF80];
	[tilespmem:s23+$0xFFFFFF70] =	vst v36  }
0x100: {  	v23 =	vmul.f32 $1.442695020e+00, v23;
	v51 =	vld [tilespmem:s9+$0xFFFFFF90];
	(erf) = vpow2.f32 v24;
	[tilespmem:s23+$0x0] =	vst v37  }
0x101: {  	v35 =	vmul.f32 v10, v35;
	v10 =	vmovc v32;
	v36 =	vmul.f32 v9, v38;
	v9 =	vmov v26;
	v52 =	vld [tilespmem:s9+$0xFFFFFFA0]  }
.Ltmp3:
0x102: {  	v32 =	vmul.f32 v11, v39;
	v11 =	vmov v34;
	v24 =	vld [tilespmem:s9+$0xFFFFFFB0];
	(erf) = vpow2.f32 v23;
	(pc) =	sbr.rel @p0 .LBB2_5-.Ltmp3, $4  }
0x103: {  	v39 =	vmul.f32 v12, v43;
	v12 =	vmovc v31;
	v37 =	vmul.f32 v13, v44;
	v13 =	vmov v25;
	v23 =	vld [tilespmem:s9+$0xFFFFFFC0];
	[tilespmem:s23+$0xFFFFFEF0] =	vst v36  }
0x104: {  	v34 =	vmul.f32 v16, v47;
	v38 =	vmul.f32 v14, v45;
	v14 =	vmovc v46;
	v16 =	vmov v50;
	v25 =	vld [tilespmem:s9+$0xFFFFFFD0];
	[tilespmem:s23+$0xFFFFFF00] =	vst v35  }
0x105: {  	v36 =	vmul.f32 v17, v48;
	v17 =	vmovc v33;
	v26 =	vld [tilespmem:s9+$0xFFFFFFE0];
	[tilespmem:s23+$0xFFFFFF10] =	vst v32;
	v32 =	vmul.f32 v19, v40;
	v19 =	vmov v49  }
0x106: {  	v31 =	vmul.f32 v20, v42;
	v35 =	vmul.f32 v22, v41;
	s9 =	sadd.s32 $0x120, s9;
	v22 =	vmovc v51;
	v33 =	vld [tilespmem:s19+$0xFFFFFFF0];
	[tilespmem:s23+$0xFFFFFF20] =	vst v39;
	v20 =	vmov v52  }
0x107: {  	[tilespmem:s23+$0xFFFFFF30] =	vst v37  }
0x108: {  	[tilespmem:s23+$0xFFFFFF40] =	vst v38  }
0x109: {  	[tilespmem:s23+$0xFFFFFF50] =	vst v34  }
0x10a: {  	[tilespmem:s23+$0xFFFFFF60] =	vst v36  }
0x10b: {  	[tilespmem:s23+$0xFFFFFF80] =	vst v32  }
0x10c: {  	v8 =	vmul.f32 v8, v27;
	[tilespmem:s23+$0xFFFFFF90] =	vst v35  }
0x10d: {  	v18 =	vmul.f32 v18, v28;
	[tilespmem:s23+$0xFFFFFFA0] =	vst v31  }
0x10e: {  	v15 =	vmul.f32 v15, v30;
	[tilespmem:s23+$0xFFFFFFB0] =	vst v8  }
0x10f: {  	v52 =	vpop (erf);
	[tilespmem:s23+$0xFFFFFFC0] =	vst v18  }
0x110: {  	v8 =	vmul.f32 v21, v29;
	[tilespmem:s23+$0xFFFFFFD0] =	vst v15;
	v53 =	vperm.xlane v52, v7;
	v21 =	vpop (erf)  }
0x111: {  	[tilespmem:s19+$0x0] =	vst v52;
	v18 =	vperm.xlane v21, v0  }
0x112: {  	[tilespmem:s23+$0xFFFFFFE0] =	vst v8;
	v54 =	vmul.f32 v33, v53;
	v15 =	vperm.xlane v21, v1  }
0x113: {  	v8 =	vperm.xlane v21, v2;
	[tilespmem:s19+$0xFFFFFF70] =	vst v21;
	v9 =	vmul.f32 v9, v18  }
0x114: {  	[tilespmem:s19+$0xFFFFFFF0] =	vst v54;
	v18 =	vperm.xlane v21, v3;
	v10 =	vmul.f32 v10, v15  }
0x115: {  	v15 =	vperm.xlane v21, v4;
	v8 =	vmul.f32 v11, v8;
	[tilespmem:s19+$0xFFFFFEF0] =	vst v9  }
0x116: {  	v9 =	vperm.xlane v21, v5;
	v11 =	vmul.f32 v12, v18;
	[tilespmem:s19+$0xFFFFFF00] =	vst v10  }
0x117: {  	v10 =	vperm.xlane v21, v6;
	v12 =	vmul.f32 v13, v15;
	[tilespmem:s19+$0xFFFFFF10] =	vst v8  }
0x118: {  	v8 =	vperm.xlane v21, v7;
	v9 =	vmul.f32 v14, v9;
	[tilespmem:s19+$0xFFFFFF20] =	vst v11  }
0x119: {  	v11 =	vperm.xlane v52, v0;
	v10 =	vmul.f32 v16, v10;
	[tilespmem:s19+$0xFFFFFF30] =	vst v12  }
0x11a: {  	v12 =	vperm.xlane v52, v1;
	v8 =	vmul.f32 v17, v8;
	[tilespmem:s19+$0xFFFFFF40] =	vst v9  }
0x11b: {  	v9 =	vperm.xlane v52, v2;
	v11 =	vmul.f32 v19, v11;
	[tilespmem:s19+$0xFFFFFF50] =	vst v10  }
0x11c: {  	v10 =	vperm.xlane v52, v3;
	v12 =	vmul.f32 v22, v12;
	[tilespmem:s19+$0xFFFFFF60] =	vst v8  }
0x11d: {  	v8 =	vperm.xlane v52, v4;
	v9 =	vmul.f32 v20, v9;
	[tilespmem:s19+$0xFFFFFF80] =	vst v11  }
0x11e: {  	v11 =	vperm.xlane v52, v5;
	v10 =	vmul.f32 v24, v10;
	[tilespmem:s19+$0xFFFFFF90] =	vst v12  }
0x11f: {  	p0 =	seq.s32 s18, $0x2C;
	v12 =	vperm.xlane v52, v6;
	v8 =	vmul.f32 v23, v8;
	[tilespmem:s19+$0xFFFFFFA0] =	vst v9  }
0x120: {  	s9 =	smul.u32 @!p0 $0xE0, s18;
	v9 =	vmul.f32 v25, v11;
	[tilespmem:s19+$0xFFFFFFB0] =	vst v10  }
0x121: {  	v10 =	vmul.f32 v26, v12;
	[tilespmem:s19+$0xFFFFFFC0] =	vst v8  }
0x122: {  	s9 =	sadd.s32 @!p0 s9, s14;
	[tilespmem:s19+$0xFFFFFFD0] =	vst v9  }
0x123: {  	s9 =	sshrl.u32 @!p0 s9, $0x3;
	[tilespmem:s19+$0xFFFFFFE0] =	vst v10  }
0x124: {  	[spmem:s3] =	stream.indirect.scatter.add.f32 [tilespmem:s8], [sflag:$0x3], $0x90, s25, s1, $0xb8;
	[tilespmem:$0x1F6A0] =	vst v63  }
0x125: {  	s17 =	simm.s32 @!p0 $0x0;
	s16 =	sadd.s32 @!p0 s7, s9  }
0x126: {  	[tilespmem:s17], [sflag:$0x1] =	stream.linear.gather @!p0 [hbm4b:s16+s17], $0x70, $0x38;
	[tilespmem:$0x1F6A0] =	vst v63  }
0x127: {  	s9 =	sadd.s32 @!p0 s2, s9;
	s16 =	simm.s32 @!p0 $0x70  }
0x128: {  	[tilespmem:s16], [sflag:$0x1] =	stream.linear.gather @!p0 [hbm4b:s9+s17], $0x70, $0x38;
	[tilespmem:$0x1F6A0] =	vst v63  }
0x129: {  	s9 =	simm.s32 @!p0 $0x3  }
0x12a: {  	_ =	swait.ge @!p0 [sflag:s9], $0x2400  }
0x12b: {  	[sflag:s9] =	ssyncset.done @!p0 $0x0  }
0x12c: {  	[sflag:s9] =	ssyncadd.s32 @!p0 $0xFFFFDC00  }
0x12d: {  	_ =	swait.ge @!p0 [sflag:s9], $0x1B00  }
0x12e: {  	[sflag:s9] =	ssyncset.done @!p0 $0x0  }
0x12f: {  	[sflag:s9] =	ssyncadd.s32 @!p0 $0xFFFFE500;
	s9 =	simm.s32 @!p0 $0x1  }
0x130: {  	_ =	swait.ge @!p0 [sflag:s9], $0x70  }
0x131: {  	[sflag:s9] =	ssyncset.done @!p0 $0x0  }
0x132: {  	[sflag:s9] =	ssyncadd.s32 @!p0 $0xFFFFFF90  }
0x133: {  	_ =	swait.ge @!p0 [sflag:s9], $0x70  }
0x134: {  	[sflag:s9] =	ssyncset.done @!p0 $0x0  }
0x135: {  	[sflag:s9] =	ssyncadd.s32 @!p0 $0xFFFFFF90;
	s9 =	simm.s32 @!p0 $0x150  }
0x136: {  	[tilespmem:s9], [sflag:$0x2] =	stream.indirect.gather @!p0 [hbm4b:s5+s16], $0x90, s17, s16, $0xb8;
	[tilespmem:$0x1F6A0] =	vst v63  }
0x137: {  	s9 =	simm.s32 @!p0 $0x4050  }
0x138: {  	[tilespmem:s9], [sflag:$0x2] =	stream.indirect.gather @!p0 [hbm4b:s6+s16], $0x10, s16, s16, $0xb8;
	[tilespmem:$0x1F6A0] =	vst v63  }
0x139: {  	_ =	swait.ge [sflag:s10], $0x3F00  }
0x13a: {  	[sflag:s10] =	ssyncset.done $0x0  }
0x13b: {  	[sflag:s10] =	ssyncadd.s32 $0xFFFFC100  }
0x13c: {  	_ =	swait.ge [sflag:s10], $0x700  }
0x13d: {  	[sflag:s10] =	ssyncset.done $0x0  }
0x13e: {  	[sflag:s10] =	ssyncadd.s32 $0xFFFFF900  }
0x13f: {  	v8 =	vld [tilespmem:$0x47C0]  }
0x140: {  	v9 =	vld [tilespmem:$0x47D0]  }
0x141: {  	v10 =	vld [tilespmem:$0x47E0]  }
0x142: {  	v11 =	vld [tilespmem:$0x47F0];
	_ =	sdelay $0x1  }
0x143: {  	[tilespmem:$0x4830] =	vst v8  }
0x144: {  	[tilespmem:$0x4840] =	vst v9  }
0x145: {  	[tilespmem:$0x4850] =	vst v10  }
0x146: {  	s23 =	simm.s32 $0x4930;
	[tilespmem:$0x4860] =	vst v11  }
0x147: {  	s19 =	simm.s32 $0x87B0;
	v8 =	vld [tilespmem:s23+$0x80]  }
0x148: {  	v9 =	vld [tilespmem:s19+$0x0]  }
0x149: {  	v10 =	vld [tilespmem:s19+$0xFFFFFFF0]  }
0x14a: {  	v11 =	vld [tilespmem:s23+$0xFFFFFFF0]  }
0x14b: {  	v23 =	vld [tilespmem:s23+$0xFFFFFF70]  }
0x14c: {  	v24 =	vld [tilespmem:s23+$0xFFFFFF80]  }
0x14d: {  	v25 =	vld [tilespmem:s23+$0xFFFFFF90]  }
0x14e: {  	v26 =	vld [tilespmem:s23+$0xFFFFFFA0];
	v8 =	vadd.f32 v9, v8  }
0x14f: {  	v31 =	vld [tilespmem:s23+$0xFFFFFFB0]  }
0x150: {  	v55 =	vld [tilespmem:s23+$0xFFFFFFC0];
	v9 =	vadd.f32 v10, v11;
	v10 =	vmul.f32 $2.000000030e-01, v8  }
0x151: {  	v56 =	vld [tilespmem:s23+$0xFFFFFFD0]  }
0x152: {  	s16 =	simm.s32 $0x87D0;
	v57 =	vld [tilespmem:s23+$0xFFFFFFE0];
	v11 =	vmul.f32 $2.000000030e-01, v9;
	v8 =	vmax.f32 v8, v10  }
0x153: {  	s19 =	simm.s32 $0x4A50;
	v14 =	vld [tilespmem:s16+$0xFFFFFFF0];
	v8 =	vmul.f32 $1.442695020e+00, v8  }
0x154: {  	v16 =	vld [tilespmem:s19+$0xFFFFFFF0];
	v9 =	vmax.f32 v9, v11  }
0x155: {  	v39 =	vld [tilespmem:s23+$0x0];
	v9 =	vmul.f32 $1.442695020e+00, v9;
	(erf) = vpow2.f32 v8  }
0x156: {  	v40 =	vld [tilespmem:s23+$0x10]  }
0x157: {  	v41 =	vld [tilespmem:s23+$0x20];
	(erf) = vpow2.f32 v9  }
0x158: {  	v18 =	vld [tilespmem:s23+$0x40]  }
0x159: {  	v15 =	vld [tilespmem:s23+$0x50];
	v19 =	vadd.f32 v14, v16  }
0x15a: {  	v13 =	vld [tilespmem:s16+$0x0]  }
0x15b: {  	v12 =	vld [tilespmem:s19+$0x80];
	v29 =	vmul.f32 $2.000000030e-01, v19  }
0x15c: {  	v11 =	vld [tilespmem:s23+$0x70]  }
0x15d: {  	v21 =	vld [tilespmem:s23+$0x60];
	v51 =	vmax.f32 v19, v29  }
0x15e: {  	v33 =	vld [tilespmem:s19+$0x70];
	v51 =	vmul.f32 $1.442695020e+00, v51;
	v58 =	vpop (erf)  }
0x15f: {  	v14 =	vld [tilespmem:s19+$0xFFFFFFC0];
	v42 =	vperm.xlane v58, v0;
	v17 =	vperm.xlane v58, v7  }
0x160: {  	v16 =	vld [tilespmem:s19+$0xFFFFFFD0];
	v43 =	vperm.xlane v58, v1;
	v44 =	vperm.xlane v58, v2;
	v20 =	vpop (erf)  }
0x161: {  	v10 =	vld [tilespmem:s19+$0xFFFFFF80];
	v59 =	vperm.xlane v20, v0;
	v22 =	vmul.f32 v11, v17;
	v17 =	vadd.f32 v13, v12  }
0x162: {  	v19 =	vld [tilespmem:s19+$0x0];
	v60 =	vperm.xlane v20, v1;
	v61 =	vperm.xlane v20, v2  }
0x163: {  	v8 =	vld [tilespmem:s23+$0x30];
	v45 =	vperm.xlane v20, v3;
	v27 =	vmul.f32 $2.000000030e-01, v17  }
0x164: {  	v9 =	vld [tilespmem:s19+$0xFFFFFF70];
	v46 =	vperm.xlane v20, v4;
	v47 =	vperm.xlane v20, v5  }
0x165: {  	v48 =	vperm.xlane v20, v6;
	v49 =	vperm.xlane v20, v7;
	[tilespmem:s23+$0xFFFFFFF0] =	vst v20;
	v20 =	vld [tilespmem:s19+$0x20];
	v28 =	vmax.f32 v17, v27  }
0x166: {  	v30 =	vperm.xlane v58, v5;
	v11 =	vld [tilespmem:s19+$0xFFFFFF90];
	v50 =	vmul.f32 $1.442695020e+00, v28  }
0x167: {  	v29 =	vperm.xlane v58, v6;
	v12 =	vld [tilespmem:s19+$0xFFFFFFA0];
	v32 =	vmul.f32 v39, v42  }
0x168: {  	v13 =	vld [tilespmem:s19+$0xFFFFFFB0];
	v35 =	vmul.f32 v40, v43;
	(erf) = vpow2.f32 v50  }
0x169: {  	[tilespmem:s23+$0x80] =	vst v58;
	v36 =	vmul.f32 v23, v59;
	v62 =	vmul.f32 v24, v60;
	v24 =	vld [tilespmem:s19+$0x30]  }
0x16a: {  	v63 =	vmul.f32 v25, v61;
	v23 =	vld [tilespmem:s19+$0x40];
	[tilespmem:s23+$0x70] =	vst v22;
	(erf) = vpow2.f32 v51  }
0x16b: {  	v45 =	vmul.f32 v26, v45;
	v37 =	vmul.f32 v31, v46;
	v25 =	vld [tilespmem:s19+$0x50];
	[tilespmem:s23+$0xFFFFFF70] =	vst v36  }
0x16c: {  	v38 =	vmul.f32 v55, v47;
	v34 =	vmul.f32 v56, v48;
	v26 =	vld [tilespmem:s19+$0x60];
	[tilespmem:s23+$0xFFFFFF80] =	vst v62  }
0x16d: {  	v22 =	vld [tilespmem:s19+$0x10];
	[tilespmem:s23+$0xFFFFFF90] =	vst v63;
	v27 =	vperm.xlane v58, v3;
	v28 =	vperm.xlane v58, v4  }
0x16e: {  	s17 =	simm.s32 $0x2;
	s9 =	simm.s32 $0x4B70;
	v31 =	vmul.f32 v41, v44;
	v36 =	vmul.f32 v57, v49;
	[tilespmem:s23+$0xFFFFFFA0] =	vst v45;
	v17 =	vld [tilespmem:s19+$0xFFFFFFE0]  }
.LBB2_7:
0x16f: {  	v39 =	vld [tilespmem:s9+$0x80];
	s16 =	sadd.s32 $0x20, s16;
	[tilespmem:s23+$0xFFFFFFB0] =	vst v37;
	v27 =	vmul.f32 v8, v27;
	v28 =	vmul.f32 v18, v28;
	v8 =	vmov v24  }
0x170: {  	s17 =	sadd.s32 $0x2, s17;
	v30 =	vmul.f32 v15, v30;
	v29 =	vmul.f32 v21, v29;
	v24 =	vld [tilespmem:s16+$0x0];
	[tilespmem:s23+$0xFFFFFFC0] =	vst v38;
	v18 =	vmov v23  }
0x171: {  	p1 =	slt.u32 s17, $0x3E;
	v23 =	vld [tilespmem:s16+$0xFFFFFFF0];
	v37 =	vpop (erf);
	[tilespmem:s23+$0xFFFFFFD0] =	vst v34;
	v15 =	vmov v25  }
0x172: {  	v25 =	vld [tilespmem:s9+$0xFFFFFFF0];
	v40 =	vperm.xlane v37, v0;
	v34 =	vperm.xlane v37, v7;
	[tilespmem:s23+$0xFFFFFFE0] =	vst v36;
	v21 =	vmov v26  }
0x173: {  	v41 =	vperm.xlane v37, v1;
	v42 =	vperm.xlane v37, v2;
	v26 =	vld [tilespmem:s9+$0xFFFFFF70];
	v36 =	vpop (erf);
	[tilespmem:s23+$0x0] =	vst v32  }
0x174: {  	v32 =	vld [tilespmem:s9+$0xFFFFFF80];
	v38 =	vperm.xlane v36, v0;
	v33 =	vmul.f32 v33, v34;
	[tilespmem:s23+$0x10] =	vst v35  }
0x175: {  	v35 =	vperm.xlane v36, v1;
	v34 =	vld [tilespmem:s9+$0xFFFFFF90];
	v24 =	vadd.f32 v24, v39;
	v39 =	vperm.xlane v36, v2;
	[tilespmem:s23+$0x20] =	vst v31  }
0x176: {  	v43 =	vperm.xlane v36, v3;
	v44 =	vperm.xlane v36, v4;
	v31 =	vld [tilespmem:s9+$0xFFFFFFA0];
	[tilespmem:s19+$0x70] =	vst v33  }
0x177: {  	v45 =	vperm.xlane v36, v5;
	v23 =	vadd.f32 v23, v25;
	v25 =	vld [tilespmem:s9+$0xFFFFFFB0];
	v33 =	vmul.f32 $2.000000030e-01, v24;
	[tilespmem:s23+$0x30] =	vst v27  }
0x178: {  	v47 =	vperm.xlane v36, v6;
	v48 =	vperm.xlane v36, v7;
	v46 =	vld [tilespmem:s9+$0xFFFFFFC0];
	[tilespmem:s23+$0x40] =	vst v28  }
0x179: {  	v27 =	vperm.xlane v37, v3;
	v49 =	vmul.f32 $2.000000030e-01, v23;
	v50 =	vld [tilespmem:s9+$0xFFFFFFD0];
	v24 =	vmax.f32 v24, v33;
	[tilespmem:s23+$0x50] =	vst v30  }
0x17a: {  	v28 =	vperm.xlane v37, v4;
	v33 =	vld [tilespmem:s9+$0xFFFFFFE0];
	v24 =	vmul.f32 $1.442695020e+00, v24;
	[tilespmem:s23+$0x60] =	vst v29;
	s23 =	smov.u32 s19;
	s19 =	smov.u32 s9  }
0x17b: {  	v30 =	vperm.xlane v37, v5;
	v29 =	vperm.xlane v37, v6;
	v23 =	vmax.f32 v23, v49;
	v49 =	vld [tilespmem:s9+$0x0];
	[tilespmem:s23+$0xFFFFFFF0] =	vst v36  }
0x17c: {  	v23 =	vmul.f32 $1.442695020e+00, v23;
	v51 =	vld [tilespmem:s9+$0x10];
	(erf) = vpow2.f32 v24;
	[tilespmem:s23+$0x80] =	vst v37  }
0x17d: {  	v35 =	vmul.f32 v10, v35;
	v10 =	vmovc v32;
	v36 =	vmul.f32 v9, v38;
	v9 =	vmov v26;
	v52 =	vld [tilespmem:s9+$0x20]  }
.Ltmp4:
0x17e: {  	v32 =	vmul.f32 v11, v39;
	v11 =	vmov v34;
	v24 =	vld [tilespmem:s9+$0x30];
	(erf) = vpow2.f32 v23;
	(pc) =	sbr.rel @p1 .LBB2_7-.Ltmp4, $4  }
0x17f: {  	v39 =	vmul.f32 v12, v43;
	v12 =	vmovc v31;
	v37 =	vmul.f32 v13, v44;
	v13 =	vmov v25;
	v23 =	vld [tilespmem:s9+$0x40];
	[tilespmem:s23+$0xFFFFFF70] =	vst v36  }
0x180: {  	v34 =	vmul.f32 v16, v47;
	v38 =	vmul.f32 v14, v45;
	v14 =	vmovc v46;
	v16 =	vmov v50;
	v25 =	vld [tilespmem:s9+$0x50];
	[tilespmem:s23+$0xFFFFFF80] =	vst v35  }
0x181: {  	v36 =	vmul.f32 v17, v48;
	v17 =	vmovc v33;
	v26 =	vld [tilespmem:s9+$0x60];
	[tilespmem:s23+$0xFFFFFF90] =	vst v32;
	v32 =	vmul.f32 v19, v40;
	v19 =	vmov v49  }
0x182: {  	v31 =	vmul.f32 v20, v42;
	v35 =	vmul.f32 v22, v41;
	s9 =	sadd.s32 $0x120, s9;
	v22 =	vmovc v51;
	v33 =	vld [tilespmem:s19+$0x70];
	[tilespmem:s23+$0xFFFFFFA0] =	vst v39;
	v20 =	vmov v52  }
0x183: {  	[tilespmem:s23+$0xFFFFFFB0] =	vst v37  }
0x184: {  	[tilespmem:s23+$0xFFFFFFC0] =	vst v38  }
0x185: {  	[tilespmem:s23+$0xFFFFFFD0] =	vst v34  }
0x186: {  	[tilespmem:s23+$0xFFFFFFE0] =	vst v36  }
0x187: {  	[tilespmem:s23+$0x0] =	vst v32  }
0x188: {  	v8 =	vmul.f32 v8, v27;
	[tilespmem:s23+$0x10] =	vst v35  }
0x189: {  	v18 =	vmul.f32 v18, v28;
	[tilespmem:s23+$0x20] =	vst v31  }
0x18a: {  	v15 =	vmul.f32 v15, v30;
	[tilespmem:s23+$0x30] =	vst v8  }
0x18b: {  	v54 =	vpop (erf);
	[tilespmem:s23+$0x40] =	vst v18  }
0x18c: {  	v8 =	vmul.f32 v21, v29;
	[tilespmem:s23+$0x50] =	vst v15;
	v55 =	vperm.xlane v54, v7;
	v21 =	vpop (erf)  }
0x18d: {  	[tilespmem:s19+$0x80] =	vst v54;
	v18 =	vperm.xlane v21, v0  }
0x18e: {  	[tilespmem:s23+$0x60] =	vst v8;
	v56 =	vmul.f32 v33, v55;
	v15 =	vperm.xlane v21, v1  }
0x18f: {  	v8 =	vperm.xlane v21, v2;
	[tilespmem:s19+$0xFFFFFFF0] =	vst v21;
	v9 =	vmul.f32 v9, v18  }
0x190: {  	[tilespmem:s19+$0x70] =	vst v56;
	v18 =	vperm.xlane v21, v3;
	v10 =	vmul.f32 v10, v15  }
0x191: {  	v15 =	vperm.xlane v21, v4;
	v8 =	vmul.f32 v11, v8;
	[tilespmem:s19+$0xFFFFFF70] =	vst v9  }
0x192: {  	v9 =	vperm.xlane v21, v5;
	v11 =	vmul.f32 v12, v18;
	[tilespmem:s19+$0xFFFFFF80] =	vst v10  }
0x193: {  	v10 =	vperm.xlane v21, v6;
	v12 =	vmul.f32 v13, v15;
	[tilespmem:s19+$0xFFFFFF90] =	vst v8  }
0x194: {  	v8 =	vperm.xlane v21, v7;
	v9 =	vmul.f32 v14, v9;
	[tilespmem:s19+$0xFFFFFFA0] =	vst v11  }
0x195: {  	v11 =	vperm.xlane v54, v0;
	v10 =	vmul.f32 v16, v10;
	[tilespmem:s19+$0xFFFFFFB0] =	vst v12  }
0x196: {  	v12 =	vperm.xlane v54, v1;
	v8 =	vmul.f32 v17, v8;
	[tilespmem:s19+$0xFFFFFFC0] =	vst v9  }
0x197: {  	v9 =	vperm.xlane v54, v2;
	v11 =	vmul.f32 v19, v11;
	[tilespmem:s19+$0xFFFFFFD0] =	vst v10  }
0x198: {  	v10 =	vperm.xlane v54, v3;
	v12 =	vmul.f32 v22, v12;
	[tilespmem:s19+$0xFFFFFFE0] =	vst v8  }
0x199: {  	v8 =	vperm.xlane v54, v4;
	v9 =	vmul.f32 v20, v9;
	[tilespmem:s19+$0x0] =	vst v11  }
0x19a: {  	v11 =	vperm.xlane v54, v5;
	v10 =	vmul.f32 v24, v10;
	[tilespmem:s19+$0x10] =	vst v12  }
0x19b: {  	v12 =	vperm.xlane v54, v6;
	v8 =	vmul.f32 v23, v8;
	[tilespmem:s19+$0x20] =	vst v9  }
0x19c: {  	v9 =	vmul.f32 v25, v11;
	[tilespmem:s19+$0x30] =	vst v10  }
0x19d: {  	v10 =	vmul.f32 v26, v12;
	[tilespmem:s19+$0x40] =	vst v8  }
0x19e: {  	[tilespmem:s19+$0x50] =	vst v9  }
0x19f: {  	[tilespmem:s19+$0x60] =	vst v10  }
0x1a0: {  	[spmem:s3] =	stream.indirect.scatter.add.f32 [tilespmem:s28], [sflag:$0x6], $0x90, s11, s31, $0xb8;
	[tilespmem:$0x1F6A0] =	vst v63  }
0x1a1: {  	v8 =	vld [tilespmem:$0x4800]  }
0x1a2: {  	v9 =	vld [tilespmem:$0x4810]  }
0x1a3: {  	v10 =	vld [tilespmem:$0x4820];
	_ =	sdelay $0x2  }
0x1a4: {  	[tilespmem:$0x4870] =	vst v8  }
0x1a5: {  	[tilespmem:$0x4880] =	vst v9  }
0x1a6: {  	s23 =	simm.s32 $0x6DB0;
	[tilespmem:$0x4890] =	vst v10  }
0x1a7: {  	s9 =	simm.s32 $0x8BB0;
	v8 =	vld [tilespmem:s23+$0x0]  }
0x1a8: {  	v9 =	vld [tilespmem:s9+$0x0]  }
0x1a9: {  	v10 =	vld [tilespmem:s9+$0xFFFFFFF0]  }
0x1aa: {  	v11 =	vld [tilespmem:s23+$0xFFFFFF70]  }
0x1ab: {  	v23 =	vld [tilespmem:s23+$0xFFFFFEF0]  }
0x1ac: {  	v24 =	vld [tilespmem:s23+$0xFFFFFF00]  }
0x1ad: {  	v25 =	vld [tilespmem:s23+$0xFFFFFF10]  }
0x1ae: {  	v26 =	vld [tilespmem:s23+$0xFFFFFF20];
	v8 =	vadd.f32 v9, v8  }
0x1af: {  	v31 =	vld [tilespmem:s23+$0xFFFFFF30]  }
0x1b0: {  	v32 =	vld [tilespmem:s23+$0xFFFFFF40];
	v9 =	vadd.f32 v10, v11;
	v10 =	vmul.f32 $2.000000030e-01, v8  }
0x1b1: {  	v57 =	vld [tilespmem:s23+$0xFFFFFF50]  }
0x1b2: {  	s16 =	simm.s32 $0x8BD0;
	v35 =	vld [tilespmem:s23+$0xFFFFFF60];
	v11 =	vmul.f32 $2.000000030e-01, v9;
	v8 =	vmax.f32 v8, v10  }
0x1b3: {  	s19 =	simm.s32 $0x6ED0;
	v14 =	vld [tilespmem:s16+$0xFFFFFFF0];
	v8 =	vmul.f32 $1.442695020e+00, v8  }
0x1b4: {  	v16 =	vld [tilespmem:s19+$0xFFFFFF70];
	v9 =	vmax.f32 v9, v11  }
0x1b5: {  	v39 =	vld [tilespmem:s23+$0xFFFFFF80];
	v9 =	vmul.f32 $1.442695020e+00, v9;
	(erf) = vpow2.f32 v8  }
0x1b6: {  	v40 =	vld [tilespmem:s23+$0xFFFFFF90]  }
0x1b7: {  	v41 =	vld [tilespmem:s23+$0xFFFFFFA0];
	(erf) = vpow2.f32 v9  }
0x1b8: {  	v18 =	vld [tilespmem:s23+$0xFFFFFFC0]  }
0x1b9: {  	v15 =	vld [tilespmem:s23+$0xFFFFFFD0];
	v19 =	vadd.f32 v14, v16  }
0x1ba: {  	v12 =	vld [tilespmem:s19+$0x0]  }
0x1bb: {  	v13 =	vld [tilespmem:s16+$0x0];
	v29 =	vmul.f32 $2.000000030e-01, v19  }
0x1bc: {  	v11 =	vld [tilespmem:s23+$0xFFFFFFF0]  }
0x1bd: {  	v21 =	vld [tilespmem:s23+$0xFFFFFFE0];
	v51 =	vmax.f32 v19, v29  }
0x1be: {  	v33 =	vld [tilespmem:s19+$0xFFFFFFF0];
	v51 =	vmul.f32 $1.442695020e+00, v51;
	v58 =	vpop (erf)  }
0x1bf: {  	v14 =	vld [tilespmem:s19+$0xFFFFFF40];
	v42 =	vperm.xlane v58, v0;
	v17 =	vperm.xlane v58, v7  }
0x1c0: {  	v16 =	vld [tilespmem:s19+$0xFFFFFF50];
	v43 =	vperm.xlane v58, v1;
	v44 =	vperm.xlane v58, v2;
	v20 =	vpop (erf)  }
0x1c1: {  	v10 =	vld [tilespmem:s19+$0xFFFFFF00];
	v59 =	vperm.xlane v20, v0;
	v22 =	vmul.f32 v11, v17;
	v17 =	vadd.f32 v13, v12  }
0x1c2: {  	v19 =	vld [tilespmem:s19+$0xFFFFFF80];
	v60 =	vperm.xlane v20, v1;
	v61 =	vperm.xlane v20, v2  }
0x1c3: {  	v8 =	vld [tilespmem:s23+$0xFFFFFFB0];
	v45 =	vperm.xlane v20, v3;
	v27 =	vmul.f32 $2.000000030e-01, v17  }
0x1c4: {  	v9 =	vld [tilespmem:s19+$0xFFFFFEF0];
	v46 =	vperm.xlane v20, v4;
	v47 =	vperm.xlane v20, v5  }
0x1c5: {  	v48 =	vperm.xlane v20, v6;
	v49 =	vperm.xlane v20, v7;
	[tilespmem:s23+$0xFFFFFF70] =	vst v20;
	v20 =	vld [tilespmem:s19+$0xFFFFFFA0];
	v28 =	vmax.f32 v17, v27  }
0x1c6: {  	v30 =	vperm.xlane v58, v5;
	v11 =	vld [tilespmem:s19+$0xFFFFFF10];
	v50 =	vmul.f32 $1.442695020e+00, v28  }
0x1c7: {  	v29 =	vperm.xlane v58, v6;
	v12 =	vld [tilespmem:s19+$0xFFFFFF20];
	v36 =	vmul.f32 v23, v59  }
0x1c8: {  	v13 =	vld [tilespmem:s19+$0xFFFFFF30];
	v62 =	vmul.f32 v24, v60;
	(erf) = vpow2.f32 v50  }
0x1c9: {  	[tilespmem:s23+$0x0] =	vst v58;
	v24 =	vld [tilespmem:s19+$0xFFFFFFB0];
	v63 =	vmul.f32 v25, v61;
	v45 =	vmul.f32 v26, v45  }
0x1ca: {  	v23 =	vld [tilespmem:s19+$0xFFFFFFC0];
	v37 =	vmul.f32 v31, v46;
	[tilespmem:s23+$0xFFFFFFF0] =	vst v22;
	(erf) = vpow2.f32 v51  }
0x1cb: {  	v25 =	vld [tilespmem:s19+$0xFFFFFFD0];
	v38 =	vmul.f32 v32, v47;
	v34 =	vmul.f32 v57, v48;
	[tilespmem:s23+$0xFFFFFEF0] =	vst v36  }
0x1cc: {  	v26 =	vld [tilespmem:s19+$0xFFFFFFE0];
	v32 =	vmul.f32 v39, v42;
	v31 =	vmul.f32 v41, v44;
	[tilespmem:s23+$0xFFFFFF00] =	vst v62  }
0x1cd: {  	v22 =	vld [tilespmem:s19+$0xFFFFFF90];
	[tilespmem:s23+$0xFFFFFF10] =	vst v63;
	v27 =	vperm.xlane v58, v3;
	v28 =	vperm.xlane v58, v4  }
0x1ce: {  	s17 =	simm.s32 $0x42;
	s9 =	simm.s32 $0x6FF0;
	v36 =	vmul.f32 v35, v49;
	[tilespmem:s23+$0xFFFFFF20] =	vst v45;
	v35 =	vmul.f32 v40, v43;
	v17 =	vld [tilespmem:s19+$0xFFFFFF60]  }
.LBB2_9:
0x1cf: {  	v39 =	vld [tilespmem:s9+$0x0];
	s16 =	sadd.s32 $0x20, s16;
	[tilespmem:s23+$0xFFFFFF30] =	vst v37;
	v27 =	vmul.f32 v8, v27;
	v28 =	vmul.f32 v18, v28;
	v8 =	vmov v24  }
0x1d0: {  	s17 =	sadd.s32 $0x2, s17;
	v30 =	vmul.f32 v15, v30;
	v29 =	vmul.f32 v21, v29;
	v24 =	vld [tilespmem:s16+$0x0];
	[tilespmem:s23+$0xFFFFFF40] =	vst v38;
	v18 =	vmov v23  }
0x1d1: {  	p1 =	slt.u32 s17, $0x6E;
	v23 =	vld [tilespmem:s16+$0xFFFFFFF0];
	v37 =	vpop (erf);
	[tilespmem:s23+$0xFFFFFF50] =	vst v34;
	v15 =	vmov v25  }
0x1d2: {  	v25 =	vld [tilespmem:s9+$0xFFFFFF70];
	v40 =	vperm.xlane v37, v0;
	v34 =	vperm.xlane v37, v7;
	[tilespmem:s23+$0xFFFFFF60] =	vst v36;
	v21 =	vmov v26  }
0x1d3: {  	v41 =	vperm.xlane v37, v1;
	v42 =	vperm.xlane v37, v2;
	v26 =	vld [tilespmem:s9+$0xFFFFFEF0];
	v36 =	vpop (erf);
	[tilespmem:s23+$0xFFFFFF80] =	vst v32  }
0x1d4: {  	v32 =	vld [tilespmem:s9+$0xFFFFFF00];
	v38 =	vperm.xlane v36, v0;
	v33 =	vmul.f32 v33, v34;
	[tilespmem:s23+$0xFFFFFF90] =	vst v35  }
0x1d5: {  	v35 =	vperm.xlane v36, v1;
	v34 =	vld [tilespmem:s9+$0xFFFFFF10];
	v24 =	vadd.f32 v24, v39;
	v39 =	vperm.xlane v36, v2;
	[tilespmem:s23+$0xFFFFFFA0] =	vst v31  }
0x1d6: {  	v43 =	vperm.xlane v36, v3;
	v44 =	vperm.xlane v36, v4;
	v31 =	vld [tilespmem:s9+$0xFFFFFF20];
	[tilespmem:s19+$0xFFFFFFF0] =	vst v33  }
0x1d7: {  	v45 =	vperm.xlane v36, v5;
	v23 =	vadd.f32 v23, v25;
	v25 =	vld [tilespmem:s9+$0xFFFFFF30];
	v33 =	vmul.f32 $2.000000030e-01, v24;
	[tilespmem:s23+$0xFFFFFFB0] =	vst v27  }
0x1d8: {  	v47 =	vperm.xlane v36, v6;
	v48 =	vperm.xlane v36, v7;
	v46 =	vld [tilespmem:s9+$0xFFFFFF40];
	[tilespmem:s23+$0xFFFFFFC0] =	vst v28  }
0x1d9: {  	v27 =	vperm.xlane v37, v3;
	v49 =	vmul.f32 $2.000000030e-01, v23;
	v50 =	vld [tilespmem:s9+$0xFFFFFF50];
	v24 =	vmax.f32 v24, v33;
	[tilespmem:s23+$0xFFFFFFD0] =	vst v30  }
0x1da: {  	v28 =	vperm.xlane v37, v4;
	v33 =	vld [tilespmem:s9+$0xFFFFFF60];
	v24 =	vmul.f32 $1.442695020e+00, v24;
	[tilespmem:s23+$0xFFFFFFE0] =	vst v29;
	s23 =	smov.u32 s19;
	s19 =	smov.u32 s9  }
0x1db: {  	v30 =	vperm.xlane v37, v5;
	v29 =	vperm.xlane v37, v6;
	v23 =	vmax.f32 v23, v49;
	v49 =	vld [tilespmem:s9+$0xFFFFFF80];
	[tilespmem:s23+$0xFFFFFF70] =	vst v36  }
0x1dc: {  	v23 =	vmul.f32 $1.442695020e+00, v23;
	v51 =	vld [tilespmem:s9+$0xFFFFFF90];
	(erf) = vpow2.f32 v24;
	[tilespmem:s23+$0x0] =	vst v37  }
0x1dd: {  	v35 =	vmul.f32 v10, v35;
	v10 =	vmovc v32;
	v36 =	vmul.f32 v9, v38;
	v9 =	vmov v26;
	v52 =	vld [tilespmem:s9+$0xFFFFFFA0]  }
.Ltmp5:
0x1de: {  	v32 =	vmul.f32 v11, v39;
	v11 =	vmov v34;
	v24 =	vld [tilespmem:s9+$0xFFFFFFB0];
	(erf) = vpow2.f32 v23;
	(pc) =	sbr.rel @p1 .LBB2_9-.Ltmp5, $4  }
0x1df: {  	v39 =	vmul.f32 v12, v43;
	v12 =	vmovc v31;
	v37 =	vmul.f32 v13, v44;
	v13 =	vmov v25;
	v23 =	vld [tilespmem:s9+$0xFFFFFFC0];
	[tilespmem:s23+$0xFFFFFEF0] =	vst v36  }
0x1e0: {  	v34 =	vmul.f32 v16, v47;
	v38 =	vmul.f32 v14, v45;
	v14 =	vmovc v46;
	v16 =	vmov v50;
	v25 =	vld [tilespmem:s9+$0xFFFFFFD0];
	[tilespmem:s23+$0xFFFFFF00] =	vst v35  }
0x1e1: {  	v36 =	vmul.f32 v17, v48;
	v17 =	vmovc v33;
	v26 =	vld [tilespmem:s9+$0xFFFFFFE0];
	[tilespmem:s23+$0xFFFFFF10] =	vst v32;
	v32 =	vmul.f32 v19, v40;
	v19 =	vmov v49  }
0x1e2: {  	v31 =	vmul.f32 v20, v42;
	v35 =	vmul.f32 v22, v41;
	s9 =	sadd.s32 $0x120, s9;
	v22 =	vmovc v51;
	v33 =	vld [tilespmem:s19+$0xFFFFFFF0];
	[tilespmem:s23+$0xFFFFFF20] =	vst v39;
	v20 =	vmov v52  }
0x1e3: {  	[tilespmem:s23+$0xFFFFFF30] =	vst v37  }
0x1e4: {  	[tilespmem:s23+$0xFFFFFF40] =	vst v38  }
0x1e5: {  	[tilespmem:s23+$0xFFFFFF50] =	vst v34  }
0x1e6: {  	[tilespmem:s23+$0xFFFFFF60] =	vst v36  }
0x1e7: {  	[tilespmem:s23+$0xFFFFFF80] =	vst v32  }
0x1e8: {  	v8 =	vmul.f32 v8, v27;
	[tilespmem:s23+$0xFFFFFF90] =	vst v35  }
0x1e9: {  	v18 =	vmul.f32 v18, v28;
	[tilespmem:s23+$0xFFFFFFA0] =	vst v31  }
0x1ea: {  	v15 =	vmul.f32 v15, v30;
	[tilespmem:s23+$0xFFFFFFB0] =	vst v8  }
0x1eb: {  	v44 =	vpop (erf);
	[tilespmem:s23+$0xFFFFFFC0] =	vst v18  }
0x1ec: {  	v8 =	vmul.f32 v21, v29;
	[tilespmem:s23+$0xFFFFFFD0] =	vst v15;
	v45 =	vperm.xlane v44, v7  }
0x1ed: {  	[tilespmem:s19+$0x0] =	vst v44;
	v60 =	vperm.xlane v44, v5  }
0x1ee: {  	v61 =	vperm.xlane v44, v6;
	v47 =	vpop (erf);
	[tilespmem:s23+$0xFFFFFFE0] =	vst v8;
	v46 =	vmul.f32 v33, v45  }
0x1ef: {  	v48 =	vperm.xlane v47, v0;
	[tilespmem:s19+$0xFFFFFF70] =	vst v47;
	v62 =	vmul.f32 v25, v60  }
0x1f0: {  	v49 =	vperm.xlane v47, v1;
	v63 =	vmul.f32 v26, v61;
	[tilespmem:s19+$0xFFFFFFF0] =	vst v46  }
0x1f1: {  	v8 =	vperm.xlane v47, v2;
	v9 =	vmul.f32 v9, v48;
	[tilespmem:s19+$0xFFFFFFD0] =	vst v62  }
0x1f2: {  	v50 =	vperm.xlane v47, v3;
	v10 =	vmul.f32 v10, v49;
	[tilespmem:s19+$0xFFFFFFE0] =	vst v63  }
0x1f3: {  	v51 =	vperm.xlane v47, v4;
	v8 =	vmul.f32 v11, v8;
	[tilespmem:s19+$0xFFFFFEF0] =	vst v9  }
0x1f4: {  	v56 =	vperm.xlane v44, v0;
	v53 =	vmul.f32 v12, v50;
	[tilespmem:s19+$0xFFFFFF00] =	vst v10  }
0x1f5: {  	v57 =	vperm.xlane v44, v1;
	v55 =	vmul.f32 v13, v51;
	[tilespmem:s19+$0xFFFFFF10] =	vst v8  }
0x1f6: {  	v52 =	vperm.xlane v47, v5;
	v11 =	vmul.f32 v19, v56;
	[tilespmem:s19+$0xFFFFFF20] =	vst v53  }
0x1f7: {  	v12 =	vmul.f32 v22, v57;
	v8 =	vperm.xlane v47, v7;
	[tilespmem:s19+$0xFFFFFF30] =	vst v55  }
0x1f8: {  	v54 =	vperm.xlane v47, v6;
	v9 =	vmul.f32 v14, v52;
	[tilespmem:s19+$0xFFFFFF80] =	vst v11  }
0x1f9: {  	v58 =	vperm.xlane v44, v2;
	[tilespmem:s19+$0xFFFFFF90] =	vst v12;
	v8 =	vmul.f32 v17, v8  }
0x1fa: {  	v59 =	vperm.xlane v44, v3;
	v10 =	vmul.f32 v16, v54;
	[tilespmem:s19+$0xFFFFFF40] =	vst v9  }
0x1fb: {  	v9 =	vmul.f32 v20, v58;
	[tilespmem:s19+$0xFFFFFF60] =	vst v8;
	v8 =	vperm.xlane v44, v4  }
.Ltmp6:
0x1fc: {  	[tilespmem:s19+$0xFFFFFF50] =	vst v10;
	v10 =	vmul.f32 v24, v59;
	(pc) =	sbr.rel @p0 .LBB2_12-.Ltmp6, $4  }
0x1fd: {  	[tilespmem:s19+$0xFFFFFFA0] =	vst v9;
	v8 =	vmul.f32 v23, v8  }
0x1fe: {  	[tilespmem:s19+$0xFFFFFFB0] =	vst v10  }
0x1ff: {  	[tilespmem:s19+$0xFFFFFFC0] =	vst v8  }
0x200: {  	[spmem:s3] =	stream.indirect.scatter.add.f32 [tilespmem:s13], [sflag:$0x6], $0x90, s12, s1, $0xb8;
	[tilespmem:$0x1F6A0] =	vst v63  }
0x201: {  	s9 =	smul.u32 $0xE0, s18;
	_ =	sdelay $0x1  }
0x202: {  	s9 =	sadd.s32 s9, s15  }
.Ltmp7:
0x203: {  	s9 =	sshrl.u32 s9, $0x3;
	(pc) =	sbr.rel .LBB2_2-.Ltmp7, $4  }
0x204: {  	s16 =	sadd.s32 s7, s9  }
0x205: {  	[tilespmem:s21], [sflag:$0x4] =	stream.linear.gather [hbm4b:s16+s4], $0x70, $0x38;
	[tilespmem:$0x1F6A0] =	vst v63  }
0x206: {  	s18 =	sadd.s32 $0x1, s18;
	s9 =	sadd.s32 s2, s9  }
0x207: {  	[tilespmem:s22], [sflag:$0x4] =	stream.linear.gather [hbm4b:s9+s4], $0x70, $0x38;
	[tilespmem:$0x1F6A0] =	vst v63  }
.LBB2_13:
0x208: {  	_ =	sfence.sel $0x180000  }
0x209: {  	[bflag:$0x0] =	sbarrier.arrive $0xFFFF  }
0x20a: {  	_ =	strace $0x90000047  }
0x20b: {  	s0 =	stileid.u32;
	[bflag:$0x2] =	sbarrier.arrive $0xFFFF  }
0x20c: {  	p0 =	sne.s32 s0, $0x0;
	s0 =	rddreg [dreg:$0x3]  }
0x20d: {  	s0 =	sadd.s32 @!p0 $0x100000, s0  }
0x20e: {  	[sflag:s0] =	ssyncadd.tile.s32 @!p0 $0x1;
	_ =	shalt  }
.Lfunc_end2:
_tile_overlayer_lowered:
.L_overlay_start_2:
0x20f: {  	(tag) =	ssettag $0x2  }
0x210: {  	s0 =	rddreg [dreg:$0x0];
	s2 =	stileid.u32  }
0x211: {  	s1 =	rddreg [dreg:$0x1];
	p0 =	sne.s32 s2, $0x0  }
0x212: {  	s3 =	rddreg [dreg:$0x2];
	[bflag:$0x3] =	sbarrier.arrive $0xFFFF;
	s2 =	simm.s32 @!p0 $0x1C07  }
0x213: {  	[timem:s3], [sflag:s2] =	dma.local @!p0 [hbm:s0], s1  }
0x214: {  	s0 =	simm.s32 @!p0 $0x7  }
0x215: {  	_ =	swait.ge @!p0 [sflag:s0], s1  }
0x216: {  	s1 =	ssub.s32 @!p0 $0x0, s1;
	[sflag:s0] =	ssyncset.done @!p0 $0x0  }
0x217: {  	[sflag:s0] =	ssyncadd.s32 @!p0 s1  }
0x218: {  	[bflag:$0x3] =	sbarrier.arrive $0xFFFF  }
0x219: {  	_ =	shalt  }

</sc_bundles>
